<compile_context>
chip_gen: v7x
topology: tpu7x:2x2x1
jax: 0.10.2.dev20260603
libtpu: 0.0.44.dev20260713+nightly
codegen_flags: <defaults>
</compile_context>

<pallas_src>
import functools

import jax
import jax.numpy as jnp
from jax import lax
from jax.experimental import pallas as pl
from jax.experimental.pallas import tpu as pltpu
from jax.experimental.pallas import tpu_sc as plsc

N_INPUT = 1000
N_HIDDEN = 64
N_LATENT = 32
B = 1024

NC = 2
NS = 16
NW = NC * NS
EPW = B // NW
NCHUNK = N_HIDDEN // 16
NLANE = 16


def _mask_kernel(m_ref, x_ref, xl_ref):
    m = m_ref[...]
    cols = jax.lax.broadcasted_iota(jnp.int32, (B, N_INPUT), 1)
    hit = jnp.any(m == cols, axis=0, keepdims=True)
    keep = jnp.where(hit, 0.0, 1.0).astype(jnp.float32)
    xl_ref[...] = jnp.log1p(x_ref[...] * keep)


def _masked_log1p(x, mi):
    return pl.pallas_call(
        _mask_kernel,
        out_shape=jax.ShapeDtypeStruct((B, N_INPUT), jnp.float32),
    )(mi.reshape(B, 1), x)


def _sc_gmv_body(mi_hbm, table_hbm, xl_hbm, h16_hbm,
                 m_v, xl_v, abuf, hb2):
    wid = lax.axis_index("s") * NC + lax.axis_index("c")
    base = wid * EPW
    pltpu.sync_copy(mi_hbm.at[pl.ds(base, EPW)], m_v.at[pl.ds(0, EPW)])
    pltpu.sync_copy(xl_hbm.at[pl.ds(base, EPW)], xl_v)

    lane = lax.iota(jnp.int32, 16)

    def example_body(e, carry):
        g = m_v[pl.ds(e, 16)][0]
        for jc in range(NCHUNK):
            pltpu.sync_copy(table_hbm.at[g, jc], abuf.at[jc])

            def kc_body(kc, accs):
                xlc = xl_v[e, pl.ds(kc * 16, 16)]
                return tuple(
                    accs[j] + abuf[jc, j, pl.ds(kc * 16, 16)] * xlc
                    for j in range(16))

            accs = lax.fori_loop(
                0, 62, kc_body,
                tuple(jnp.zeros((16,), jnp.float32) for _ in range(16)),
                unroll=2)
            xlt = jnp.where(lane >= 8, xl_v[e, pl.ds(984, 16)], 0.0)
            accs = tuple(accs[j] + abuf[jc, j, pl.ds(984, 16)] * xlt
                         for j in range(16))

            for j in range(16):
                hb2[jc * 16 + j, :] = accs[j]

        pltpu.sync_copy(hb2, h16_hbm.at[base + e])
        return carry

    lax.fori_loop(0, EPW, example_body, 0, unroll=False)


def _gather_matvec(mi, table4, xl):
    mesh = plsc.VectorSubcoreMesh(core_axis_name="c", subcore_axis_name="s",
                                  num_cores=NC, num_subcores=NS)
    run = functools.partial(
        pl.kernel,
        out_type=jax.ShapeDtypeStruct((B, N_HIDDEN, NLANE), jnp.float32),
        mesh=mesh,
        compiler_params=pltpu.CompilerParams(use_tc_tiling_on_sc=False),
        scratch_types=[
            pltpu.VMEM((EPW + 16, ), jnp.int32),
            pltpu.VMEM((EPW, N_INPUT), jnp.float32),
            pltpu.VMEM((NCHUNK, 16, N_INPUT), jnp.float32),
            pltpu.VMEM((N_HIDDEN, NLANE), jnp.float32),
        ],
    )(_sc_gmv_body)
    return run(mi, table4, xl)


def _tail_kernel(m_ref, h16_ref, bt_ref, W1_ref, b1_ref, ls_ref, lb_ref,
                 W3_ref, b3_ref, W4_ref, b4_ref, mean_ref, scale_ref):
    rrows = jax.lax.broadcasted_iota(jnp.int32, (N_HIDDEN * NLANE, N_HIDDEN), 0)
    rcols = jax.lax.broadcasted_iota(jnp.int32, (N_HIDDEN * NLANE, N_HIDDEN), 1)
    R = (rrows // NLANE == rcols).astype(jnp.float32)
    h = jnp.dot(h16_ref[...], R, preferred_element_type=jnp.float32)
    cols = jax.lax.broadcasted_iota(jnp.int32, (B, N_INPUT), 1)
    oh = (m_ref[...] == cols).astype(jnp.float32)
    bv = jnp.dot(oh, bt_ref[...], preferred_element_type=jnp.float32)
    h = h + bv
    z = jnp.dot(h, W1_ref[...], preferred_element_type=jnp.float32) + b1_ref[...]
    mu = jnp.mean(z, axis=1, keepdims=True)
    var = jnp.mean((z - mu) ** 2, axis=1, keepdims=True)
    z = (z - mu) * jax.lax.rsqrt(var + 1e-6) * ls_ref[...] + lb_ref[...]
    z = jnp.maximum(z, 0.0)
    mean_ref[...] = jnp.dot(z, W3_ref[...], preferred_element_type=jnp.float32) + b3_ref[...]
    lv = jnp.dot(z, W4_ref[...], preferred_element_type=jnp.float32) + b4_ref[...]
    scale_ref[...] = jnp.exp(lv)


def _tail(mi, h16, bvecs_table, W1, b1, ln_scale, ln_bias, W3, b3, W4, b4):
    return pl.pallas_call(
        _tail_kernel,
        out_shape=(jax.ShapeDtypeStruct((B, N_LATENT), jnp.float32),
                   jax.ShapeDtypeStruct((B, N_LATENT), jnp.float32)),
    )(mi.reshape(B, 1), h16, bvecs_table, W1, b1.reshape(1, N_HIDDEN),
      ln_scale.reshape(1, N_HIDDEN), ln_bias.reshape(1, N_HIDDEN),
      W3, b3.reshape(1, N_LATENT), W4, b4.reshape(1, N_LATENT))


def kernel(x, masked_genes, amats_table, bvecs_table, W1, b1, ln_scale,
           ln_bias, W3, b3, W4, b4):
    mi = masked_genes.astype(jnp.int32)
    xl = _masked_log1p(x, mi)
    table4 = amats_table.reshape(N_INPUT, NCHUNK, 16, N_INPUT)
    h16 = _gather_matvec(mi, table4, xl)
    return _tail(mi, h16.reshape(B, N_HIDDEN * NLANE), bvecs_table, W1, b1,
                 ln_scale, ln_bias, W3, b3, W4, b4)

# --- scband reference (transcript-rebuilt; emitter-appended) ---
"""Pipeline reference for scband-gibbs-encoder-20461224198819 (READ-ONLY COPY).

The authoritative reference and input builder live on the scoring server;
editing this copy changes nothing except your own understanding.
"""

import jax, jax.numpy as jnp
import numpy as np

N_INPUT = 1000
N_HIDDEN = 64
N_LATENT = 32
B = 1024


def setup_inputs(seed: int = 0) -> dict:
    key = jax.random.key(seed)
    ks = jax.random.split(key, 12)
    x = jax.random.uniform(ks[0], (B, N_INPUT), dtype=jnp.float32)
    masked_genes = jax.random.randint(ks[1], (B,), 0, N_INPUT, dtype=jnp.int64)
    amats_table = jax.random.normal(ks[2], (N_INPUT, N_INPUT * N_HIDDEN), dtype=jnp.float32) * 0.02
    bvecs_table = jax.random.normal(ks[3], (N_INPUT, N_HIDDEN), dtype=jnp.float32) * 0.02
    W1 = jax.random.normal(ks[4], (N_HIDDEN, N_HIDDEN), dtype=jnp.float32) * 0.05
    b1 = jnp.zeros((N_HIDDEN,), dtype=jnp.float32)
    ln_scale = jnp.ones((N_HIDDEN,), dtype=jnp.float32)
    ln_bias = jnp.zeros((N_HIDDEN,), dtype=jnp.float32)
    W3 = jax.random.normal(ks[5], (N_HIDDEN, N_LATENT), dtype=jnp.float32) * 0.05
    b3 = jnp.zeros((N_LATENT,), dtype=jnp.float32)
    W4 = jax.random.normal(ks[6], (N_HIDDEN, N_LATENT), dtype=jnp.float32) * 0.01
    b4 = jnp.zeros((N_LATENT,), dtype=jnp.float32)
    return {"x": x, "masked_genes": masked_genes, "amats_table": amats_table,
            "bvecs_table": bvecs_table, "W1": W1, "b1": b1, "ln_scale": ln_scale,
            "ln_bias": ln_bias, "W3": W3, "b3": b3, "W4": W4, "b4": b4}


def reference(x, masked_genes, amats_table, bvecs_table, W1, b1, ln_scale, ln_bias, W3, b3, W4, b4):
    m = masked_genes.astype(jnp.int32)
    # zero masked columns (note: original zeroes these columns for ALL rows)
    x_ = x.at[:, m].set(0.0)
    masks_oh = jax.nn.one_hot(m, N_INPUT, dtype=x.dtype)
    x_ = (1.0 - masks_oh) * x_
    x_ = jnp.log1p(x_)
    # per-gene weight matrix lookup (the big gather)
    amats = jnp.take(amats_table, m, axis=0).reshape((x.shape[0], N_HIDDEN, N_INPUT))
    bvecs = jnp.take(bvecs_table, m, axis=0)
    h = jnp.einsum('ijk,ik->ij', amats, x_)
    h = h + bvecs
    h = h @ W1 + b1
    mu = jnp.mean(h, axis=-1, keepdims=True)
    var = jnp.var(h, axis=-1, keepdims=True)
    h = (h - mu) / jnp.sqrt(var + 1e-6) * ln_scale + ln_bias
    h = jax.nn.relu(h)
    mean = h @ W3 + b3
    log_var = h @ W4 + b4
    # dist.Normal(mean, exp(log_var)) -> return (loc, scale)
    return (mean, jnp.exp(log_var))

if __name__ == "__main__":
    import jax
    _d = setup_inputs()
    print(jax.jit(kernel)(*tuple(_d.values())))

</pallas_src>

<mosaic_0001>
#map = affine_map<(d0, d1) -> (0)>
#map1 = affine_map<(d0, d1) -> (0, 0, 0, 0)>
#map2 = affine_map<(d0, d1) -> (0, 0)>
#map3 = affine_map<(d0, d1) -> (0, 0, 0)>
module attributes {stable_mosaic.version = 14 : i64} {
  func.func @_sc_gmv_body(%arg0: i32, %arg1: i32, %arg2: memref<1024xi32, #tpu.memory_space<hbm>>, %arg3: memref<1000x4x16x1000xf32, #tpu.memory_space<hbm>>, %arg4: memref<1024x1000xf32, #tpu.memory_space<hbm>>, %arg5: memref<1024x64x16xf32, #tpu.memory_space<hbm>>, %arg6: memref<48xi32, #tpu.memory_space<vmem>>, %arg7: memref<32x1000xf32, #tpu.memory_space<vmem>>, %arg8: memref<4x16x1000xf32, #tpu.memory_space<vmem>>, %arg9: memref<64x16xf32, #tpu.memory_space<vmem>>) attributes {dimension_semantics = [#tpu.dimension_semantics<core_parallel>, #tpu.dimension_semantics<subcore_parallel>], iteration_bounds = array<i64: 2, 16>, scalar_prefetch = 0 : i64, scratch_operands = 4 : i64, tpu.core_type = #tpu.core_type<sc_vector_subcore>, window_params = [{transform_indices = #map}, {transform_indices = #map1}, {transform_indices = #map2}, {transform_indices = #map3}]} {
    %mul3A = arith.constant 2 : i32
    %mul3A_0 = arith.muli %arg1, %mul3A : i32
    %add3A = arith.addi %mul3A_0, %arg0 : i32
    %mul3A_1 = arith.constant 32 : i32
    %mul3A_2 = arith.muli %add3A, %mul3A_1 : i32
    "tpu.region"() ({
      %run_scoped3A = tpu.sem_alloc : memref<!tpu.dma_semaphore, #tpu.memory_space<semaphore_mem>>
      %dma_start3A = arith.constant 0 : i32
      %dma_start3A_8 = tpu.memref_slice %arg6[%dma_start3A] : memref<48xi32, #tpu.memory_space<vmem>> -> memref<32xi32, #tpu.memory_space<vmem>>
      %dma_start3A_9 = tpu.memref_slice %arg2[%mul3A_2] : memref<1024xi32, #tpu.memory_space<hbm>> -> memref<32xi32, #tpu.memory_space<hbm>>
      %dma_start3A_10 = arith.constant 0 : i32
      %dma_start3A_11 = tpu.memref_slice %arg6[%dma_start3A_10] : memref<48xi32, #tpu.memory_space<vmem>> -> memref<32xi32, #tpu.memory_space<vmem>>
      %dma_start3A_12 = tpu.memref_slice %arg2[%mul3A_2] : memref<1024xi32, #tpu.memory_space<hbm>> -> memref<32xi32, #tpu.memory_space<hbm>>
      tpu.enqueue_dma source(%dma_start3A_12 : memref<32xi32, #tpu.memory_space<hbm>>) target(%dma_start3A_11 : memref<32xi32, #tpu.memory_space<vmem>>) target_semaphore(%run_scoped3A : memref<!tpu.dma_semaphore, #tpu.memory_space<semaphore_mem>>)
      %dma_wait3A = arith.constant 0 : i32
      %dma_wait3A_13 = tpu.memref_slice %arg6[%dma_wait3A] : memref<48xi32, #tpu.memory_space<vmem>> -> memref<32xi32, #tpu.memory_space<vmem>>
      %dma_wait3A_14 = tpu.memref_slice %arg2[%mul3A_2] : memref<1024xi32, #tpu.memory_space<hbm>> -> memref<32xi32, #tpu.memory_space<hbm>>
      %dma_wait3A_15 = arith.constant 0 : i32
      %dma_wait3A_16 = tpu.memref_slice %arg6[%dma_wait3A_15] : memref<48xi32, #tpu.memory_space<vmem>> -> memref<32xi32, #tpu.memory_space<vmem>>
      %dma_wait3A_17 = tpu.memref_slice %arg2[%mul3A_2] : memref<1024xi32, #tpu.memory_space<hbm>> -> memref<32xi32, #tpu.memory_space<hbm>>
      tpu.wait_dma2 semaphore(%run_scoped3A : memref<!tpu.dma_semaphore, #tpu.memory_space<semaphore_mem>>) src(%dma_wait3A_17 : memref<32xi32, #tpu.memory_space<hbm>>) dst(%dma_wait3A_16 : memref<32xi32, #tpu.memory_space<vmem>>)
      tpu.yield
    }) : () -> ()
    "tpu.region"() ({
      %run_scoped3A = tpu.sem_alloc : memref<!tpu.dma_semaphore, #tpu.memory_space<semaphore_mem>>
      %dma_start3A = arith.constant 0 : i32
      %dma_start3A_8 = tpu.memref_slice %arg4[%mul3A_2, %dma_start3A] : memref<1024x1000xf32, #tpu.memory_space<hbm>> -> memref<32x1000xf32, #tpu.memory_space<hbm>>
      %dma_start3A_9 = arith.constant 0 : i32
      %dma_start3A_10 = tpu.memref_slice %arg4[%mul3A_2, %dma_start3A_9] : memref<1024x1000xf32, #tpu.memory_space<hbm>> -> memref<32x1000xf32, #tpu.memory_space<hbm>>
      tpu.enqueue_dma source(%dma_start3A_10 : memref<32x1000xf32, #tpu.memory_space<hbm>>) target(%arg7 : memref<32x1000xf32, #tpu.memory_space<vmem>>) target_semaphore(%run_scoped3A : memref<!tpu.dma_semaphore, #tpu.memory_space<semaphore_mem>>)
      %dma_wait3A = arith.constant 0 : i32
      %dma_wait3A_11 = tpu.memref_slice %arg4[%mul3A_2, %dma_wait3A] : memref<1024x1000xf32, #tpu.memory_space<hbm>> -> memref<32x1000xf32, #tpu.memory_space<hbm>>
      %dma_wait3A_12 = arith.constant 0 : i32
      %dma_wait3A_13 = tpu.memref_slice %arg4[%mul3A_2, %dma_wait3A_12] : memref<1024x1000xf32, #tpu.memory_space<hbm>> -> memref<32x1000xf32, #tpu.memory_space<hbm>>
      tpu.wait_dma2 semaphore(%run_scoped3A : memref<!tpu.dma_semaphore, #tpu.memory_space<semaphore_mem>>) src(%dma_wait3A_13 : memref<32x1000xf32, #tpu.memory_space<hbm>>) dst(%arg7 : memref<32x1000xf32, #tpu.memory_space<vmem>>)
      tpu.yield
    }) : () -> ()
    %iota3A = tpu.iota {dimensions = array<i32: 0>} : vector<16xi32>
    %scan3A = arith.constant 0 : i32
    %scan3A_3 = arith.constant 0 : i32
    %scan3A_4 = arith.constant 32 : i32
    %scan3A_5 = arith.addi %scan3A_3, %scan3A_4 : i32
    %scan3A_6 = arith.constant 1 : i32
    scf.for %scan3A_8 = %scan3A_3 to %scan3A_5 step %scan3A_6  : i32 {
      %get3A = arith.index_cast %scan3A_8 : i32 to index
      %get3A_9 = tpu.vector_load %arg6[%get3A] {strides = array<i32>} : memref<48xi32, #tpu.memory_space<vmem>>, vector<16xi32>,
      %get3A_10 = vector.shape_cast %get3A_9 : vector<16xi32> to vector<16xi32>
      %slice3A = vector.extract_strided_slice %get3A_10 {offsets = [0], sizes = [1], strides = [1]} : vector<16xi32> to vector<1xi32>
      %squeeze3A = vector.extract %slice3A[0] : i32 from vector<1xi32>
      %run_scoped3A = arith.constant 0 : i32
      %run_scoped3A_11 = arith.constant 0 : i32
      "tpu.region"() ({
        %run_scoped3A_1166 = tpu.sem_alloc : memref<!tpu.dma_semaphore, #tpu.memory_space<semaphore_mem>>
        %dma_start3A = arith.constant 0 : i32
        %dma_start3A_1167 = arith.constant 0 : i32
        %dma_start3A_1168 = tpu.memref_slice %arg8[%run_scoped3A_11, %dma_start3A, %dma_start3A_1167] : memref<4x16x1000xf32, #tpu.memory_space<vmem>> -> memref<1x16x1000xf32, #tpu.memory_space<vmem>>
        %dma_start3A_1169 = tpu.memref_squeeze %dma_start3A_1168 : memref<1x16x1000xf32, #tpu.memory_space<vmem>> -> memref<16x1000xf32, #tpu.memory_space<vmem>>
        %dma_start3A_1170 = arith.constant 0 : i32
        %dma_start3A_1171 = arith.constant 0 : i32
        %dma_start3A_1172 = tpu.memref_slice %arg3[%squeeze3A, %run_scoped3A, %dma_start3A_1170, %dma_start3A_1171] : memref<1000x4x16x1000xf32, #tpu.memory_space<hbm>> -> memref<1x1x16x1000xf32, #tpu.memory_space<hbm>>
        %dma_start3A_1173 = tpu.memref_squeeze %dma_start3A_1172 : memref<1x1x16x1000xf32, #tpu.memory_space<hbm>> -> memref<16x1000xf32, #tpu.memory_space<hbm>>
        %dma_start3A_1174 = arith.constant 0 : i32
        %dma_start3A_1175 = arith.constant 0 : i32
        %dma_start3A_1176 = tpu.memref_slice %arg8[%run_scoped3A_11, %dma_start3A_1174, %dma_start3A_1175] : memref<4x16x1000xf32, #tpu.memory_space<vmem>> -> memref<1x16x1000xf32, #tpu.memory_space<vmem>>
        %dma_start3A_1177 = tpu.memref_squeeze %dma_start3A_1176 : memref<1x16x1000xf32, #tpu.memory_space<vmem>> -> memref<16x1000xf32, #tpu.memory_space<vmem>>
        %dma_start3A_1178 = arith.constant 0 : i32
        %dma_start3A_1179 = arith.constant 0 : i32
        %dma_start3A_1180 = tpu.memref_slice %arg3[%squeeze3A, %run_scoped3A, %dma_start3A_1178, %dma_start3A_1179] : memref<1000x4x16x1000xf32, #tpu.memory_space<hbm>> -> memref<1x1x16x1000xf32, #tpu.memory_space<hbm>>
        %dma_start3A_1181 = tpu.memref_squeeze %dma_start3A_1180 : memref<1x1x16x1000xf32, #tpu.memory_space<hbm>> -> memref<16x1000xf32, #tpu.memory_space<hbm>>
        tpu.enqueue_dma source(%dma_start3A_1181 : memref<16x1000xf32, #tpu.memory_space<hbm>>) target(%dma_start3A_1177 : memref<16x1000xf32, #tpu.memory_space<vmem>>) target_semaphore(%run_scoped3A_1166 : memref<!tpu.dma_semaphore, #tpu.memory_space<semaphore_mem>>)
        %dma_wait3A = arith.constant 0 : i32
        %dma_wait3A_1182 = arith.constant 0 : i32
        %dma_wait3A_1183 = tpu.memref_slice %arg8[%run_scoped3A_11, %dma_wait3A, %dma_wait3A_1182] : memref<4x16x1000xf32, #tpu.memory_space<vmem>> -> memref<1x16x1000xf32, #tpu.memory_space<vmem>>
        %dma_wait3A_1184 = tpu.memref_squeeze %dma_wait3A_1183 : memref<1x16x1000xf32, #tpu.memory_space<vmem>> -> memref<16x1000xf32, #tpu.memory_space<vmem>>
        %dma_wait3A_1185 = arith.constant 0 : i32
        %dma_wait3A_1186 = arith.constant 0 : i32
        %dma_wait3A_1187 = tpu.memref_slice %arg3[%squeeze3A, %run_scoped3A, %dma_wait3A_1185, %dma_wait3A_1186] : memref<1000x4x16x1000xf32, #tpu.memory_space<hbm>> -> memref<1x1x16x1000xf32, #tpu.memory_space<hbm>>
        %dma_wait3A_1188 = tpu.memref_squeeze %dma_wait3A_1187 : memref<1x1x16x1000xf32, #tpu.memory_space<hbm>> -> memref<16x1000xf32, #tpu.memory_space<hbm>>
        %dma_wait3A_1189 = arith.constant 0 : i32
        %dma_wait3A_1190 = arith.constant 0 : i32
        %dma_wait3A_1191 = tpu.memref_slice %arg8[%run_scoped3A_11, %dma_wait3A_1189, %dma_wait3A_1190] : memref<4x16x1000xf32, #tpu.memory_space<vmem>> -> memref<1x16x1000xf32, #tpu.memory_space<vmem>>
        %dma_wait3A_1192 = tpu.memref_squeeze %dma_wait3A_1191 : memref<1x16x1000xf32, #tpu.memory_space<vmem>> -> memref<16x1000xf32, #tpu.memory_space<vmem>>
        %dma_wait3A_1193 = arith.constant 0 : i32
        %dma_wait3A_1194 = arith.constant 0 : i32
        %dma_wait3A_1195 = tpu.memref_slice %arg3[%squeeze3A, %run_scoped3A, %dma_wait3A_1193, %dma_wait3A_1194] : memref<1000x4x16x1000xf32, #tpu.memory_space<hbm>> -> memref<1x1x16x1000xf32, #tpu.memory_space<hbm>>
        %dma_wait3A_1196 = tpu.memref_squeeze %dma_wait3A_1195 : memref<1x1x16x1000xf32, #tpu.memory_space<hbm>> -> memref<16x1000xf32, #tpu.memory_space<hbm>>
        tpu.wait_dma2 semaphore(%run_scoped3A_1166 : memref<!tpu.dma_semaphore, #tpu.memory_space<semaphore_mem>>) src(%dma_wait3A_1196 : memref<16x1000xf32, #tpu.memory_space<hbm>>) dst(%dma_wait3A_1192 : memref<16x1000xf32, #tpu.memory_space<vmem>>)
        tpu.yield
      }) : () -> ()
      %broadcast_in_dim3A = arith.constant 0.000000e+00 : f32
      %broadcast_in_dim3A_12 = vector.broadcast %broadcast_in_dim3A : f32 to vector<16xf32>
      %broadcast_in_dim3A_13 = arith.constant 0.000000e+00 : f32
      %broadcast_in_dim3A_14 = vector.broadcast %broadcast_in_dim3A_13 : f32 to vector<16xf32>
      %broadcast_in_dim3A_15 = arith.constant 0.000000e+00 : f32
      %broadcast_in_dim3A_16 = vector.broadcast %broadcast_in_dim3A_15 : f32 to vector<16xf32>
      %broadcast_in_dim3A_17 = arith.constant 0.000000e+00 : f32
      %broadcast_in_dim3A_18 = vector.broadcast %broadcast_in_dim3A_17 : f32 to vector<16xf32>
      %broadcast_in_dim3A_19 = arith.constant 0.000000e+00 : f32
      %broadcast_in_dim3A_20 = vector.broadcast %broadcast_in_dim3A_19 : f32 to vector<16xf32>
      %broadcast_in_dim3A_21 = arith.constant 0.000000e+00 : f32
      %broadcast_in_dim3A_22 = vector.broadcast %broadcast_in_dim3A_21 : f32 to vector<16xf32>
      %broadcast_in_dim3A_23 = arith.constant 0.000000e+00 : f32
      %broadcast_in_dim3A_24 = vector.broadcast %broadcast_in_dim3A_23 : f32 to vector<16xf32>
      %broadcast_in_dim3A_25 = arith.constant 0.000000e+00 : f32
      %broadcast_in_dim3A_26 = vector.broadcast %broadcast_in_dim3A_25 : f32 to vector<16xf32>
      %broadcast_in_dim3A_27 = arith.constant 0.000000e+00 : f32
      %broadcast_in_dim3A_28 = vector.broadcast %broadcast_in_dim3A_27 : f32 to vector<16xf32>
      %broadcast_in_dim3A_29 = arith.constant 0.000000e+00 : f32
      %broadcast_in_dim3A_30 = vector.broadcast %broadcast_in_dim3A_29 : f32 to vector<16xf32>
      %broadcast_in_dim3A_31 = arith.constant 0.000000e+00 : f32
      %broadcast_in_dim3A_32 = vector.broadcast %broadcast_in_dim3A_31 : f32 to vector<16xf32>
      %broadcast_in_dim3A_33 = arith.constant 0.000000e+00 : f32
      %broadcast_in_dim3A_34 = vector.broadcast %broadcast_in_dim3A_33 : f32 to vector<16xf32>
      %broadcast_in_dim3A_35 = arith.constant 0.000000e+00 : f32
      %broadcast_in_dim3A_36 = vector.broadcast %broadcast_in_dim3A_35 : f32 to vector<16xf32>
      %broadcast_in_dim3A_37 = arith.constant 0.000000e+00 : f32
      %broadcast_in_dim3A_38 = vector.broadcast %broadcast_in_dim3A_37 : f32 to vector<16xf32>
      %broadcast_in_dim3A_39 = arith.constant 0.000000e+00 : f32
      %broadcast_in_dim3A_40 = vector.broadcast %broadcast_in_dim3A_39 : f32 to vector<16xf32>
      %broadcast_in_dim3A_41 = arith.constant 0.000000e+00 : f32
      %broadcast_in_dim3A_42 = vector.broadcast %broadcast_in_dim3A_41 : f32 to vector<16xf32>
      %scan3A_43 = arith.constant 0 : i32
      %scan3A_44 = arith.constant 62 : i32
      %scan3A_45 = arith.addi %scan3A_43, %scan3A_44 : i32
      %scan3A_46 = arith.constant 2 : i32
      %scan3A_47:16 = scf.for %scan3A_1166 = %scan3A_43 to %scan3A_45 step %scan3A_46 iter_args(%scan3A_1167 = %broadcast_in_dim3A_12, %scan3A_1168 = %broadcast_in_dim3A_14, %scan3A_1169 = %broadcast_in_dim3A_16, %scan3A_1170 = %broadcast_in_dim3A_18, %scan3A_1171 = %broadcast_in_dim3A_20, %scan3A_1172 = %broadcast_in_dim3A_22, %scan3A_1173 = %broadcast_in_dim3A_24, %scan3A_1174 = %broadcast_in_dim3A_26, %scan3A_1175 = %broadcast_in_dim3A_28, %scan3A_1176 = %broadcast_in_dim3A_30, %scan3A_1177 = %broadcast_in_dim3A_32, %scan3A_1178 = %broadcast_in_dim3A_34, %scan3A_1179 = %broadcast_in_dim3A_36, %scan3A_1180 = %broadcast_in_dim3A_38, %scan3A_1181 = %broadcast_in_dim3A_40, %scan3A_1182 = %broadcast_in_dim3A_42) -> (vector<16xf32>, vector<16xf32>, vector<16xf32>, vector<16xf32>, vector<16xf32>, vector<16xf32>, vector<16xf32>, vector<16xf32>, vector<16xf32>, vector<16xf32>, vector<16xf32>, vector<16xf32>, vector<16xf32>, vector<16xf32>, vector<16xf32>, vector<16xf32>)  : i32 {
        %mul3A_1183 = arith.constant 16 : i32
        %mul3A_1184 = arith.muli %scan3A_1166, %mul3A_1183 : i32
        %get3A_1185 = arith.index_cast %scan3A_8 : i32 to index
        %get3A_1186 = arith.index_cast %mul3A_1184 : i32 to index
        %get3A_1187 = tpu.vector_load %arg7[%get3A_1185, %get3A_1186] {strides = array<i32>} : memref<32x1000xf32, #tpu.memory_space<vmem>>, vector<1x16xf32>,
        %get3A_1188 = vector.shape_cast %get3A_1187 : vector<1x16xf32> to vector<16xf32>
        %mul3A_1189 = arith.constant 16 : i32
        %mul3A_1190 = arith.muli %scan3A_1166, %mul3A_1189 : i32
        %get3A_1191 = arith.constant 0 : i32
        %get3A_1192 = arith.constant 0 : i32
        %get3A_1193 = arith.index_cast %get3A_1191 : i32 to index
        %get3A_1194 = arith.index_cast %get3A_1192 : i32 to index
        %get3A_1195 = arith.index_cast %mul3A_1190 : i32 to index
        %get3A_1196 = tpu.vector_load %arg8[%get3A_1193, %get3A_1194, %get3A_1195] {strides = array<i32>} : memref<4x16x1000xf32, #tpu.memory_space<vmem>>, vector<1x1x16xf32>,
        %get3A_1197 = vector.shape_cast %get3A_1196 : vector<1x1x16xf32> to vector<16xf32>
        %mul3A_1198 = arith.mulf %get3A_1197, %get3A_1188 : vector<16xf32>
        %add3A_1199 = arith.addf %scan3A_1167, %mul3A_1198 : vector<16xf32>
        %mul3A_1200 = arith.constant 16 : i32
        %mul3A_1201 = arith.muli %scan3A_1166, %mul3A_1200 : i32
        %get3A_1202 = arith.constant 0 : i32
        %get3A_1203 = arith.constant 1 : i32
        %get3A_1204 = arith.index_cast %get3A_1202 : i32 to index
        %get3A_1205 = arith.index_cast %get3A_1203 : i32 to index
        %get3A_1206 = arith.index_cast %mul3A_1201 : i32 to index
        %get3A_1207 = tpu.vector_load %arg8[%get3A_1204, %get3A_1205, %get3A_1206] {strides = array<i32>} : memref<4x16x1000xf32, #tpu.memory_space<vmem>>, vector<1x1x16xf32>,
        %get3A_1208 = vector.shape_cast %get3A_1207 : vector<1x1x16xf32> to vector<16xf32>
        %mul3A_1209 = arith.mulf %get3A_1208, %get3A_1188 : vector<16xf32>
        %add3A_1210 = arith.addf %scan3A_1168, %mul3A_1209 : vector<16xf32>
        %mul3A_1211 = arith.constant 16 : i32
        %mul3A_1212 = arith.muli %scan3A_1166, %mul3A_1211 : i32
        %get3A_1213 = arith.constant 0 : i32
        %get3A_1214 = arith.constant 2 : i32
        %get3A_1215 = arith.index_cast %get3A_1213 : i32 to index
        %get3A_1216 = arith.index_cast %get3A_1214 : i32 to index
        %get3A_1217 = arith.index_cast %mul3A_1212 : i32 to index
        %get3A_1218 = tpu.vector_load %arg8[%get3A_1215, %get3A_1216, %get3A_1217] {strides = array<i32>} : memref<4x16x1000xf32, #tpu.memory_space<vmem>>, vector<1x1x16xf32>,
        %get3A_1219 = vector.shape_cast %get3A_1218 : vector<1x1x16xf32> to vector<16xf32>
        %mul3A_1220 = arith.mulf %get3A_1219, %get3A_1188 : vector<16xf32>
        %add3A_1221 = arith.addf %scan3A_1169, %mul3A_1220 : vector<16xf32>
        %mul3A_1222 = arith.constant 16 : i32
        %mul3A_1223 = arith.muli %scan3A_1166, %mul3A_1222 : i32
        %get3A_1224 = arith.constant 0 : i32
        %get3A_1225 = arith.constant 3 : i32
        %get3A_1226 = arith.index_cast %get3A_1224 : i32 to index
        %get3A_1227 = arith.index_cast %get3A_1225 : i32 to index
        %get3A_1228 = arith.index_cast %mul3A_1223 : i32 to index
        %get3A_1229 = tpu.vector_load %arg8[%get3A_1226, %get3A_1227, %get3A_1228] {strides = array<i32>} : memref<4x16x1000xf32, #tpu.memory_space<vmem>>, vector<1x1x16xf32>,
        %get3A_1230 = vector.shape_cast %get3A_1229 : vector<1x1x16xf32> to vector<16xf32>
        %mul3A_1231 = arith.mulf %get3A_1230, %get3A_1188 : vector<16xf32>
        %add3A_1232 = arith.addf %scan3A_1170, %mul3A_1231 : vector<16xf32>
        %mul3A_1233 = arith.constant 16 : i32
        %mul3A_1234 = arith.muli %scan3A_1166, %mul3A_1233 : i32
        %get3A_1235 = arith.constant 0 : i32
        %get3A_1236 = arith.constant 4 : i32
        %get3A_1237 = arith.index_cast %get3A_1235 : i32 to index
        %get3A_1238 = arith.index_cast %get3A_1236 : i32 to index
        %get3A_1239 = arith.index_cast %mul3A_1234 : i32 to index
        %get3A_1240 = tpu.vector_load %arg8[%get3A_1237, %get3A_1238, %get3A_1239] {strides = array<i32>} : memref<4x16x1000xf32, #tpu.memory_space<vmem>>, vector<1x1x16xf32>,
        %get3A_1241 = vector.shape_cast %get3A_1240 : vector<1x1x16xf32> to vector<16xf32>
        %mul3A_1242 = arith.mulf %get3A_1241, %get3A_1188 : vector<16xf32>
        %add3A_1243 = arith.addf %scan3A_1171, %mul3A_1242 : vector<16xf32>
        %mul3A_1244 = arith.constant 16 : i32
        %mul3A_1245 = arith.muli %scan3A_1166, %mul3A_1244 : i32
        %get3A_1246 = arith.constant 0 : i32
        %get3A_1247 = arith.constant 5 : i32
        %get3A_1248 = arith.index_cast %get3A_1246 : i32 to index
        %get3A_1249 = arith.index_cast %get3A_1247 : i32 to index
        %get3A_1250 = arith.index_cast %mul3A_1245 : i32 to index
        %get3A_1251 = tpu.vector_load %arg8[%get3A_1248, %get3A_1249, %get3A_1250] {strides = array<i32>} : memref<4x16x1000xf32, #tpu.memory_space<vmem>>, vector<1x1x16xf32>,
        %get3A_1252 = vector.shape_cast %get3A_1251 : vector<1x1x16xf32> to vector<16xf32>
        %mul3A_1253 = arith.mulf %get3A_1252, %get3A_1188 : vector<16xf32>
        %add3A_1254 = arith.addf %scan3A_1172, %mul3A_1253 : vector<16xf32>
        %mul3A_1255 = arith.constant 16 : i32
        %mul3A_1256 = arith.muli %scan3A_1166, %mul3A_1255 : i32
        %get3A_1257 = arith.constant 0 : i32
        %get3A_1258 = arith.constant 6 : i32
        %get3A_1259 = arith.index_cast %get3A_1257 : i32 to index
        %get3A_1260 = arith.index_cast %get3A_1258 : i32 to index
        %get3A_1261 = arith.index_cast %mul3A_1256 : i32 to index
        %get3A_1262 = tpu.vector_load %arg8[%get3A_1259, %get3A_1260, %get3A_1261] {strides = array<i32>} : memref<4x16x1000xf32, #tpu.memory_space<vmem>>, vector<1x1x16xf32>,
        %get3A_1263 = vector.shape_cast %get3A_1262 : vector<1x1x16xf32> to vector<16xf32>
        %mul3A_1264 = arith.mulf %get3A_1263, %get3A_1188 : vector<16xf32>
        %add3A_1265 = arith.addf %scan3A_1173, %mul3A_1264 : vector<16xf32>
        %mul3A_1266 = arith.constant 16 : i32
        %mul3A_1267 = arith.muli %scan3A_1166, %mul3A_1266 : i32
        %get3A_1268 = arith.constant 0 : i32
        %get3A_1269 = arith.constant 7 : i32
        %get3A_1270 = arith.index_cast %get3A_1268 : i32 to index
        %get3A_1271 = arith.index_cast %get3A_1269 : i32 to index
        %get3A_1272 = arith.index_cast %mul3A_1267 : i32 to index
        %get3A_1273 = tpu.vector_load %arg8[%get3A_1270, %get3A_1271, %get3A_1272] {strides = array<i32>} : memref<4x16x1000xf32, #tpu.memory_space<vmem>>, vector<1x1x16xf32>,
        %get3A_1274 = vector.shape_cast %get3A_1273 : vector<1x1x16xf32> to vector<16xf32>
        %mul3A_1275 = arith.mulf %get3A_1274, %get3A_1188 : vector<16xf32>
        %add3A_1276 = arith.addf %scan3A_1174, %mul3A_1275 : vector<16xf32>
        %mul3A_1277 = arith.constant 16 : i32
        %mul3A_1278 = arith.muli %scan3A_1166, %mul3A_1277 : i32
        %get3A_1279 = arith.constant 0 : i32
        %get3A_1280 = arith.constant 8 : i32
        %get3A_1281 = arith.index_cast %get3A_1279 : i32 to index
        %get3A_1282 = arith.index_cast %get3A_1280 : i32 to index
        %get3A_1283 = arith.index_cast %mul3A_1278 : i32 to index
        %get3A_1284 = tpu.vector_load %arg8[%get3A_1281, %get3A_1282, %get3A_1283] {strides = array<i32>} : memref<4x16x1000xf32, #tpu.memory_space<vmem>>, vector<1x1x16xf32>,
        %get3A_1285 = vector.shape_cast %get3A_1284 : vector<1x1x16xf32> to vector<16xf32>
        %mul3A_1286 = arith.mulf %get3A_1285, %get3A_1188 : vector<16xf32>
        %add3A_1287 = arith.addf %scan3A_1175, %mul3A_1286 : vector<16xf32>
        %mul3A_1288 = arith.constant 16 : i32
        %mul3A_1289 = arith.muli %scan3A_1166, %mul3A_1288 : i32
        %get3A_1290 = arith.constant 0 : i32
        %get3A_1291 = arith.constant 9 : i32
        %get3A_1292 = arith.index_cast %get3A_1290 : i32 to index
        %get3A_1293 = arith.index_cast %get3A_1291 : i32 to index
        %get3A_1294 = arith.index_cast %mul3A_1289 : i32 to index
        %get3A_1295 = tpu.vector_load %arg8[%get3A_1292, %get3A_1293, %get3A_1294] {strides = array<i32>} : memref<4x16x1000xf32, #tpu.memory_space<vmem>>, vector<1x1x16xf32>,
        %get3A_1296 = vector.shape_cast %get3A_1295 : vector<1x1x16xf32> to vector<16xf32>
        %mul3A_1297 = arith.mulf %get3A_1296, %get3A_1188 : vector<16xf32>
        %add3A_1298 = arith.addf %scan3A_1176, %mul3A_1297 : vector<16xf32>
        %mul3A_1299 = arith.constant 16 : i32
        %mul3A_1300 = arith.muli %scan3A_1166, %mul3A_1299 : i32
        %get3A_1301 = arith.constant 0 : i32
        %get3A_1302 = arith.constant 10 : i32
        %get3A_1303 = arith.index_cast %get3A_1301 : i32 to index
        %get3A_1304 = arith.index_cast %get3A_1302 : i32 to index
        %get3A_1305 = arith.index_cast %mul3A_1300 : i32 to index
        %get3A_1306 = tpu.vector_load %arg8[%get3A_1303, %get3A_1304, %get3A_1305] {strides = array<i32>} : memref<4x16x1000xf32, #tpu.memory_space<vmem>>, vector<1x1x16xf32>,
        %get3A_1307 = vector.shape_cast %get3A_1306 : vector<1x1x16xf32> to vector<16xf32>
        %mul3A_1308 = arith.mulf %get3A_1307, %get3A_1188 : vector<16xf32>
        %add3A_1309 = arith.addf %scan3A_1177, %mul3A_1308 : vector<16xf32>
        %mul3A_1310 = arith.constant 16 : i32
        %mul3A_1311 = arith.muli %scan3A_1166, %mul3A_1310 : i32
        %get3A_1312 = arith.constant 0 : i32
        %get3A_1313 = arith.constant 11 : i32
        %get3A_1314 = arith.index_cast %get3A_1312 : i32 to index
        %get3A_1315 = arith.index_cast %get3A_1313 : i32 to index
        %get3A_1316 = arith.index_cast %mul3A_1311 : i32 to index
        %get3A_1317 = tpu.vector_load %arg8[%get3A_1314, %get3A_1315, %get3A_1316] {strides = array<i32>} : memref<4x16x1000xf32, #tpu.memory_space<vmem>>, vector<1x1x16xf32>,
        %get3A_1318 = vector.shape_cast %get3A_1317 : vector<1x1x16xf32> to vector<16xf32>
        %mul3A_1319 = arith.mulf %get3A_1318, %get3A_1188 : vector<16xf32>
        %add3A_1320 = arith.addf %scan3A_1178, %mul3A_1319 : vector<16xf32>
        %mul3A_1321 = arith.constant 16 : i32
        %mul3A_1322 = arith.muli %scan3A_1166, %mul3A_1321 : i32
        %get3A_1323 = arith.constant 0 : i32
        %get3A_1324 = arith.constant 12 : i32
        %get3A_1325 = arith.index_cast %get3A_1323 : i32 to index
        %get3A_1326 = arith.index_cast %get3A_1324 : i32 to index
        %get3A_1327 = arith.index_cast %mul3A_1322 : i32 to index
        %get3A_1328 = tpu.vector_load %arg8[%get3A_1325, %get3A_1326, %get3A_1327] {strides = array<i32>} : memref<4x16x1000xf32, #tpu.memory_space<vmem>>, vector<1x1x16xf32>,
        %get3A_1329 = vector.shape_cast %get3A_1328 : vector<1x1x16xf32> to vector<16xf32>
        %mul3A_1330 = arith.mulf %get3A_1329, %get3A_1188 : vector<16xf32>
        %add3A_1331 = arith.addf %scan3A_1179, %mul3A_1330 : vector<16xf32>
        %mul3A_1332 = arith.constant 16 : i32
        %mul3A_1333 = arith.muli %scan3A_1166, %mul3A_1332 : i32
        %get3A_1334 = arith.constant 0 : i32
        %get3A_1335 = arith.constant 13 : i32
        %get3A_1336 = arith.index_cast %get3A_1334 : i32 to index
        %get3A_1337 = arith.index_cast %get3A_1335 : i32 to index
        %get3A_1338 = arith.index_cast %mul3A_1333 : i32 to index
        %get3A_1339 = tpu.vector_load %arg8[%get3A_1336, %get3A_1337, %get3A_1338] {strides = array<i32>} : memref<4x16x1000xf32, #tpu.memory_space<vmem>>, vector<1x1x16xf32>,
        %get3A_1340 = vector.shape_cast %get3A_1339 : vector<1x1x16xf32> to vector<16xf32>
        %mul3A_1341 = arith.mulf %get3A_1340, %get3A_1188 : vector<16xf32>
        %add3A_1342 = arith.addf %scan3A_1180, %mul3A_1341 : vector<16xf32>
        %mul3A_1343 = arith.constant 16 : i32
        %mul3A_1344 = arith.muli %scan3A_1166, %mul3A_1343 : i32
        %get3A_1345 = arith.constant 0 : i32
        %get3A_1346 = arith.constant 14 : i32
        %get3A_1347 = arith.index_cast %get3A_1345 : i32 to index
        %get3A_1348 = arith.index_cast %get3A_1346 : i32 to index
        %get3A_1349 = arith.index_cast %mul3A_1344 : i32 to index
        %get3A_1350 = tpu.vector_load %arg8[%get3A_1347, %get3A_1348, %get3A_1349] {strides = array<i32>} : memref<4x16x1000xf32, #tpu.memory_space<vmem>>, vector<1x1x16xf32>,
        %get3A_1351 = vector.shape_cast %get3A_1350 : vector<1x1x16xf32> to vector<16xf32>
        %mul3A_1352 = arith.mulf %get3A_1351, %get3A_1188 : vector<16xf32>
        %add3A_1353 = arith.addf %scan3A_1181, %mul3A_1352 : vector<16xf32>
        %mul3A_1354 = arith.constant 16 : i32
        %mul3A_1355 = arith.muli %scan3A_1166, %mul3A_1354 : i32
        %get3A_1356 = arith.constant 0 : i32
        %get3A_1357 = arith.constant 15 : i32
        %get3A_1358 = arith.index_cast %get3A_1356 : i32 to index
        %get3A_1359 = arith.index_cast %get3A_1357 : i32 to index
        %get3A_1360 = arith.index_cast %mul3A_1355 : i32 to index
        %get3A_1361 = tpu.vector_load %arg8[%get3A_1358, %get3A_1359, %get3A_1360] {strides = array<i32>} : memref<4x16x1000xf32, #tpu.memory_space<vmem>>, vector<1x1x16xf32>,
        %get3A_1362 = vector.shape_cast %get3A_1361 : vector<1x1x16xf32> to vector<16xf32>
        %mul3A_1363 = arith.mulf %get3A_1362, %get3A_1188 : vector<16xf32>
        %add3A_1364 = arith.addf %scan3A_1182, %mul3A_1363 : vector<16xf32>
        %scan3A_1365 = arith.constant 1 : i32
        %scan3A_1366 = arith.addi %scan3A_1166, %scan3A_1365 : i32
        %mul3A_1367 = arith.constant 16 : i32
        %mul3A_1368 = arith.muli %scan3A_1366, %mul3A_1367 : i32
        %get3A_1369 = arith.index_cast %scan3A_8 : i32 to index
        %get3A_1370 = arith.index_cast %mul3A_1368 : i32 to index
        %get3A_1371 = tpu.vector_load %arg7[%get3A_1369, %get3A_1370] {strides = array<i32>} : memref<32x1000xf32, #tpu.memory_space<vmem>>, vector<1x16xf32>,
        %get3A_1372 = vector.shape_cast %get3A_1371 : vector<1x16xf32> to vector<16xf32>
        %mul3A_1373 = arith.constant 16 : i32
        %mul3A_1374 = arith.muli %scan3A_1366, %mul3A_1373 : i32
        %get3A_1375 = arith.constant 0 : i32
        %get3A_1376 = arith.constant 0 : i32
        %get3A_1377 = arith.index_cast %get3A_1375 : i32 to index
        %get3A_1378 = arith.index_cast %get3A_1376 : i32 to index
        %get3A_1379 = arith.index_cast %mul3A_1374 : i32 to index
        %get3A_1380 = tpu.vector_load %arg8[%get3A_1377, %get3A_1378, %get3A_1379] {strides = array<i32>} : memref<4x16x1000xf32, #tpu.memory_space<vmem>>, vector<1x1x16xf32>,
        %get3A_1381 = vector.shape_cast %get3A_1380 : vector<1x1x16xf32> to vector<16xf32>
        %mul3A_1382 = arith.mulf %get3A_1381, %get3A_1372 : vector<16xf32>
        %add3A_1383 = arith.addf %add3A_1199, %mul3A_1382 : vector<16xf32>
        %mul3A_1384 = arith.constant 16 : i32
        %mul3A_1385 = arith.muli %scan3A_1366, %mul3A_1384 : i32
        %get3A_1386 = arith.constant 0 : i32
        %get3A_1387 = arith.constant 1 : i32
        %get3A_1388 = arith.index_cast %get3A_1386 : i32 to index
        %get3A_1389 = arith.index_cast %get3A_1387 : i32 to index
        %get3A_1390 = arith.index_cast %mul3A_1385 : i32 to index
        %get3A_1391 = tpu.vector_load %arg8[%get3A_1388, %get3A_1389, %get3A_1390] {strides = array<i32>} : memref<4x16x1000xf32, #tpu.memory_space<vmem>>, vector<1x1x16xf32>,
        %get3A_1392 = vector.shape_cast %get3A_1391 : vector<1x1x16xf32> to vector<16xf32>
        %mul3A_1393 = arith.mulf %get3A_1392, %get3A_1372 : vector<16xf32>
        %add3A_1394 = arith.addf %add3A_1210, %mul3A_1393 : vector<16xf32>
        %mul3A_1395 = arith.constant 16 : i32
        %mul3A_1396 = arith.muli %scan3A_1366, %mul3A_1395 : i32
        %get3A_1397 = arith.constant 0 : i32
        %get3A_1398 = arith.constant 2 : i32
        %get3A_1399 = arith.index_cast %get3A_1397 : i32 to index
        %get3A_1400 = arith.index_cast %get3A_1398 : i32 to index
        %get3A_1401 = arith.index_cast %mul3A_1396 : i32 to index
        %get3A_1402 = tpu.vector_load %arg8[%get3A_1399, %get3A_1400, %get3A_1401] {strides = array<i32>} : memref<4x16x1000xf32, #tpu.memory_space<vmem>>, vector<1x1x16xf32>,
        %get3A_1403 = vector.shape_cast %get3A_1402 : vector<1x1x16xf32> to vector<16xf32>
        %mul3A_1404 = arith.mulf %get3A_1403, %get3A_1372 : vector<16xf32>
        %add3A_1405 = arith.addf %add3A_1221, %mul3A_1404 : vector<16xf32>
        %mul3A_1406 = arith.constant 16 : i32
        %mul3A_1407 = arith.muli %scan3A_1366, %mul3A_1406 : i32
        %get3A_1408 = arith.constant 0 : i32
        %get3A_1409 = arith.constant 3 : i32
        %get3A_1410 = arith.index_cast %get3A_1408 : i32 to index
        %get3A_1411 = arith.index_cast %get3A_1409 : i32 to index
        %get3A_1412 = arith.index_cast %mul3A_1407 : i32 to index
        %get3A_1413 = tpu.vector_load %arg8[%get3A_1410, %get3A_1411, %get3A_1412] {strides = array<i32>} : memref<4x16x1000xf32, #tpu.memory_space<vmem>>, vector<1x1x16xf32>,
        %get3A_1414 = vector.shape_cast %get3A_1413 : vector<1x1x16xf32> to vector<16xf32>
        %mul3A_1415 = arith.mulf %get3A_1414, %get3A_1372 : vector<16xf32>
        %add3A_1416 = arith.addf %add3A_1232, %mul3A_1415 : vector<16xf32>
        %mul3A_1417 = arith.constant 16 : i32
        %mul3A_1418 = arith.muli %scan3A_1366, %mul3A_1417 : i32
        %get3A_1419 = arith.constant 0 : i32
        %get3A_1420 = arith.constant 4 : i32
        %get3A_1421 = arith.index_cast %get3A_1419 : i32 to index
        %get3A_1422 = arith.index_cast %get3A_1420 : i32 to index
        %get3A_1423 = arith.index_cast %mul3A_1418 : i32 to index
        %get3A_1424 = tpu.vector_load %arg8[%get3A_1421, %get3A_1422, %get3A_1423] {strides = array<i32>} : memref<4x16x1000xf32, #tpu.memory_space<vmem>>, vector<1x1x16xf32>,
        %get3A_1425 = vector.shape_cast %get3A_1424 : vector<1x1x16xf32> to vector<16xf32>
        %mul3A_1426 = arith.mulf %get3A_1425, %get3A_1372 : vector<16xf32>
        %add3A_1427 = arith.addf %add3A_1243, %mul3A_1426 : vector<16xf32>
        %mul3A_1428 = arith.constant 16 : i32
        %mul3A_1429 = arith.muli %scan3A_1366, %mul3A_1428 : i32
        %get3A_1430 = arith.constant 0 : i32
        %get3A_1431 = arith.constant 5 : i32
        %get3A_1432 = arith.index_cast %get3A_1430 : i32 to index
        %get3A_1433 = arith.index_cast %get3A_1431 : i32 to index
        %get3A_1434 = arith.index_cast %mul3A_1429 : i32 to index
        %get3A_1435 = tpu.vector_load %arg8[%get3A_1432, %get3A_1433, %get3A_1434] {strides = array<i32>} : memref<4x16x1000xf32, #tpu.memory_space<vmem>>, vector<1x1x16xf32>,
        %get3A_1436 = vector.shape_cast %get3A_1435 : vector<1x1x16xf32> to vector<16xf32>
        %mul3A_1437 = arith.mulf %get3A_1436, %get3A_1372 : vector<16xf32>
        %add3A_1438 = arith.addf %add3A_1254, %mul3A_1437 : vector<16xf32>
        %mul3A_1439 = arith.constant 16 : i32
        %mul3A_1440 = arith.muli %scan3A_1366, %mul3A_1439 : i32
        %get3A_1441 = arith.constant 0 : i32
        %get3A_1442 = arith.constant 6 : i32
        %get3A_1443 = arith.index_cast %get3A_1441 : i32 to index
        %get3A_1444 = arith.index_cast %get3A_1442 : i32 to index
        %get3A_1445 = arith.index_cast %mul3A_1440 : i32 to index
        %get3A_1446 = tpu.vector_load %arg8[%get3A_1443, %get3A_1444, %get3A_1445] {strides = array<i32>} : memref<4x16x1000xf32, #tpu.memory_space<vmem>>, vector<1x1x16xf32>,
        %get3A_1447 = vector.shape_cast %get3A_1446 : vector<1x1x16xf32> to vector<16xf32>
        %mul3A_1448 = arith.mulf %get3A_1447, %get3A_1372 : vector<16xf32>
        %add3A_1449 = arith.addf %add3A_1265, %mul3A_1448 : vector<16xf32>
        %mul3A_1450 = arith.constant 16 : i32
        %mul3A_1451 = arith.muli %scan3A_1366, %mul3A_1450 : i32
        %get3A_1452 = arith.constant 0 : i32
        %get3A_1453 = arith.constant 7 : i32
        %get3A_1454 = arith.index_cast %get3A_1452 : i32 to index
        %get3A_1455 = arith.index_cast %get3A_1453 : i32 to index
        %get3A_1456 = arith.index_cast %mul3A_1451 : i32 to index
        %get3A_1457 = tpu.vector_load %arg8[%get3A_1454, %get3A_1455, %get3A_1456] {strides = array<i32>} : memref<4x16x1000xf32, #tpu.memory_space<vmem>>, vector<1x1x16xf32>,
        %get3A_1458 = vector.shape_cast %get3A_1457 : vector<1x1x16xf32> to vector<16xf32>
        %mul3A_1459 = arith.mulf %get3A_1458, %get3A_1372 : vector<16xf32>
        %add3A_1460 = arith.addf %add3A_1276, %mul3A_1459 : vector<16xf32>
        %mul3A_1461 = arith.constant 16 : i32
        %mul3A_1462 = arith.muli %scan3A_1366, %mul3A_1461 : i32
        %get3A_1463 = arith.constant 0 : i32
        %get3A_1464 = arith.constant 8 : i32
        %get3A_1465 = arith.index_cast %get3A_1463 : i32 to index
        %get3A_1466 = arith.index_cast %get3A_1464 : i32 to index
        %get3A_1467 = arith.index_cast %mul3A_1462 : i32 to index
        %get3A_1468 = tpu.vector_load %arg8[%get3A_1465, %get3A_1466, %get3A_1467] {strides = array<i32>} : memref<4x16x1000xf32, #tpu.memory_space<vmem>>, vector<1x1x16xf32>,
        %get3A_1469 = vector.shape_cast %get3A_1468 : vector<1x1x16xf32> to vector<16xf32>
        %mul3A_1470 = arith.mulf %get3A_1469, %get3A_1372 : vector<16xf32>
        %add3A_1471 = arith.addf %add3A_1287, %mul3A_1470 : vector<16xf32>
        %mul3A_1472 = arith.constant 16 : i32
        %mul3A_1473 = arith.muli %scan3A_1366, %mul3A_1472 : i32
        %get3A_1474 = arith.constant 0 : i32
        %get3A_1475 = arith.constant 9 : i32
        %get3A_1476 = arith.index_cast %get3A_1474 : i32 to index
        %get3A_1477 = arith.index_cast %get3A_1475 : i32 to index
        %get3A_1478 = arith.index_cast %mul3A_1473 : i32 to index
        %get3A_1479 = tpu.vector_load %arg8[%get3A_1476, %get3A_1477, %get3A_1478] {strides = array<i32>} : memref<4x16x1000xf32, #tpu.memory_space<vmem>>, vector<1x1x16xf32>,
        %get3A_1480 = vector.shape_cast %get3A_1479 : vector<1x1x16xf32> to vector<16xf32>
        %mul3A_1481 = arith.mulf %get3A_1480, %get3A_1372 : vector<16xf32>
        %add3A_1482 = arith.addf %add3A_1298, %mul3A_1481 : vector<16xf32>
        %mul3A_1483 = arith.constant 16 : i32
        %mul3A_1484 = arith.muli %scan3A_1366, %mul3A_1483 : i32
        %get3A_1485 = arith.constant 0 : i32
        %get3A_1486 = arith.constant 10 : i32
        %get3A_1487 = arith.index_cast %get3A_1485 : i32 to index
        %get3A_1488 = arith.index_cast %get3A_1486 : i32 to index
        %get3A_1489 = arith.index_cast %mul3A_1484 : i32 to index
        %get3A_1490 = tpu.vector_load %arg8[%get3A_1487, %get3A_1488, %get3A_1489] {strides = array<i32>} : memref<4x16x1000xf32, #tpu.memory_space<vmem>>, vector<1x1x16xf32>,
        %get3A_1491 = vector.shape_cast %get3A_1490 : vector<1x1x16xf32> to vector<16xf32>
        %mul3A_1492 = arith.mulf %get3A_1491, %get3A_1372 : vector<16xf32>
        %add3A_1493 = arith.addf %add3A_1309, %mul3A_1492 : vector<16xf32>
        %mul3A_1494 = arith.constant 16 : i32
        %mul3A_1495 = arith.muli %scan3A_1366, %mul3A_1494 : i32
        %get3A_1496 = arith.constant 0 : i32
        %get3A_1497 = arith.constant 11 : i32
        %get3A_1498 = arith.index_cast %get3A_1496 : i32 to index
        %get3A_1499 = arith.index_cast %get3A_1497 : i32 to index
        %get3A_1500 = arith.index_cast %mul3A_1495 : i32 to index
        %get3A_1501 = tpu.vector_load %arg8[%get3A_1498, %get3A_1499, %get3A_1500] {strides = array<i32>} : memref<4x16x1000xf32, #tpu.memory_space<vmem>>, vector<1x1x16xf32>,
        %get3A_1502 = vector.shape_cast %get3A_1501 : vector<1x1x16xf32> to vector<16xf32>
        %mul3A_1503 = arith.mulf %get3A_1502, %get3A_1372 : vector<16xf32>
        %add3A_1504 = arith.addf %add3A_1320, %mul3A_1503 : vector<16xf32>
        %mul3A_1505 = arith.constant 16 : i32
        %mul3A_1506 = arith.muli %scan3A_1366, %mul3A_1505 : i32
        %get3A_1507 = arith.constant 0 : i32
        %get3A_1508 = arith.constant 12 : i32
        %get3A_1509 = arith.index_cast %get3A_1507 : i32 to index
        %get3A_1510 = arith.index_cast %get3A_1508 : i32 to index
        %get3A_1511 = arith.index_cast %mul3A_1506 : i32 to index
        %get3A_1512 = tpu.vector_load %arg8[%get3A_1509, %get3A_1510, %get3A_1511] {strides = array<i32>} : memref<4x16x1000xf32, #tpu.memory_space<vmem>>, vector<1x1x16xf32>,
        %get3A_1513 = vector.shape_cast %get3A_1512 : vector<1x1x16xf32> to vector<16xf32>
        %mul3A_1514 = arith.mulf %get3A_1513, %get3A_1372 : vector<16xf32>
        %add3A_1515 = arith.addf %add3A_1331, %mul3A_1514 : vector<16xf32>
        %mul3A_1516 = arith.constant 16 : i32
        %mul3A_1517 = arith.muli %scan3A_1366, %mul3A_1516 : i32
        %get3A_1518 = arith.constant 0 : i32
        %get3A_1519 = arith.constant 13 : i32
        %get3A_1520 = arith.index_cast %get3A_1518 : i32 to index
        %get3A_1521 = arith.index_cast %get3A_1519 : i32 to index
        %get3A_1522 = arith.index_cast %mul3A_1517 : i32 to index
        %get3A_1523 = tpu.vector_load %arg8[%get3A_1520, %get3A_1521, %get3A_1522] {strides = array<i32>} : memref<4x16x1000xf32, #tpu.memory_space<vmem>>, vector<1x1x16xf32>,
        %get3A_1524 = vector.shape_cast %get3A_1523 : vector<1x1x16xf32> to vector<16xf32>
        %mul3A_1525 = arith.mulf %get3A_1524, %get3A_1372 : vector<16xf32>
        %add3A_1526 = arith.addf %add3A_1342, %mul3A_1525 : vector<16xf32>
        %mul3A_1527 = arith.constant 16 : i32
        %mul3A_1528 = arith.muli %scan3A_1366, %mul3A_1527 : i32
        %get3A_1529 = arith.constant 0 : i32
        %get3A_1530 = arith.constant 14 : i32
        %get3A_1531 = arith.index_cast %get3A_1529 : i32 to index
        %get3A_1532 = arith.index_cast %get3A_1530 : i32 to index
        %get3A_1533 = arith.index_cast %mul3A_1528 : i32 to index
        %get3A_1534 = tpu.vector_load %arg8[%get3A_1531, %get3A_1532, %get3A_1533] {strides = array<i32>} : memref<4x16x1000xf32, #tpu.memory_space<vmem>>, vector<1x1x16xf32>,
        %get3A_1535 = vector.shape_cast %get3A_1534 : vector<1x1x16xf32> to vector<16xf32>
        %mul3A_1536 = arith.mulf %get3A_1535, %get3A_1372 : vector<16xf32>
        %add3A_1537 = arith.addf %add3A_1353, %mul3A_1536 : vector<16xf32>
        %mul3A_1538 = arith.constant 16 : i32
        %mul3A_1539 = arith.muli %scan3A_1366, %mul3A_1538 : i32
        %get3A_1540 = arith.constant 0 : i32
        %get3A_1541 = arith.constant 15 : i32
        %get3A_1542 = arith.index_cast %get3A_1540 : i32 to index
        %get3A_1543 = arith.index_cast %get3A_1541 : i32 to index
        %get3A_1544 = arith.index_cast %mul3A_1539 : i32 to index
        %get3A_1545 = tpu.vector_load %arg8[%get3A_1542, %get3A_1543, %get3A_1544] {strides = array<i32>} : memref<4x16x1000xf32, #tpu.memory_space<vmem>>, vector<1x1x16xf32>,
        %get3A_1546 = vector.shape_cast %get3A_1545 : vector<1x1x16xf32> to vector<16xf32>
        %mul3A_1547 = arith.mulf %get3A_1546, %get3A_1372 : vector<16xf32>
        %add3A_1548 = arith.addf %add3A_1364, %mul3A_1547 : vector<16xf32>
        scf.yield %add3A_1383, %add3A_1394, %add3A_1405, %add3A_1416, %add3A_1427, %add3A_1438, %add3A_1449, %add3A_1460, %add3A_1471, %add3A_1482, %add3A_1493, %add3A_1504, %add3A_1515, %add3A_1526, %add3A_1537, %add3A_1548 : vector<16xf32>, vector<16xf32>, vector<16xf32>, vector<16xf32>, vector<16xf32>, vector<16xf32>, vector<16xf32>, vector<16xf32>, vector<16xf32>, vector<16xf32>, vector<16xf32>, vector<16xf32>, vector<16xf32>, vector<16xf32>, vector<16xf32>, vector<16xf32>
      }
      %scan3A_48 = arith.constant 62 : i32
      %ge3A = arith.constant 8 : i32
      %ge3A_49 = vector.broadcast %ge3A : i32 to vector<16xi32>
      %ge3A_50 = arith.cmpi sge, %iota3A, %ge3A_49 : vector<16xi32>
      %get3A_51 = arith.index_cast %scan3A_8 : i32 to index
      %get3A_52 = arith.constant 984 : index
      %get3A_53 = tpu.vector_load %arg7[%get3A_51, %get3A_52] {strides = array<i32>} : memref<32x1000xf32, #tpu.memory_space<vmem>>, vector<1x16xf32>,
      %get3A_54 = vector.shape_cast %get3A_53 : vector<1x16xf32> to vector<16xf32>
      %jit3A = arith.constant 0.000000e+00 : f32
      %broadcast_in_dim3A_55 = vector.broadcast %jit3A : f32 to vector<16xf32>
      %select_n3A = arith.select %ge3A_50, %get3A_54, %broadcast_in_dim3A_55 : vector<16xi1>, vector<16xf32>
      %get3A_56 = arith.constant 0 : i32
      %get3A_57 = arith.constant 0 : i32
      %get3A_58 = arith.index_cast %get3A_56 : i32 to index
      %get3A_59 = arith.index_cast %get3A_57 : i32 to index
      %get3A_60 = arith.constant 984 : index
      %get3A_61 = tpu.vector_load %arg8[%get3A_58, %get3A_59, %get3A_60] {strides = array<i32>} : memref<4x16x1000xf32, #tpu.memory_space<vmem>>, vector<1x1x16xf32>,
      %get3A_62 = vector.shape_cast %get3A_61 : vector<1x1x16xf32> to vector<16xf32>
      %mul3A_63 = arith.mulf %get3A_62, %select_n3A : vector<16xf32>
      %add3A_64 = arith.addf %scan3A_47#0, %mul3A_63 : vector<16xf32>
      %get3A_65 = arith.constant 0 : i32
      %get3A_66 = arith.constant 1 : i32
      %get3A_67 = arith.index_cast %get3A_65 : i32 to index
      %get3A_68 = arith.index_cast %get3A_66 : i32 to index
      %get3A_69 = arith.constant 984 : index
      %get3A_70 = tpu.vector_load %arg8[%get3A_67, %get3A_68, %get3A_69] {strides = array<i32>} : memref<4x16x1000xf32, #tpu.memory_space<vmem>>, vector<1x1x16xf32>,
      %get3A_71 = vector.shape_cast %get3A_70 : vector<1x1x16xf32> to vector<16xf32>
      %mul3A_72 = arith.mulf %get3A_71, %select_n3A : vector<16xf32>
      %add3A_73 = arith.addf %scan3A_47#1, %mul3A_72 : vector<16xf32>
      %get3A_74 = arith.constant 0 : i32
      %get3A_75 = arith.constant 2 : i32
      %get3A_76 = arith.index_cast %get3A_74 : i32 to index
      %get3A_77 = arith.index_cast %get3A_75 : i32 to index
      %get3A_78 = arith.constant 984 : index
      %get3A_79 = tpu.vector_load %arg8[%get3A_76, %get3A_77, %get3A_78] {strides = array<i32>} : memref<4x16x1000xf32, #tpu.memory_space<vmem>>, vector<1x1x16xf32>,
      %get3A_80 = vector.shape_cast %get3A_79 : vector<1x1x16xf32> to vector<16xf32>
      %mul3A_81 = arith.mulf %get3A_80, %select_n3A : vector<16xf32>
      %add3A_82 = arith.addf %scan3A_47#2, %mul3A_81 : vector<16xf32>
      %get3A_83 = arith.constant 0 : i32
      %get3A_84 = arith.constant 3 : i32
      %get3A_85 = arith.index_cast %get3A_83 : i32 to index
      %get3A_86 = arith.index_cast %get3A_84 : i32 to index
      %get3A_87 = arith.constant 984 : index
      %get3A_88 = tpu.vector_load %arg8[%get3A_85, %get3A_86, %get3A_87] {strides = array<i32>} : memref<4x16x1000xf32, #tpu.memory_space<vmem>>, vector<1x1x16xf32>,
      %get3A_89 = vector.shape_cast %get3A_88 : vector<1x1x16xf32> to vector<16xf32>
      %mul3A_90 = arith.mulf %get3A_89, %select_n3A : vector<16xf32>
      %add3A_91 = arith.addf %scan3A_47#3, %mul3A_90 : vector<16xf32>
      %get3A_92 = arith.constant 0 : i32
      %get3A_93 = arith.constant 4 : i32
      %get3A_94 = arith.index_cast %get3A_92 : i32 to index
      %get3A_95 = arith.index_cast %get3A_93 : i32 to index
      %get3A_96 = arith.constant 984 : index
      %get3A_97 = tpu.vector_load %arg8[%get3A_94, %get3A_95, %get3A_96] {strides = array<i32>} : memref<4x16x1000xf32, #tpu.memory_space<vmem>>, vector<1x1x16xf32>,
      %get3A_98 = vector.shape_cast %get3A_97 : vector<1x1x16xf32> to vector<16xf32>
      %mul3A_99 = arith.mulf %get3A_98, %select_n3A : vector<16xf32>
      %add3A_100 = arith.addf %scan3A_47#4, %mul3A_99 : vector<16xf32>
      %get3A_101 = arith.constant 0 : i32
      %get3A_102 = arith.constant 5 : i32
      %get3A_103 = arith.index_cast %get3A_101 : i32 to index
      %get3A_104 = arith.index_cast %get3A_102 : i32 to index
      %get3A_105 = arith.constant 984 : index
      %get3A_106 = tpu.vector_load %arg8[%get3A_103, %get3A_104, %get3A_105] {strides = array<i32>} : memref<4x16x1000xf32, #tpu.memory_space<vmem>>, vector<1x1x16xf32>,
      %get3A_107 = vector.shape_cast %get3A_106 : vector<1x1x16xf32> to vector<16xf32>
      %mul3A_108 = arith.mulf %get3A_107, %select_n3A : vector<16xf32>
      %add3A_109 = arith.addf %scan3A_47#5, %mul3A_108 : vector<16xf32>
      %get3A_110 = arith.constant 0 : i32
      %get3A_111 = arith.constant 6 : i32
      %get3A_112 = arith.index_cast %get3A_110 : i32 to index
      %get3A_113 = arith.index_cast %get3A_111 : i32 to index
      %get3A_114 = arith.constant 984 : index
      %get3A_115 = tpu.vector_load %arg8[%get3A_112, %get3A_113, %get3A_114] {strides = array<i32>} : memref<4x16x1000xf32, #tpu.memory_space<vmem>>, vector<1x1x16xf32>,
      %get3A_116 = vector.shape_cast %get3A_115 : vector<1x1x16xf32> to vector<16xf32>
      %mul3A_117 = arith.mulf %get3A_116, %select_n3A : vector<16xf32>
      %add3A_118 = arith.addf %scan3A_47#6, %mul3A_117 : vector<16xf32>
      %get3A_119 = arith.constant 0 : i32
      %get3A_120 = arith.constant 7 : i32
      %get3A_121 = arith.index_cast %get3A_119 : i32 to index
      %get3A_122 = arith.index_cast %get3A_120 : i32 to index
      %get3A_123 = arith.constant 984 : index
      %get3A_124 = tpu.vector_load %arg8[%get3A_121, %get3A_122, %get3A_123] {strides = array<i32>} : memref<4x16x1000xf32, #tpu.memory_space<vmem>>, vector<1x1x16xf32>,
      %get3A_125 = vector.shape_cast %get3A_124 : vector<1x1x16xf32> to vector<16xf32>
      %mul3A_126 = arith.mulf %get3A_125, %select_n3A : vector<16xf32>
      %add3A_127 = arith.addf %scan3A_47#7, %mul3A_126 : vector<16xf32>
      %get3A_128 = arith.constant 0 : i32
      %get3A_129 = arith.constant 8 : i32
      %get3A_130 = arith.index_cast %get3A_128 : i32 to index
      %get3A_131 = arith.index_cast %get3A_129 : i32 to index
      %get3A_132 = arith.constant 984 : index
      %get3A_133 = tpu.vector_load %arg8[%get3A_130, %get3A_131, %get3A_132] {strides = array<i32>} : memref<4x16x1000xf32, #tpu.memory_space<vmem>>, vector<1x1x16xf32>,
      %get3A_134 = vector.shape_cast %get3A_133 : vector<1x1x16xf32> to vector<16xf32>
      %mul3A_135 = arith.mulf %get3A_134, %select_n3A : vector<16xf32>
      %add3A_136 = arith.addf %scan3A_47#8, %mul3A_135 : vector<16xf32>
      %get3A_137 = arith.constant 0 : i32
      %get3A_138 = arith.constant 9 : i32
      %get3A_139 = arith.index_cast %get3A_137 : i32 to index
      %get3A_140 = arith.index_cast %get3A_138 : i32 to index
      %get3A_141 = arith.constant 984 : index
      %get3A_142 = tpu.vector_load %arg8[%get3A_139, %get3A_140, %get3A_141] {strides = array<i32>} : memref<4x16x1000xf32, #tpu.memory_space<vmem>>, vector<1x1x16xf32>,
      %get3A_143 = vector.shape_cast %get3A_142 : vector<1x1x16xf32> to vector<16xf32>
      %mul3A_144 = arith.mulf %get3A_143, %select_n3A : vector<16xf32>
      %add3A_145 = arith.addf %scan3A_47#9, %mul3A_144 : vector<16xf32>
      %get3A_146 = arith.constant 0 : i32
      %get3A_147 = arith.constant 10 : i32
      %get3A_148 = arith.index_cast %get3A_146 : i32 to index
      %get3A_149 = arith.index_cast %get3A_147 : i32 to index
      %get3A_150 = arith.constant 984 : index
      %get3A_151 = tpu.vector_load %arg8[%get3A_148, %get3A_149, %get3A_150] {strides = array<i32>} : memref<4x16x1000xf32, #tpu.memory_space<vmem>>, vector<1x1x16xf32>,
      %get3A_152 = vector.shape_cast %get3A_151 : vector<1x1x16xf32> to vector<16xf32>
      %mul3A_153 = arith.mulf %get3A_152, %select_n3A : vector<16xf32>
      %add3A_154 = arith.addf %scan3A_47#10, %mul3A_153 : vector<16xf32>
      %get3A_155 = arith.constant 0 : i32
      %get3A_156 = arith.constant 11 : i32
      %get3A_157 = arith.index_cast %get3A_155 : i32 to index
      %get3A_158 = arith.index_cast %get3A_156 : i32 to index
      %get3A_159 = arith.constant 984 : index
      %get3A_160 = tpu.vector_load %arg8[%get3A_157, %get3A_158, %get3A_159] {strides = array<i32>} : memref<4x16x1000xf32, #tpu.memory_space<vmem>>, vector<1x1x16xf32>,
      %get3A_161 = vector.shape_cast %get3A_160 : vector<1x1x16xf32> to vector<16xf32>
      %mul3A_162 = arith.mulf %get3A_161, %select_n3A : vector<16xf32>
      %add3A_163 = arith.addf %scan3A_47#11, %mul3A_162 : vector<16xf32>
      %get3A_164 = arith.constant 0 : i32
      %get3A_165 = arith.constant 12 : i32
      %get3A_166 = arith.index_cast %get3A_164 : i32 to index
      %get3A_167 = arith.index_cast %get3A_165 : i32 to index
      %get3A_168 = arith.constant 984 : index
      %get3A_169 = tpu.vector_load %arg8[%get3A_166, %get3A_167, %get3A_168] {strides = array<i32>} : memref<4x16x1000xf32, #tpu.memory_space<vmem>>, vector<1x1x16xf32>,
      %get3A_170 = vector.shape_cast %get3A_169 : vector<1x1x16xf32> to vector<16xf32>
      %mul3A_171 = arith.mulf %get3A_170, %select_n3A : vector<16xf32>
      %add3A_172 = arith.addf %scan3A_47#12, %mul3A_171 : vector<16xf32>
      %get3A_173 = arith.constant 0 : i32
      %get3A_174 = arith.constant 13 : i32
      %get3A_175 = arith.index_cast %get3A_173 : i32 to index
      %get3A_176 = arith.index_cast %get3A_174 : i32 to index
      %get3A_177 = arith.constant 984 : index
      %get3A_178 = tpu.vector_load %arg8[%get3A_175, %get3A_176, %get3A_177] {strides = array<i32>} : memref<4x16x1000xf32, #tpu.memory_space<vmem>>, vector<1x1x16xf32>,
      %get3A_179 = vector.shape_cast %get3A_178 : vector<1x1x16xf32> to vector<16xf32>
      %mul3A_180 = arith.mulf %get3A_179, %select_n3A : vector<16xf32>
      %add3A_181 = arith.addf %scan3A_47#13, %mul3A_180 : vector<16xf32>
      %get3A_182 = arith.constant 0 : i32
      %get3A_183 = arith.constant 14 : i32
      %get3A_184 = arith.index_cast %get3A_182 : i32 to index
      %get3A_185 = arith.index_cast %get3A_183 : i32 to index
      %get3A_186 = arith.constant 984 : index
      %get3A_187 = tpu.vector_load %arg8[%get3A_184, %get3A_185, %get3A_186] {strides = array<i32>} : memref<4x16x1000xf32, #tpu.memory_space<vmem>>, vector<1x1x16xf32>,
      %get3A_188 = vector.shape_cast %get3A_187 : vector<1x1x16xf32> to vector<16xf32>
      %mul3A_189 = arith.mulf %get3A_188, %select_n3A : vector<16xf32>
      %add3A_190 = arith.addf %scan3A_47#14, %mul3A_189 : vector<16xf32>
      %get3A_191 = arith.constant 0 : i32
      %get3A_192 = arith.constant 15 : i32
      %get3A_193 = arith.index_cast %get3A_191 : i32 to index
      %get3A_194 = arith.index_cast %get3A_192 : i32 to index
      %get3A_195 = arith.constant 984 : index
      %get3A_196 = tpu.vector_load %arg8[%get3A_193, %get3A_194, %get3A_195] {strides = array<i32>} : memref<4x16x1000xf32, #tpu.memory_space<vmem>>, vector<1x1x16xf32>,
      %get3A_197 = vector.shape_cast %get3A_196 : vector<1x1x16xf32> to vector<16xf32>
      %mul3A_198 = arith.mulf %get3A_197, %select_n3A : vector<16xf32>
      %add3A_199 = arith.addf %scan3A_47#15, %mul3A_198 : vector<16xf32>
      %swap3A = arith.constant 0 : i32
      %swap3A_200 = arith.index_cast %swap3A : i32 to index
      %swap3A_201 = arith.constant 0 : index
      %swap3A_202 = tpu.vector_load %arg9[%swap3A_200, %swap3A_201] {strides = array<i32>} : memref<64x16xf32, #tpu.memory_space<vmem>>, vector<1x16xf32>,
      %swap3A_203 = vector.shape_cast %swap3A_202 : vector<1x16xf32> to vector<16xf32>
      %swap3A_204 = vector.shape_cast %add3A_64 : vector<16xf32> to vector<1x16xf32>
      tpu.vector_store %arg9[%swap3A_200, %swap3A_201], %swap3A_204 {strides = array<i32>} : memref<64x16xf32, #tpu.memory_space<vmem>>, vector<1x16xf32>,
      %swap3A_205 = arith.constant 1 : i32
      %swap3A_206 = arith.index_cast %swap3A_205 : i32 to index
      %swap3A_207 = arith.constant 0 : index
      %swap3A_208 = tpu.vector_load %arg9[%swap3A_206, %swap3A_207] {strides = array<i32>} : memref<64x16xf32, #tpu.memory_space<vmem>>, vector<1x16xf32>,
      %swap3A_209 = vector.shape_cast %swap3A_208 : vector<1x16xf32> to vector<16xf32>
      %swap3A_210 = vector.shape_cast %add3A_73 : vector<16xf32> to vector<1x16xf32>
      tpu.vector_store %arg9[%swap3A_206, %swap3A_207], %swap3A_210 {strides = array<i32>} : memref<64x16xf32, #tpu.memory_space<vmem>>, vector<1x16xf32>,
      %swap3A_211 = arith.constant 2 : i32
      %swap3A_212 = arith.index_cast %swap3A_211 : i32 to index
      %swap3A_213 = arith.constant 0 : index
      %swap3A_214 = tpu.vector_load %arg9[%swap3A_212, %swap3A_213] {strides = array<i32>} : memref<64x16xf32, #tpu.memory_space<vmem>>, vector<1x16xf32>,
      %swap3A_215 = vector.shape_cast %swap3A_214 : vector<1x16xf32> to vector<16xf32>
      %swap3A_216 = vector.shape_cast %add3A_82 : vector<16xf32> to vector<1x16xf32>
      tpu.vector_store %arg9[%swap3A_212, %swap3A_213], %swap3A_216 {strides = array<i32>} : memref<64x16xf32, #tpu.memory_space<vmem>>, vector<1x16xf32>,
      %swap3A_217 = arith.constant 3 : i32
      %swap3A_218 = arith.index_cast %swap3A_217 : i32 to index
      %swap3A_219 = arith.constant 0 : index
      %swap3A_220 = tpu.vector_load %arg9[%swap3A_218, %swap3A_219] {strides = array<i32>} : memref<64x16xf32, #tpu.memory_space<vmem>>, vector<1x16xf32>,
      %swap3A_221 = vector.shape_cast %swap3A_220 : vector<1x16xf32> to vector<16xf32>
      %swap3A_222 = vector.shape_cast %add3A_91 : vector<16xf32> to vector<1x16xf32>
      tpu.vector_store %arg9[%swap3A_218, %swap3A_219], %swap3A_222 {strides = array<i32>} : memref<64x16xf32, #tpu.memory_space<vmem>>, vector<1x16xf32>,
      %swap3A_223 = arith.constant 4 : i32
      %swap3A_224 = arith.index_cast %swap3A_223 : i32 to index
      %swap3A_225 = arith.constant 0 : index
      %swap3A_226 = tpu.vector_load %arg9[%swap3A_224, %swap3A_225] {strides = array<i32>} : memref<64x16xf32, #tpu.memory_space<vmem>>, vector<1x16xf32>,
      %swap3A_227 = vector.shape_cast %swap3A_226 : vector<1x16xf32> to vector<16xf32>
      %swap3A_228 = vector.shape_cast %add3A_100 : vector<16xf32> to vector<1x16xf32>
      tpu.vector_store %arg9[%swap3A_224, %swap3A_225], %swap3A_228 {strides = array<i32>} : memref<64x16xf32, #tpu.memory_space<vmem>>, vector<1x16xf32>,
      %swap3A_229 = arith.constant 5 : i32
      %swap3A_230 = arith.index_cast %swap3A_229 : i32 to index
      %swap3A_231 = arith.constant 0 : index
      %swap3A_232 = tpu.vector_load %arg9[%swap3A_230, %swap3A_231] {strides = array<i32>} : memref<64x16xf32, #tpu.memory_space<vmem>>, vector<1x16xf32>,
      %swap3A_233 = vector.shape_cast %swap3A_232 : vector<1x16xf32> to vector<16xf32>
      %swap3A_234 = vector.shape_cast %add3A_109 : vector<16xf32> to vector<1x16xf32>
      tpu.vector_store %arg9[%swap3A_230, %swap3A_231], %swap3A_234 {strides = array<i32>} : memref<64x16xf32, #tpu.memory_space<vmem>>, vector<1x16xf32>,
      %swap3A_235 = arith.constant 6 : i32
      %swap3A_236 = arith.index_cast %swap3A_235 : i32 to index
      %swap3A_237 = arith.constant 0 : index
      %swap3A_238 = tpu.vector_load %arg9[%swap3A_236, %swap3A_237] {strides = array<i32>} : memref<64x16xf32, #tpu.memory_space<vmem>>, vector<1x16xf32>,
      %swap3A_239 = vector.shape_cast %swap3A_238 : vector<1x16xf32> to vector<16xf32>
      %swap3A_240 = vector.shape_cast %add3A_118 : vector<16xf32> to vector<1x16xf32>
      tpu.vector_store %arg9[%swap3A_236, %swap3A_237], %swap3A_240 {strides = array<i32>} : memref<64x16xf32, #tpu.memory_space<vmem>>, vector<1x16xf32>,
      %swap3A_241 = arith.constant 7 : i32
      %swap3A_242 = arith.index_cast %swap3A_241 : i32 to index
      %swap3A_243 = arith.constant 0 : index
      %swap3A_244 = tpu.vector_load %arg9[%swap3A_242, %swap3A_243] {strides = array<i32>} : memref<64x16xf32, #tpu.memory_space<vmem>>, vector<1x16xf32>,
      %swap3A_245 = vector.shape_cast %swap3A_244 : vector<1x16xf32> to vector<16xf32>
      %swap3A_246 = vector.shape_cast %add3A_127 : vector<16xf32> to vector<1x16xf32>
      tpu.vector_store %arg9[%swap3A_242, %swap3A_243], %swap3A_246 {strides = array<i32>} : memref<64x16xf32, #tpu.memory_space<vmem>>, vector<1x16xf32>,
      %swap3A_247 = arith.constant 8 : i32
      %swap3A_248 = arith.index_cast %swap3A_247 : i32 to index
      %swap3A_249 = arith.constant 0 : index
      %swap3A_250 = tpu.vector_load %arg9[%swap3A_248, %swap3A_249] {strides = array<i32>} : memref<64x16xf32, #tpu.memory_space<vmem>>, vector<1x16xf32>,
      %swap3A_251 = vector.shape_cast %swap3A_250 : vector<1x16xf32> to vector<16xf32>
      %swap3A_252 = vector.shape_cast %add3A_136 : vector<16xf32> to vector<1x16xf32>
      tpu.vector_store %arg9[%swap3A_248, %swap3A_249], %swap3A_252 {strides = array<i32>} : memref<64x16xf32, #tpu.memory_space<vmem>>, vector<1x16xf32>,
      %swap3A_253 = arith.constant 9 : i32
      %swap3A_254 = arith.index_cast %swap3A_253 : i32 to index
      %swap3A_255 = arith.constant 0 : index
      %swap3A_256 = tpu.vector_load %arg9[%swap3A_254, %swap3A_255] {strides = array<i32>} : memref<64x16xf32, #tpu.memory_space<vmem>>, vector<1x16xf32>,
      %swap3A_257 = vector.shape_cast %swap3A_256 : vector<1x16xf32> to vector<16xf32>
      %swap3A_258 = vector.shape_cast %add3A_145 : vector<16xf32> to vector<1x16xf32>
      tpu.vector_store %arg9[%swap3A_254, %swap3A_255], %swap3A_258 {strides = array<i32>} : memref<64x16xf32, #tpu.memory_space<vmem>>, vector<1x16xf32>,
      %swap3A_259 = arith.constant 10 : i32
      %swap3A_260 = arith.index_cast %swap3A_259 : i32 to index
      %swap3A_261 = arith.constant 0 : index
      %swap3A_262 = tpu.vector_load %arg9[%swap3A_260, %swap3A_261] {strides = array<i32>} : memref<64x16xf32, #tpu.memory_space<vmem>>, vector<1x16xf32>,
      %swap3A_263 = vector.shape_cast %swap3A_262 : vector<1x16xf32> to vector<16xf32>
      %swap3A_264 = vector.shape_cast %add3A_154 : vector<16xf32> to vector<1x16xf32>
      tpu.vector_store %arg9[%swap3A_260, %swap3A_261], %swap3A_264 {strides = array<i32>} : memref<64x16xf32, #tpu.memory_space<vmem>>, vector<1x16xf32>,
      %swap3A_265 = arith.constant 11 : i32
      %swap3A_266 = arith.index_cast %swap3A_265 : i32 to index
      %swap3A_267 = arith.constant 0 : index
      %swap3A_268 = tpu.vector_load %arg9[%swap3A_266, %swap3A_267] {strides = array<i32>} : memref<64x16xf32, #tpu.memory_space<vmem>>, vector<1x16xf32>,
      %swap3A_269 = vector.shape_cast %swap3A_268 : vector<1x16xf32> to vector<16xf32>
      %swap3A_270 = vector.shape_cast %add3A_163 : vector<16xf32> to vector<1x16xf32>
      tpu.vector_store %arg9[%swap3A_266, %swap3A_267], %swap3A_270 {strides = array<i32>} : memref<64x16xf32, #tpu.memory_space<vmem>>, vector<1x16xf32>,
      %swap3A_271 = arith.constant 12 : i32
      %swap3A_272 = arith.index_cast %swap3A_271 : i32 to index
      %swap3A_273 = arith.constant 0 : index
      %swap3A_274 = tpu.vector_load %arg9[%swap3A_272, %swap3A_273] {strides = array<i32>} : memref<64x16xf32, #tpu.memory_space<vmem>>, vector<1x16xf32>,
      %swap3A_275 = vector.shape_cast %swap3A_274 : vector<1x16xf32> to vector<16xf32>
      %swap3A_276 = vector.shape_cast %add3A_172 : vector<16xf32> to vector<1x16xf32>
      tpu.vector_store %arg9[%swap3A_272, %swap3A_273], %swap3A_276 {strides = array<i32>} : memref<64x16xf32, #tpu.memory_space<vmem>>, vector<1x16xf32>,
      %swap3A_277 = arith.constant 13 : i32
      %swap3A_278 = arith.index_cast %swap3A_277 : i32 to index
      %swap3A_279 = arith.constant 0 : index
      %swap3A_280 = tpu.vector_load %arg9[%swap3A_278, %swap3A_279] {strides = array<i32>} : memref<64x16xf32, #tpu.memory_space<vmem>>, vector<1x16xf32>,
      %swap3A_281 = vector.shape_cast %swap3A_280 : vector<1x16xf32> to vector<16xf32>
      %swap3A_282 = vector.shape_cast %add3A_181 : vector<16xf32> to vector<1x16xf32>
      tpu.vector_store %arg9[%swap3A_278, %swap3A_279], %swap3A_282 {strides = array<i32>} : memref<64x16xf32, #tpu.memory_space<vmem>>, vector<1x16xf32>,
      %swap3A_283 = arith.constant 14 : i32
      %swap3A_284 = arith.index_cast %swap3A_283 : i32 to index
      %swap3A_285 = arith.constant 0 : index
      %swap3A_286 = tpu.vector_load %arg9[%swap3A_284, %swap3A_285] {strides = array<i32>} : memref<64x16xf32, #tpu.memory_space<vmem>>, vector<1x16xf32>,
      %swap3A_287 = vector.shape_cast %swap3A_286 : vector<1x16xf32> to vector<16xf32>
      %swap3A_288 = vector.shape_cast %add3A_190 : vector<16xf32> to vector<1x16xf32>
      tpu.vector_store %arg9[%swap3A_284, %swap3A_285], %swap3A_288 {strides = array<i32>} : memref<64x16xf32, #tpu.memory_space<vmem>>, vector<1x16xf32>,
      %swap3A_289 = arith.constant 15 : i32
      %swap3A_290 = arith.index_cast %swap3A_289 : i32 to index
      %swap3A_291 = arith.constant 0 : index
      %swap3A_292 = tpu.vector_load %arg9[%swap3A_290, %swap3A_291] {strides = array<i32>} : memref<64x16xf32, #tpu.memory_space<vmem>>, vector<1x16xf32>,
      %swap3A_293 = vector.shape_cast %swap3A_292 : vector<1x16xf32> to vector<16xf32>
      %swap3A_294 = vector.shape_cast %add3A_199 : vector<16xf32> to vector<1x16xf32>
      tpu.vector_store %arg9[%swap3A_290, %swap3A_291], %swap3A_294 {strides = array<i32>} : memref<64x16xf32, #tpu.memory_space<vmem>>, vector<1x16xf32>,
      %run_scoped3A_295 = arith.constant 1 : i32
      %run_scoped3A_296 = arith.constant 1 : i32
      "tpu.region"() ({
        %run_scoped3A_1166 = tpu.sem_alloc : memref<!tpu.dma_semaphore, #tpu.memory_space<semaphore_mem>>
        %dma_start3A = arith.constant 0 : i32
        %dma_start3A_1167 = arith.constant 0 : i32
        %dma_start3A_1168 = tpu.memref_slice %arg8[%run_scoped3A_296, %dma_start3A, %dma_start3A_1167] : memref<4x16x1000xf32, #tpu.memory_space<vmem>> -> memref<1x16x1000xf32, #tpu.memory_space<vmem>>
        %dma_start3A_1169 = tpu.memref_squeeze %dma_start3A_1168 : memref<1x16x1000xf32, #tpu.memory_space<vmem>> -> memref<16x1000xf32, #tpu.memory_space<vmem>>
        %dma_start3A_1170 = arith.constant 0 : i32
        %dma_start3A_1171 = arith.constant 0 : i32
        %dma_start3A_1172 = tpu.memref_slice %arg3[%squeeze3A, %run_scoped3A_295, %dma_start3A_1170, %dma_start3A_1171] : memref<1000x4x16x1000xf32, #tpu.memory_space<hbm>> -> memref<1x1x16x1000xf32, #tpu.memory_space<hbm>>
        %dma_start3A_1173 = tpu.memref_squeeze %dma_start3A_1172 : memref<1x1x16x1000xf32, #tpu.memory_space<hbm>> -> memref<16x1000xf32, #tpu.memory_space<hbm>>
        %dma_start3A_1174 = arith.constant 0 : i32
        %dma_start3A_1175 = arith.constant 0 : i32
        %dma_start3A_1176 = tpu.memref_slice %arg8[%run_scoped3A_296, %dma_start3A_1174, %dma_start3A_1175] : memref<4x16x1000xf32, #tpu.memory_space<vmem>> -> memref<1x16x1000xf32, #tpu.memory_space<vmem>>
        %dma_start3A_1177 = tpu.memref_squeeze %dma_start3A_1176 : memref<1x16x1000xf32, #tpu.memory_space<vmem>> -> memref<16x1000xf32, #tpu.memory_space<vmem>>
        %dma_start3A_1178 = arith.constant 0 : i32
        %dma_start3A_1179 = arith.constant 0 : i32
        %dma_start3A_1180 = tpu.memref_slice %arg3[%squeeze3A, %run_scoped3A_295, %dma_start3A_1178, %dma_start3A_1179] : memref<1000x4x16x1000xf32, #tpu.memory_space<hbm>> -> memref<1x1x16x1000xf32, #tpu.memory_space<hbm>>
        %dma_start3A_1181 = tpu.memref_squeeze %dma_start3A_1180 : memref<1x1x16x1000xf32, #tpu.memory_space<hbm>> -> memref<16x1000xf32, #tpu.memory_space<hbm>>
        tpu.enqueue_dma source(%dma_start3A_1181 : memref<16x1000xf32, #tpu.memory_space<hbm>>) target(%dma_start3A_1177 : memref<16x1000xf32, #tpu.memory_space<vmem>>) target_semaphore(%run_scoped3A_1166 : memref<!tpu.dma_semaphore, #tpu.memory_space<semaphore_mem>>)
        %dma_wait3A = arith.constant 0 : i32
        %dma_wait3A_1182 = arith.constant 0 : i32
        %dma_wait3A_1183 = tpu.memref_slice %arg8[%run_scoped3A_296, %dma_wait3A, %dma_wait3A_1182] : memref<4x16x1000xf32, #tpu.memory_space<vmem>> -> memref<1x16x1000xf32, #tpu.memory_space<vmem>>
        %dma_wait3A_1184 = tpu.memref_squeeze %dma_wait3A_1183 : memref<1x16x1000xf32, #tpu.memory_space<vmem>> -> memref<16x1000xf32, #tpu.memory_space<vmem>>
        %dma_wait3A_1185 = arith.constant 0 : i32
        %dma_wait3A_1186 = arith.constant 0 : i32
        %dma_wait3A_1187 = tpu.memref_slice %arg3[%squeeze3A, %run_scoped3A_295, %dma_wait3A_1185, %dma_wait3A_1186] : memref<1000x4x16x1000xf32, #tpu.memory_space<hbm>> -> memref<1x1x16x1000xf32, #tpu.memory_space<hbm>>
        %dma_wait3A_1188 = tpu.memref_squeeze %dma_wait3A_1187 : memref<1x1x16x1000xf32, #tpu.memory_space<hbm>> -> memref<16x1000xf32, #tpu.memory_space<hbm>>
        %dma_wait3A_1189 = arith.constant 0 : i32
        %dma_wait3A_1190 = arith.constant 0 : i32
        %dma_wait3A_1191 = tpu.memref_slice %arg8[%run_scoped3A_296, %dma_wait3A_1189, %dma_wait3A_1190] : memref<4x16x1000xf32, #tpu.memory_space<vmem>> -> memref<1x16x1000xf32, #tpu.memory_space<vmem>>
        %dma_wait3A_1192 = tpu.memref_squeeze %dma_wait3A_1191 : memref<1x16x1000xf32, #tpu.memory_space<vmem>> -> memref<16x1000xf32, #tpu.memory_space<vmem>>
        %dma_wait3A_1193 = arith.constant 0 : i32
        %dma_wait3A_1194 = arith.constant 0 : i32
        %dma_wait3A_1195 = tpu.memref_slice %arg3[%squeeze3A, %run_scoped3A_295, %dma_wait3A_1193, %dma_wait3A_1194] : memref<1000x4x16x1000xf32, #tpu.memory_space<hbm>> -> memref<1x1x16x1000xf32, #tpu.memory_space<hbm>>
        %dma_wait3A_1196 = tpu.memref_squeeze %dma_wait3A_1195 : memref<1x1x16x1000xf32, #tpu.memory_space<hbm>> -> memref<16x1000xf32, #tpu.memory_space<hbm>>
        tpu.wait_dma2 semaphore(%run_scoped3A_1166 : memref<!tpu.dma_semaphore, #tpu.memory_space<semaphore_mem>>) src(%dma_wait3A_1196 : memref<16x1000xf32, #tpu.memory_space<hbm>>) dst(%dma_wait3A_1192 : memref<16x1000xf32, #tpu.memory_space<vmem>>)
        tpu.yield
      }) : () -> ()
      %broadcast_in_dim3A_297 = arith.constant 0.000000e+00 : f32
      %broadcast_in_dim3A_298 = vector.broadcast %broadcast_in_dim3A_297 : f32 to vector<16xf32>
      %broadcast_in_dim3A_299 = arith.constant 0.000000e+00 : f32
      %broadcast_in_dim3A_300 = vector.broadcast %broadcast_in_dim3A_299 : f32 to vector<16xf32>
      %broadcast_in_dim3A_301 = arith.constant 0.000000e+00 : f32
      %broadcast_in_dim3A_302 = vector.broadcast %broadcast_in_dim3A_301 : f32 to vector<16xf32>
      %broadcast_in_dim3A_303 = arith.constant 0.000000e+00 : f32
      %broadcast_in_dim3A_304 = vector.broadcast %broadcast_in_dim3A_303 : f32 to vector<16xf32>
      %broadcast_in_dim3A_305 = arith.constant 0.000000e+00 : f32
      %broadcast_in_dim3A_306 = vector.broadcast %broadcast_in_dim3A_305 : f32 to vector<16xf32>
      %broadcast_in_dim3A_307 = arith.constant 0.000000e+00 : f32
      %broadcast_in_dim3A_308 = vector.broadcast %broadcast_in_dim3A_307 : f32 to vector<16xf32>
      %broadcast_in_dim3A_309 = arith.constant 0.000000e+00 : f32
      %broadcast_in_dim3A_310 = vector.broadcast %broadcast_in_dim3A_309 : f32 to vector<16xf32>
      %broadcast_in_dim3A_311 = arith.constant 0.000000e+00 : f32
      %broadcast_in_dim3A_312 = vector.broadcast %broadcast_in_dim3A_311 : f32 to vector<16xf32>
      %broadcast_in_dim3A_313 = arith.constant 0.000000e+00 : f32
      %broadcast_in_dim3A_314 = vector.broadcast %broadcast_in_dim3A_313 : f32 to vector<16xf32>
      %broadcast_in_dim3A_315 = arith.constant 0.000000e+00 : f32
      %broadcast_in_dim3A_316 = vector.broadcast %broadcast_in_dim3A_315 : f32 to vector<16xf32>
      %broadcast_in_dim3A_317 = arith.constant 0.000000e+00 : f32
      %broadcast_in_dim3A_318 = vector.broadcast %broadcast_in_dim3A_317 : f32 to vector<16xf32>
      %broadcast_in_dim3A_319 = arith.constant 0.000000e+00 : f32
      %broadcast_in_dim3A_320 = vector.broadcast %broadcast_in_dim3A_319 : f32 to vector<16xf32>
      %broadcast_in_dim3A_321 = arith.constant 0.000000e+00 : f32
      %broadcast_in_dim3A_322 = vector.broadcast %broadcast_in_dim3A_321 : f32 to vector<16xf32>
      %broadcast_in_dim3A_323 = arith.constant 0.000000e+00 : f32
      %broadcast_in_dim3A_324 = vector.broadcast %broadcast_in_dim3A_323 : f32 to vector<16xf32>
      %broadcast_in_dim3A_325 = arith.constant 0.000000e+00 : f32
      %broadcast_in_dim3A_326 = vector.broadcast %broadcast_in_dim3A_325 : f32 to vector<16xf32>
      %broadcast_in_dim3A_327 = arith.constant 0.000000e+00 : f32
      %broadcast_in_dim3A_328 = vector.broadcast %broadcast_in_dim3A_327 : f32 to vector<16xf32>
      %scan3A_329 = arith.constant 0 : i32
      %scan3A_330 = arith.constant 62 : i32
      %scan3A_331 = arith.addi %scan3A_329, %scan3A_330 : i32
      %scan3A_332 = arith.constant 2 : i32
      %scan3A_333:16 = scf.for %scan3A_1166 = %scan3A_329 to %scan3A_331 step %scan3A_332 iter_args(%scan3A_1167 = %broadcast_in_dim3A_298, %scan3A_1168 = %broadcast_in_dim3A_300, %scan3A_1169 = %broadcast_in_dim3A_302, %scan3A_1170 = %broadcast_in_dim3A_304, %scan3A_1171 = %broadcast_in_dim3A_306, %scan3A_1172 = %broadcast_in_dim3A_308, %scan3A_1173 = %broadcast_in_dim3A_310, %scan3A_1174 = %broadcast_in_dim3A_312, %scan3A_1175 = %broadcast_in_dim3A_314, %scan3A_1176 = %broadcast_in_dim3A_316, %scan3A_1177 = %broadcast_in_dim3A_318, %scan3A_1178 = %broadcast_in_dim3A_320, %scan3A_1179 = %broadcast_in_dim3A_322, %scan3A_1180 = %broadcast_in_dim3A_324, %scan3A_1181 = %broadcast_in_dim3A_326, %scan3A_1182 = %broadcast_in_dim3A_328) -> (vector<16xf32>, vector<16xf32>, vector<16xf32>, vector<16xf32>, vector<16xf32>, vector<16xf32>, vector<16xf32>, vector<16xf32>, vector<16xf32>, vector<16xf32>, vector<16xf32>, vector<16xf32>, vector<16xf32>, vector<16xf32>, vector<16xf32>, vector<16xf32>)  : i32 {
        %mul3A_1183 = arith.constant 16 : i32
        %mul3A_1184 = arith.muli %scan3A_1166, %mul3A_1183 : i32
        %get3A_1185 = arith.index_cast %scan3A_8 : i32 to index
        %get3A_1186 = arith.index_cast %mul3A_1184 : i32 to index
        %get3A_1187 = tpu.vector_load %arg7[%get3A_1185, %get3A_1186] {strides = array<i32>} : memref<32x1000xf32, #tpu.memory_space<vmem>>, vector<1x16xf32>,
        %get3A_1188 = vector.shape_cast %get3A_1187 : vector<1x16xf32> to vector<16xf32>
        %mul3A_1189 = arith.constant 16 : i32
        %mul3A_1190 = arith.muli %scan3A_1166, %mul3A_1189 : i32
        %get3A_1191 = arith.constant 1 : i32
        %get3A_1192 = arith.constant 0 : i32
        %get3A_1193 = arith.index_cast %get3A_1191 : i32 to index
        %get3A_1194 = arith.index_cast %get3A_1192 : i32 to index
        %get3A_1195 = arith.index_cast %mul3A_1190 : i32 to index
        %get3A_1196 = tpu.vector_load %arg8[%get3A_1193, %get3A_1194, %get3A_1195] {strides = array<i32>} : memref<4x16x1000xf32, #tpu.memory_space<vmem>>, vector<1x1x16xf32>,
        %get3A_1197 = vector.shape_cast %get3A_1196 : vector<1x1x16xf32> to vector<16xf32>
        %mul3A_1198 = arith.mulf %get3A_1197, %get3A_1188 : vector<16xf32>
        %add3A_1199 = arith.addf %scan3A_1167, %mul3A_1198 : vector<16xf32>
        %mul3A_1200 = arith.constant 16 : i32
        %mul3A_1201 = arith.muli %scan3A_1166, %mul3A_1200 : i32
        %get3A_1202 = arith.constant 1 : i32
        %get3A_1203 = arith.constant 1 : i32
        %get3A_1204 = arith.index_cast %get3A_1202 : i32 to index
        %get3A_1205 = arith.index_cast %get3A_1203 : i32 to index
        %get3A_1206 = arith.index_cast %mul3A_1201 : i32 to index
        %get3A_1207 = tpu.vector_load %arg8[%get3A_1204, %get3A_1205, %get3A_1206] {strides = array<i32>} : memref<4x16x1000xf32, #tpu.memory_space<vmem>>, vector<1x1x16xf32>,
        %get3A_1208 = vector.shape_cast %get3A_1207 : vector<1x1x16xf32> to vector<16xf32>
        %mul3A_1209 = arith.mulf %get3A_1208, %get3A_1188 : vector<16xf32>
        %add3A_1210 = arith.addf %scan3A_1168, %mul3A_1209 : vector<16xf32>
        %mul3A_1211 = arith.constant 16 : i32
        %mul3A_1212 = arith.muli %scan3A_1166, %mul3A_1211 : i32
        %get3A_1213 = arith.constant 1 : i32
        %get3A_1214 = arith.constant 2 : i32
        %get3A_1215 = arith.index_cast %get3A_1213 : i32 to index
        %get3A_1216 = arith.index_cast %get3A_1214 : i32 to index
        %get3A_1217 = arith.index_cast %mul3A_1212 : i32 to index
        %get3A_1218 = tpu.vector_load %arg8[%get3A_1215, %get3A_1216, %get3A_1217] {strides = array<i32>} : memref<4x16x1000xf32, #tpu.memory_space<vmem>>, vector<1x1x16xf32>,
        %get3A_1219 = vector.shape_cast %get3A_1218 : vector<1x1x16xf32> to vector<16xf32>
        %mul3A_1220 = arith.mulf %get3A_1219, %get3A_1188 : vector<16xf32>
        %add3A_1221 = arith.addf %scan3A_1169, %mul3A_1220 : vector<16xf32>
        %mul3A_1222 = arith.constant 16 : i32
        %mul3A_1223 = arith.muli %scan3A_1166, %mul3A_1222 : i32
        %get3A_1224 = arith.constant 1 : i32
        %get3A_1225 = arith.constant 3 : i32
        %get3A_1226 = arith.index_cast %get3A_1224 : i32 to index
        %get3A_1227 = arith.index_cast %get3A_1225 : i32 to index
        %get3A_1228 = arith.index_cast %mul3A_1223 : i32 to index
        %get3A_1229 = tpu.vector_load %arg8[%get3A_1226, %get3A_1227, %get3A_1228] {strides = array<i32>} : memref<4x16x1000xf32, #tpu.memory_space<vmem>>, vector<1x1x16xf32>,
        %get3A_1230 = vector.shape_cast %get3A_1229 : vector<1x1x16xf32> to vector<16xf32>
        %mul3A_1231 = arith.mulf %get3A_1230, %get3A_1188 : vector<16xf32>
        %add3A_1232 = arith.addf %scan3A_1170, %mul3A_1231 : vector<16xf32>
        %mul3A_1233 = arith.constant 16 : i32
        %mul3A_1234 = arith.muli %scan3A_1166, %mul3A_1233 : i32
        %get3A_1235 = arith.constant 1 : i32
        %get3A_1236 = arith.constant 4 : i32
        %get3A_1237 = arith.index_cast %get3A_1235 : i32 to index
        %get3A_1238 = arith.index_cast %get3A_1236 : i32 to index
        %get3A_1239 = arith.index_cast %mul3A_1234 : i32 to index
        %get3A_1240 = tpu.vector_load %arg8[%get3A_1237, %get3A_1238, %get3A_1239] {strides = array<i32>} : memref<4x16x1000xf32, #tpu.memory_space<vmem>>, vector<1x1x16xf32>,
        %get3A_1241 = vector.shape_cast %get3A_1240 : vector<1x1x16xf32> to vector<16xf32>
        %mul3A_1242 = arith.mulf %get3A_1241, %get3A_1188 : vector<16xf32>
        %add3A_1243 = arith.addf %scan3A_1171, %mul3A_1242 : vector<16xf32>
        %mul3A_1244 = arith.constant 16 : i32
        %mul3A_1245 = arith.muli %scan3A_1166, %mul3A_1244 : i32
        %get3A_1246 = arith.constant 1 : i32
        %get3A_1247 = arith.constant 5 : i32
        %get3A_1248 = arith.index_cast %get3A_1246 : i32 to index
        %get3A_1249 = arith.index_cast %get3A_1247 : i32 to index
        %get3A_1250 = arith.index_cast %mul3A_1245 : i32 to index
        %get3A_1251 = tpu.vector_load %arg8[%get3A_1248, %get3A_1249, %get3A_1250] {strides = array<i32>} : memref<4x16x1000xf32, #tpu.memory_space<vmem>>, vector<1x1x16xf32>,
        %get3A_1252 = vector.shape_cast %get3A_1251 : vector<1x1x16xf32> to vector<16xf32>
        %mul3A_1253 = arith.mulf %get3A_1252, %get3A_1188 : vector<16xf32>
        %add3A_1254 = arith.addf %scan3A_1172, %mul3A_1253 : vector<16xf32>
        %mul3A_1255 = arith.constant 16 : i32
        %mul3A_1256 = arith.muli %scan3A_1166, %mul3A_1255 : i32
        %get3A_1257 = arith.constant 1 : i32
        %get3A_1258 = arith.constant 6 : i32
        %get3A_1259 = arith.index_cast %get3A_1257 : i32 to index
        %get3A_1260 = arith.index_cast %get3A_1258 : i32 to index
        %get3A_1261 = arith.index_cast %mul3A_1256 : i32 to index
        %get3A_1262 = tpu.vector_load %arg8[%get3A_1259, %get3A_1260, %get3A_1261] {strides = array<i32>} : memref<4x16x1000xf32, #tpu.memory_space<vmem>>, vector<1x1x16xf32>,
        %get3A_1263 = vector.shape_cast %get3A_1262 : vector<1x1x16xf32> to vector<16xf32>
        %mul3A_1264 = arith.mulf %get3A_1263, %get3A_1188 : vector<16xf32>
        %add3A_1265 = arith.addf %scan3A_1173, %mul3A_1264 : vector<16xf32>
        %mul3A_1266 = arith.constant 16 : i32
        %mul3A_1267 = arith.muli %scan3A_1166, %mul3A_1266 : i32
        %get3A_1268 = arith.constant 1 : i32
        %get3A_1269 = arith.constant 7 : i32
        %get3A_1270 = arith.index_cast %get3A_1268 : i32 to index
        %get3A_1271 = arith.index_cast %get3A_1269 : i32 to index
        %get3A_1272 = arith.index_cast %mul3A_1267 : i32 to index
        %get3A_1273 = tpu.vector_load %arg8[%get3A_1270, %get3A_1271, %get3A_1272] {strides = array<i32>} : memref<4x16x1000xf32, #tpu.memory_space<vmem>>, vector<1x1x16xf32>,
        %get3A_1274 = vector.shape_cast %get3A_1273 : vector<1x1x16xf32> to vector<16xf32>
        %mul3A_1275 = arith.mulf %get3A_1274, %get3A_1188 : vector<16xf32>
        %add3A_1276 = arith.addf %scan3A_1174, %mul3A_1275 : vector<16xf32>
        %mul3A_1277 = arith.constant 16 : i32
        %mul3A_1278 = arith.muli %scan3A_1166, %mul3A_1277 : i32
        %get3A_1279 = arith.constant 1 : i32
        %get3A_1280 = arith.constant 8 : i32
        %get3A_1281 = arith.index_cast %get3A_1279 : i32 to index
        %get3A_1282 = arith.index_cast %get3A_1280 : i32 to index
        %get3A_1283 = arith.index_cast %mul3A_1278 : i32 to index
        %get3A_1284 = tpu.vector_load %arg8[%get3A_1281, %get3A_1282, %get3A_1283] {strides = array<i32>} : memref<4x16x1000xf32, #tpu.memory_space<vmem>>, vector<1x1x16xf32>,
        %get3A_1285 = vector.shape_cast %get3A_1284 : vector<1x1x16xf32> to vector<16xf32>
        %mul3A_1286 = arith.mulf %get3A_1285, %get3A_1188 : vector<16xf32>
        %add3A_1287 = arith.addf %scan3A_1175, %mul3A_1286 : vector<16xf32>
        %mul3A_1288 = arith.constant 16 : i32
        %mul3A_1289 = arith.muli %scan3A_1166, %mul3A_1288 : i32
        %get3A_1290 = arith.constant 1 : i32
        %get3A_1291 = arith.constant 9 : i32
        %get3A_1292 = arith.index_cast %get3A_1290 : i32 to index
        %get3A_1293 = arith.index_cast %get3A_1291 : i32 to index
        %get3A_1294 = arith.index_cast %mul3A_1289 : i32 to index
        %get3A_1295 = tpu.vector_load %arg8[%get3A_1292, %get3A_1293, %get3A_1294] {strides = array<i32>} : memref<4x16x1000xf32, #tpu.memory_space<vmem>>, vector<1x1x16xf32>,
        %get3A_1296 = vector.shape_cast %get3A_1295 : vector<1x1x16xf32> to vector<16xf32>
        %mul3A_1297 = arith.mulf %get3A_1296, %get3A_1188 : vector<16xf32>
        %add3A_1298 = arith.addf %scan3A_1176, %mul3A_1297 : vector<16xf32>
        %mul3A_1299 = arith.constant 16 : i32
        %mul3A_1300 = arith.muli %scan3A_1166, %mul3A_1299 : i32
        %get3A_1301 = arith.constant 1 : i32
        %get3A_1302 = arith.constant 10 : i32
        %get3A_1303 = arith.index_cast %get3A_1301 : i32 to index
        %get3A_1304 = arith.index_cast %get3A_1302 : i32 to index
        %get3A_1305 = arith.index_cast %mul3A_1300 : i32 to index
        %get3A_1306 = tpu.vector_load %arg8[%get3A_1303, %get3A_1304, %get3A_1305] {strides = array<i32>} : memref<4x16x1000xf32, #tpu.memory_space<vmem>>, vector<1x1x16xf32>,
        %get3A_1307 = vector.shape_cast %get3A_1306 : vector<1x1x16xf32> to vector<16xf32>
        %mul3A_1308 = arith.mulf %get3A_1307, %get3A_1188 : vector<16xf32>
        %add3A_1309 = arith.addf %scan3A_1177, %mul3A_1308 : vector<16xf32>
        %mul3A_1310 = arith.constant 16 : i32
        %mul3A_1311 = arith.muli %scan3A_1166, %mul3A_1310 : i32
        %get3A_1312 = arith.constant 1 : i32
        %get3A_1313 = arith.constant 11 : i32
        %get3A_1314 = arith.index_cast %get3A_1312 : i32 to index
        %get3A_1315 = arith.index_cast %get3A_1313 : i32 to index
        %get3A_1316 = arith.index_cast %mul3A_1311 : i32 to index
        %get3A_1317 = tpu.vector_load %arg8[%get3A_1314, %get3A_1315, %get3A_1316] {strides = array<i32>} : memref<4x16x1000xf32, #tpu.memory_space<vmem>>, vector<1x1x16xf32>,
        %get3A_1318 = vector.shape_cast %get3A_1317 : vector<1x1x16xf32> to vector<16xf32>
        %mul3A_1319 = arith.mulf %get3A_1318, %get3A_1188 : vector<16xf32>
        %add3A_1320 = arith.addf %scan3A_1178, %mul3A_1319 : vector<16xf32>
        %mul3A_1321 = arith.constant 16 : i32
        %mul3A_1322 = arith.muli %scan3A_1166, %mul3A_1321 : i32
        %get3A_1323 = arith.constant 1 : i32
        %get3A_1324 = arith.constant 12 : i32
        %get3A_1325 = arith.index_cast %get3A_1323 : i32 to index
        %get3A_1326 = arith.index_cast %get3A_1324 : i32 to index
        %get3A_1327 = arith.index_cast %mul3A_1322 : i32 to index
        %get3A_1328 = tpu.vector_load %arg8[%get3A_1325, %get3A_1326, %get3A_1327] {strides = array<i32>} : memref<4x16x1000xf32, #tpu.memory_space<vmem>>, vector<1x1x16xf32>,
        %get3A_1329 = vector.shape_cast %get3A_1328 : vector<1x1x16xf32> to vector<16xf32>
        %mul3A_1330 = arith.mulf %get3A_1329, %get3A_1188 : vector<16xf32>
        %add3A_1331 = arith.addf %scan3A_1179, %mul3A_1330 : vector<16xf32>
        %mul3A_1332 = arith.constant 16 : i32
        %mul3A_1333 = arith.muli %scan3A_1166, %mul3A_1332 : i32
        %get3A_1334 = arith.constant 1 : i32
        %get3A_1335 = arith.constant 13 : i32
        %get3A_1336 = arith.index_cast %get3A_1334 : i32 to index
        %get3A_1337 = arith.index_cast %get3A_1335 : i32 to index
        %get3A_1338 = arith.index_cast %mul3A_1333 : i32 to index
        %get3A_1339 = tpu.vector_load %arg8[%get3A_1336, %get3A_1337, %get3A_1338] {strides = array<i32>} : memref<4x16x1000xf32, #tpu.memory_space<vmem>>, vector<1x1x16xf32>,
        %get3A_1340 = vector.shape_cast %get3A_1339 : vector<1x1x16xf32> to vector<16xf32>
        %mul3A_1341 = arith.mulf %get3A_1340, %get3A_1188 : vector<16xf32>
        %add3A_1342 = arith.addf %scan3A_1180, %mul3A_1341 : vector<16xf32>
        %mul3A_1343 = arith.constant 16 : i32
        %mul3A_1344 = arith.muli %scan3A_1166, %mul3A_1343 : i32
        %get3A_1345 = arith.constant 1 : i32
        %get3A_1346 = arith.constant 14 : i32
        %get3A_1347 = arith.index_cast %get3A_1345 : i32 to index
        %get3A_1348 = arith.index_cast %get3A_1346 : i32 to index
        %get3A_1349 = arith.index_cast %mul3A_1344 : i32 to index
        %get3A_1350 = tpu.vector_load %arg8[%get3A_1347, %get3A_1348, %get3A_1349] {strides = array<i32>} : memref<4x16x1000xf32, #tpu.memory_space<vmem>>, vector<1x1x16xf32>,
        %get3A_1351 = vector.shape_cast %get3A_1350 : vector<1x1x16xf32> to vector<16xf32>
        %mul3A_1352 = arith.mulf %get3A_1351, %get3A_1188 : vector<16xf32>
        %add3A_1353 = arith.addf %scan3A_1181, %mul3A_1352 : vector<16xf32>
        %mul3A_1354 = arith.constant 16 : i32
        %mul3A_1355 = arith.muli %scan3A_1166, %mul3A_1354 : i32
        %get3A_1356 = arith.constant 1 : i32
        %get3A_1357 = arith.constant 15 : i32
        %get3A_1358 = arith.index_cast %get3A_1356 : i32 to index
        %get3A_1359 = arith.index_cast %get3A_1357 : i32 to index
        %get3A_1360 = arith.index_cast %mul3A_1355 : i32 to index
        %get3A_1361 = tpu.vector_load %arg8[%get3A_1358, %get3A_1359, %get3A_1360] {strides = array<i32>} : memref<4x16x1000xf32, #tpu.memory_space<vmem>>, vector<1x1x16xf32>,
        %get3A_1362 = vector.shape_cast %get3A_1361 : vector<1x1x16xf32> to vector<16xf32>
        %mul3A_1363 = arith.mulf %get3A_1362, %get3A_1188 : vector<16xf32>
        %add3A_1364 = arith.addf %scan3A_1182, %mul3A_1363 : vector<16xf32>
        %scan3A_1365 = arith.constant 1 : i32
        %scan3A_1366 = arith.addi %scan3A_1166, %scan3A_1365 : i32
        %mul3A_1367 = arith.constant 16 : i32
        %mul3A_1368 = arith.muli %scan3A_1366, %mul3A_1367 : i32
        %get3A_1369 = arith.index_cast %scan3A_8 : i32 to index
        %get3A_1370 = arith.index_cast %mul3A_1368 : i32 to index
        %get3A_1371 = tpu.vector_load %arg7[%get3A_1369, %get3A_1370] {strides = array<i32>} : memref<32x1000xf32, #tpu.memory_space<vmem>>, vector<1x16xf32>,
        %get3A_1372 = vector.shape_cast %get3A_1371 : vector<1x16xf32> to vector<16xf32>
        %mul3A_1373 = arith.constant 16 : i32
        %mul3A_1374 = arith.muli %scan3A_1366, %mul3A_1373 : i32
        %get3A_1375 = arith.constant 1 : i32
        %get3A_1376 = arith.constant 0 : i32
        %get3A_1377 = arith.index_cast %get3A_1375 : i32 to index
        %get3A_1378 = arith.index_cast %get3A_1376 : i32 to index
        %get3A_1379 = arith.index_cast %mul3A_1374 : i32 to index
        %get3A_1380 = tpu.vector_load %arg8[%get3A_1377, %get3A_1378, %get3A_1379] {strides = array<i32>} : memref<4x16x1000xf32, #tpu.memory_space<vmem>>, vector<1x1x16xf32>,
        %get3A_1381 = vector.shape_cast %get3A_1380 : vector<1x1x16xf32> to vector<16xf32>
        %mul3A_1382 = arith.mulf %get3A_1381, %get3A_1372 : vector<16xf32>
        %add3A_1383 = arith.addf %add3A_1199, %mul3A_1382 : vector<16xf32>
        %mul3A_1384 = arith.constant 16 : i32
        %mul3A_1385 = arith.muli %scan3A_1366, %mul3A_1384 : i32
        %get3A_1386 = arith.constant 1 : i32
        %get3A_1387 = arith.constant 1 : i32
        %get3A_1388 = arith.index_cast %get3A_1386 : i32 to index
        %get3A_1389 = arith.index_cast %get3A_1387 : i32 to index
        %get3A_1390 = arith.index_cast %mul3A_1385 : i32 to index
        %get3A_1391 = tpu.vector_load %arg8[%get3A_1388, %get3A_1389, %get3A_1390] {strides = array<i32>} : memref<4x16x1000xf32, #tpu.memory_space<vmem>>, vector<1x1x16xf32>,
        %get3A_1392 = vector.shape_cast %get3A_1391 : vector<1x1x16xf32> to vector<16xf32>
        %mul3A_1393 = arith.mulf %get3A_1392, %get3A_1372 : vector<16xf32>
        %add3A_1394 = arith.addf %add3A_1210, %mul3A_1393 : vector<16xf32>
        %mul3A_1395 = arith.constant 16 : i32
        %mul3A_1396 = arith.muli %scan3A_1366, %mul3A_1395 : i32
        %get3A_1397 = arith.constant 1 : i32
        %get3A_1398 = arith.constant 2 : i32
        %get3A_1399 = arith.index_cast %get3A_1397 : i32 to index
        %get3A_1400 = arith.index_cast %get3A_1398 : i32 to index
        %get3A_1401 = arith.index_cast %mul3A_1396 : i32 to index
        %get3A_1402 = tpu.vector_load %arg8[%get3A_1399, %get3A_1400, %get3A_1401] {strides = array<i32>} : memref<4x16x1000xf32, #tpu.memory_space<vmem>>, vector<1x1x16xf32>,
        %get3A_1403 = vector.shape_cast %get3A_1402 : vector<1x1x16xf32> to vector<16xf32>
        %mul3A_1404 = arith.mulf %get3A_1403, %get3A_1372 : vector<16xf32>
        %add3A_1405 = arith.addf %add3A_1221, %mul3A_1404 : vector<16xf32>
        %mul3A_1406 = arith.constant 16 : i32
        %mul3A_1407 = arith.muli %scan3A_1366, %mul3A_1406 : i32
        %get3A_1408 = arith.constant 1 : i32
        %get3A_1409 = arith.constant 3 : i32
        %get3A_1410 = arith.index_cast %get3A_1408 : i32 to index
        %get3A_1411 = arith.index_cast %get3A_1409 : i32 to index
        %get3A_1412 = arith.index_cast %mul3A_1407 : i32 to index
        %get3A_1413 = tpu.vector_load %arg8[%get3A_1410, %get3A_1411, %get3A_1412] {strides = array<i32>} : memref<4x16x1000xf32, #tpu.memory_space<vmem>>, vector<1x1x16xf32>,
        %get3A_1414 = vector.shape_cast %get3A_1413 : vector<1x1x16xf32> to vector<16xf32>
        %mul3A_1415 = arith.mulf %get3A_1414, %get3A_1372 : vector<16xf32>
        %add3A_1416 = arith.addf %add3A_1232, %mul3A_1415 : vector<16xf32>
        %mul3A_1417 = arith.constant 16 : i32
        %mul3A_1418 = arith.muli %scan3A_1366, %mul3A_1417 : i32
        %get3A_1419 = arith.constant 1 : i32
        %get3A_1420 = arith.constant 4 : i32
        %get3A_1421 = arith.index_cast %get3A_1419 : i32 to index
        %get3A_1422 = arith.index_cast %get3A_1420 : i32 to index
        %get3A_1423 = arith.index_cast %mul3A_1418 : i32 to index
        %get3A_1424 = tpu.vector_load %arg8[%get3A_1421, %get3A_1422, %get3A_1423] {strides = array<i32>} : memref<4x16x1000xf32, #tpu.memory_space<vmem>>, vector<1x1x16xf32>,
        %get3A_1425 = vector.shape_cast %get3A_1424 : vector<1x1x16xf32> to vector<16xf32>
        %mul3A_1426 = arith.mulf %get3A_1425, %get3A_1372 : vector<16xf32>
        %add3A_1427 = arith.addf %add3A_1243, %mul3A_1426 : vector<16xf32>
        %mul3A_1428 = arith.constant 16 : i32
        %mul3A_1429 = arith.muli %scan3A_1366, %mul3A_1428 : i32
        %get3A_1430 = arith.constant 1 : i32
        %get3A_1431 = arith.constant 5 : i32
        %get3A_1432 = arith.index_cast %get3A_1430 : i32 to index
        %get3A_1433 = arith.index_cast %get3A_1431 : i32 to index
        %get3A_1434 = arith.index_cast %mul3A_1429 : i32 to index
        %get3A_1435 = tpu.vector_load %arg8[%get3A_1432, %get3A_1433, %get3A_1434] {strides = array<i32>} : memref<4x16x1000xf32, #tpu.memory_space<vmem>>, vector<1x1x16xf32>,
        %get3A_1436 = vector.shape_cast %get3A_1435 : vector<1x1x16xf32> to vector<16xf32>
        %mul3A_1437 = arith.mulf %get3A_1436, %get3A_1372 : vector<16xf32>
        %add3A_1438 = arith.addf %add3A_1254, %mul3A_1437 : vector<16xf32>
        %mul3A_1439 = arith.constant 16 : i32
        %mul3A_1440 = arith.muli %scan3A_1366, %mul3A_1439 : i32
        %get3A_1441 = arith.constant 1 : i32
        %get3A_1442 = arith.constant 6 : i32
        %get3A_1443 = arith.index_cast %get3A_1441 : i32 to index
        %get3A_1444 = arith.index_cast %get3A_1442 : i32 to index
        %get3A_1445 = arith.index_cast %mul3A_1440 : i32 to index
        %get3A_1446 = tpu.vector_load %arg8[%get3A_1443, %get3A_1444, %get3A_1445] {strides = array<i32>} : memref<4x16x1000xf32, #tpu.memory_space<vmem>>, vector<1x1x16xf32>,
        %get3A_1447 = vector.shape_cast %get3A_1446 : vector<1x1x16xf32> to vector<16xf32>
        %mul3A_1448 = arith.mulf %get3A_1447, %get3A_1372 : vector<16xf32>
        %add3A_1449 = arith.addf %add3A_1265, %mul3A_1448 : vector<16xf32>
        %mul3A_1450 = arith.constant 16 : i32
        %mul3A_1451 = arith.muli %scan3A_1366, %mul3A_1450 : i32
        %get3A_1452 = arith.constant 1 : i32
        %get3A_1453 = arith.constant 7 : i32
        %get3A_1454 = arith.index_cast %get3A_1452 : i32 to index
        %get3A_1455 = arith.index_cast %get3A_1453 : i32 to index
        %get3A_1456 = arith.index_cast %mul3A_1451 : i32 to index
        %get3A_1457 = tpu.vector_load %arg8[%get3A_1454, %get3A_1455, %get3A_1456] {strides = array<i32>} : memref<4x16x1000xf32, #tpu.memory_space<vmem>>, vector<1x1x16xf32>,
        %get3A_1458 = vector.shape_cast %get3A_1457 : vector<1x1x16xf32> to vector<16xf32>
        %mul3A_1459 = arith.mulf %get3A_1458, %get3A_1372 : vector<16xf32>
        %add3A_1460 = arith.addf %add3A_1276, %mul3A_1459 : vector<16xf32>
        %mul3A_1461 = arith.constant 16 : i32
        %mul3A_1462 = arith.muli %scan3A_1366, %mul3A_1461 : i32
        %get3A_1463 = arith.constant 1 : i32
        %get3A_1464 = arith.constant 8 : i32
        %get3A_1465 = arith.index_cast %get3A_1463 : i32 to index
        %get3A_1466 = arith.index_cast %get3A_1464 : i32 to index
        %get3A_1467 = arith.index_cast %mul3A_1462 : i32 to index
        %get3A_1468 = tpu.vector_load %arg8[%get3A_1465, %get3A_1466, %get3A_1467] {strides = array<i32>} : memref<4x16x1000xf32, #tpu.memory_space<vmem>>, vector<1x1x16xf32>,
        %get3A_1469 = vector.shape_cast %get3A_1468 : vector<1x1x16xf32> to vector<16xf32>
        %mul3A_1470 = arith.mulf %get3A_1469, %get3A_1372 : vector<16xf32>
        %add3A_1471 = arith.addf %add3A_1287, %mul3A_1470 : vector<16xf32>
        %mul3A_1472 = arith.constant 16 : i32
        %mul3A_1473 = arith.muli %scan3A_1366, %mul3A_1472 : i32
        %get3A_1474 = arith.constant 1 : i32
        %get3A_1475 = arith.constant 9 : i32
        %get3A_1476 = arith.index_cast %get3A_1474 : i32 to index
        %get3A_1477 = arith.index_cast %get3A_1475 : i32 to index
        %get3A_1478 = arith.index_cast %mul3A_1473 : i32 to index
        %get3A_1479 = tpu.vector_load %arg8[%get3A_1476, %get3A_1477, %get3A_1478] {strides = array<i32>} : memref<4x16x1000xf32, #tpu.memory_space<vmem>>, vector<1x1x16xf32>,
        %get3A_1480 = vector.shape_cast %get3A_1479 : vector<1x1x16xf32> to vector<16xf32>
        %mul3A_1481 = arith.mulf %get3A_1480, %get3A_1372 : vector<16xf32>
        %add3A_1482 = arith.addf %add3A_1298, %mul3A_1481 : vector<16xf32>
        %mul3A_1483 = arith.constant 16 : i32
        %mul3A_1484 = arith.muli %scan3A_1366, %mul3A_1483 : i32
        %get3A_1485 = arith.constant 1 : i32
        %get3A_1486 = arith.constant 10 : i32
        %get3A_1487 = arith.index_cast %get3A_1485 : i32 to index
        %get3A_1488 = arith.index_cast %get3A_1486 : i32 to index
        %get3A_1489 = arith.index_cast %mul3A_1484 : i32 to index
        %get3A_1490 = tpu.vector_load %arg8[%get3A_1487, %get3A_1488, %get3A_1489] {strides = array<i32>} : memref<4x16x1000xf32, #tpu.memory_space<vmem>>, vector<1x1x16xf32>,
        %get3A_1491 = vector.shape_cast %get3A_1490 : vector<1x1x16xf32> to vector<16xf32>
        %mul3A_1492 = arith.mulf %get3A_1491, %get3A_1372 : vector<16xf32>
        %add3A_1493 = arith.addf %add3A_1309, %mul3A_1492 : vector<16xf32>
        %mul3A_1494 = arith.constant 16 : i32
        %mul3A_1495 = arith.muli %scan3A_1366, %mul3A_1494 : i32
        %get3A_1496 = arith.constant 1 : i32
        %get3A_1497 = arith.constant 11 : i32
        %get3A_1498 = arith.index_cast %get3A_1496 : i32 to index
        %get3A_1499 = arith.index_cast %get3A_1497 : i32 to index
        %get3A_1500 = arith.index_cast %mul3A_1495 : i32 to index
        %get3A_1501 = tpu.vector_load %arg8[%get3A_1498, %get3A_1499, %get3A_1500] {strides = array<i32>} : memref<4x16x1000xf32, #tpu.memory_space<vmem>>, vector<1x1x16xf32>,
        %get3A_1502 = vector.shape_cast %get3A_1501 : vector<1x1x16xf32> to vector<16xf32>
        %mul3A_1503 = arith.mulf %get3A_1502, %get3A_1372 : vector<16xf32>
        %add3A_1504 = arith.addf %add3A_1320, %mul3A_1503 : vector<16xf32>
        %mul3A_1505 = arith.constant 16 : i32
        %mul3A_1506 = arith.muli %scan3A_1366, %mul3A_1505 : i32
        %get3A_1507 = arith.constant 1 : i32
        %get3A_1508 = arith.constant 12 : i32
        %get3A_1509 = arith.index_cast %get3A_1507 : i32 to index
        %get3A_1510 = arith.index_cast %get3A_1508 : i32 to index
        %get3A_1511 = arith.index_cast %mul3A_1506 : i32 to index
        %get3A_1512 = tpu.vector_load %arg8[%get3A_1509, %get3A_1510, %get3A_1511] {strides = array<i32>} : memref<4x16x1000xf32, #tpu.memory_space<vmem>>, vector<1x1x16xf32>,
        %get3A_1513 = vector.shape_cast %get3A_1512 : vector<1x1x16xf32> to vector<16xf32>
        %mul3A_1514 = arith.mulf %get3A_1513, %get3A_1372 : vector<16xf32>
        %add3A_1515 = arith.addf %add3A_1331, %mul3A_1514 : vector<16xf32>
        %mul3A_1516 = arith.constant 16 : i32
        %mul3A_1517 = arith.muli %scan3A_1366, %mul3A_1516 : i32
        %get3A_1518 = arith.constant 1 : i32
        %get3A_1519 = arith.constant 13 : i32
        %get3A_1520 = arith.index_cast %get3A_1518 : i32 to index
        %get3A_1521 = arith.index_cast %get3A_1519 : i32 to index
        %get3A_1522 = arith.index_cast %mul3A_1517 : i32 to index
        %get3A_1523 = tpu.vector_load %arg8[%get3A_1520, %get3A_1521, %get3A_1522] {strides = array<i32>} : memref<4x16x1000xf32, #tpu.memory_space<vmem>>, vector<1x1x16xf32>,
        %get3A_1524 = vector.shape_cast %get3A_1523 : vector<1x1x16xf32> to vector<16xf32>
        %mul3A_1525 = arith.mulf %get3A_1524, %get3A_1372 : vector<16xf32>
        %add3A_1526 = arith.addf %add3A_1342, %mul3A_1525 : vector<16xf32>
        %mul3A_1527 = arith.constant 16 : i32
        %mul3A_1528 = arith.muli %scan3A_1366, %mul3A_1527 : i32
        %get3A_1529 = arith.constant 1 : i32
        %get3A_1530 = arith.constant 14 : i32
        %get3A_1531 = arith.index_cast %get3A_1529 : i32 to index
        %get3A_1532 = arith.index_cast %get3A_1530 : i32 to index
        %get3A_1533 = arith.index_cast %mul3A_1528 : i32 to index
        %get3A_1534 = tpu.vector_load %arg8[%get3A_1531, %get3A_1532, %get3A_1533] {strides = array<i32>} : memref<4x16x1000xf32, #tpu.memory_space<vmem>>, vector<1x1x16xf32>,
        %get3A_1535 = vector.shape_cast %get3A_1534 : vector<1x1x16xf32> to vector<16xf32>
        %mul3A_1536 = arith.mulf %get3A_1535, %get3A_1372 : vector<16xf32>
        %add3A_1537 = arith.addf %add3A_1353, %mul3A_1536 : vector<16xf32>
        %mul3A_1538 = arith.constant 16 : i32
        %mul3A_1539 = arith.muli %scan3A_1366, %mul3A_1538 : i32
        %get3A_1540 = arith.constant 1 : i32
        %get3A_1541 = arith.constant 15 : i32
        %get3A_1542 = arith.index_cast %get3A_1540 : i32 to index
        %get3A_1543 = arith.index_cast %get3A_1541 : i32 to index
        %get3A_1544 = arith.index_cast %mul3A_1539 : i32 to index
        %get3A_1545 = tpu.vector_load %arg8[%get3A_1542, %get3A_1543, %get3A_1544] {strides = array<i32>} : memref<4x16x1000xf32, #tpu.memory_space<vmem>>, vector<1x1x16xf32>,
        %get3A_1546 = vector.shape_cast %get3A_1545 : vector<1x1x16xf32> to vector<16xf32>
        %mul3A_1547 = arith.mulf %get3A_1546, %get3A_1372 : vector<16xf32>
        %add3A_1548 = arith.addf %add3A_1364, %mul3A_1547 : vector<16xf32>
        scf.yield %add3A_1383, %add3A_1394, %add3A_1405, %add3A_1416, %add3A_1427, %add3A_1438, %add3A_1449, %add3A_1460, %add3A_1471, %add3A_1482, %add3A_1493, %add3A_1504, %add3A_1515, %add3A_1526, %add3A_1537, %add3A_1548 : vector<16xf32>, vector<16xf32>, vector<16xf32>, vector<16xf32>, vector<16xf32>, vector<16xf32>, vector<16xf32>, vector<16xf32>, vector<16xf32>, vector<16xf32>, vector<16xf32>, vector<16xf32>, vector<16xf32>, vector<16xf32>, vector<16xf32>, vector<16xf32>
      }
      %scan3A_334 = arith.constant 62 : i32
      %ge3A_335 = arith.constant 8 : i32
      %ge3A_336 = vector.broadcast %ge3A_335 : i32 to vector<16xi32>
      %ge3A_337 = arith.cmpi sge, %iota3A, %ge3A_336 : vector<16xi32>
      %get3A_338 = arith.index_cast %scan3A_8 : i32 to index
      %get3A_339 = arith.constant 984 : index
      %get3A_340 = tpu.vector_load %arg7[%get3A_338, %get3A_339] {strides = array<i32>} : memref<32x1000xf32, #tpu.memory_space<vmem>>, vector<1x16xf32>,
      %get3A_341 = vector.shape_cast %get3A_340 : vector<1x16xf32> to vector<16xf32>
      %jit3A_342 = arith.constant 0.000000e+00 : f32
      %broadcast_in_dim3A_343 = vector.broadcast %jit3A_342 : f32 to vector<16xf32>
      %select_n3A_344 = arith.select %ge3A_337, %get3A_341, %broadcast_in_dim3A_343 : vector<16xi1>, vector<16xf32>
      %get3A_345 = arith.constant 1 : i32
      %get3A_346 = arith.constant 0 : i32
      %get3A_347 = arith.index_cast %get3A_345 : i32 to index
      %get3A_348 = arith.index_cast %get3A_346 : i32 to index
      %get3A_349 = arith.constant 984 : index
      %get3A_350 = tpu.vector_load %arg8[%get3A_347, %get3A_348, %get3A_349] {strides = array<i32>} : memref<4x16x1000xf32, #tpu.memory_space<vmem>>, vector<1x1x16xf32>,
      %get3A_351 = vector.shape_cast %get3A_350 : vector<1x1x16xf32> to vector<16xf32>
      %mul3A_352 = arith.mulf %get3A_351, %select_n3A_344 : vector<16xf32>
      %add3A_353 = arith.addf %scan3A_333#0, %mul3A_352 : vector<16xf32>
      %get3A_354 = arith.constant 1 : i32
      %get3A_355 = arith.constant 1 : i32
      %get3A_356 = arith.index_cast %get3A_354 : i32 to index
      %get3A_357 = arith.index_cast %get3A_355 : i32 to index
      %get3A_358 = arith.constant 984 : index
      %get3A_359 = tpu.vector_load %arg8[%get3A_356, %get3A_357, %get3A_358] {strides = array<i32>} : memref<4x16x1000xf32, #tpu.memory_space<vmem>>, vector<1x1x16xf32>,
      %get3A_360 = vector.shape_cast %get3A_359 : vector<1x1x16xf32> to vector<16xf32>
      %mul3A_361 = arith.mulf %get3A_360, %select_n3A_344 : vector<16xf32>
      %add3A_362 = arith.addf %scan3A_333#1, %mul3A_361 : vector<16xf32>
      %get3A_363 = arith.constant 1 : i32
      %get3A_364 = arith.constant 2 : i32
      %get3A_365 = arith.index_cast %get3A_363 : i32 to index
      %get3A_366 = arith.index_cast %get3A_364 : i32 to index
      %get3A_367 = arith.constant 984 : index
      %get3A_368 = tpu.vector_load %arg8[%get3A_365, %get3A_366, %get3A_367] {strides = array<i32>} : memref<4x16x1000xf32, #tpu.memory_space<vmem>>, vector<1x1x16xf32>,
      %get3A_369 = vector.shape_cast %get3A_368 : vector<1x1x16xf32> to vector<16xf32>
      %mul3A_370 = arith.mulf %get3A_369, %select_n3A_344 : vector<16xf32>
      %add3A_371 = arith.addf %scan3A_333#2, %mul3A_370 : vector<16xf32>
      %get3A_372 = arith.constant 1 : i32
      %get3A_373 = arith.constant 3 : i32
      %get3A_374 = arith.index_cast %get3A_372 : i32 to index
      %get3A_375 = arith.index_cast %get3A_373 : i32 to index
      %get3A_376 = arith.constant 984 : index
      %get3A_377 = tpu.vector_load %arg8[%get3A_374, %get3A_375, %get3A_376] {strides = array<i32>} : memref<4x16x1000xf32, #tpu.memory_space<vmem>>, vector<1x1x16xf32>,
      %get3A_378 = vector.shape_cast %get3A_377 : vector<1x1x16xf32> to vector<16xf32>
      %mul3A_379 = arith.mulf %get3A_378, %select_n3A_344 : vector<16xf32>
      %add3A_380 = arith.addf %scan3A_333#3, %mul3A_379 : vector<16xf32>
      %get3A_381 = arith.constant 1 : i32
      %get3A_382 = arith.constant 4 : i32
      %get3A_383 = arith.index_cast %get3A_381 : i32 to index
      %get3A_384 = arith.index_cast %get3A_382 : i32 to index
      %get3A_385 = arith.constant 984 : index
      %get3A_386 = tpu.vector_load %arg8[%get3A_383, %get3A_384, %get3A_385] {strides = array<i32>} : memref<4x16x1000xf32, #tpu.memory_space<vmem>>, vector<1x1x16xf32>,
      %get3A_387 = vector.shape_cast %get3A_386 : vector<1x1x16xf32> to vector<16xf32>
      %mul3A_388 = arith.mulf %get3A_387, %select_n3A_344 : vector<16xf32>
      %add3A_389 = arith.addf %scan3A_333#4, %mul3A_388 : vector<16xf32>
      %get3A_390 = arith.constant 1 : i32
      %get3A_391 = arith.constant 5 : i32
      %get3A_392 = arith.index_cast %get3A_390 : i32 to index
      %get3A_393 = arith.index_cast %get3A_391 : i32 to index
      %get3A_394 = arith.constant 984 : index
      %get3A_395 = tpu.vector_load %arg8[%get3A_392, %get3A_393, %get3A_394] {strides = array<i32>} : memref<4x16x1000xf32, #tpu.memory_space<vmem>>, vector<1x1x16xf32>,
      %get3A_396 = vector.shape_cast %get3A_395 : vector<1x1x16xf32> to vector<16xf32>
      %mul3A_397 = arith.mulf %get3A_396, %select_n3A_344 : vector<16xf32>
      %add3A_398 = arith.addf %scan3A_333#5, %mul3A_397 : vector<16xf32>
      %get3A_399 = arith.constant 1 : i32
      %get3A_400 = arith.constant 6 : i32
      %get3A_401 = arith.index_cast %get3A_399 : i32 to index
      %get3A_402 = arith.index_cast %get3A_400 : i32 to index
      %get3A_403 = arith.constant 984 : index
      %get3A_404 = tpu.vector_load %arg8[%get3A_401, %get3A_402, %get3A_403] {strides = array<i32>} : memref<4x16x1000xf32, #tpu.memory_space<vmem>>, vector<1x1x16xf32>,
      %get3A_405 = vector.shape_cast %get3A_404 : vector<1x1x16xf32> to vector<16xf32>
      %mul3A_406 = arith.mulf %get3A_405, %select_n3A_344 : vector<16xf32>
      %add3A_407 = arith.addf %scan3A_333#6, %mul3A_406 : vector<16xf32>
      %get3A_408 = arith.constant 1 : i32
      %get3A_409 = arith.constant 7 : i32
      %get3A_410 = arith.index_cast %get3A_408 : i32 to index
      %get3A_411 = arith.index_cast %get3A_409 : i32 to index
      %get3A_412 = arith.constant 984 : index
      %get3A_413 = tpu.vector_load %arg8[%get3A_410, %get3A_411, %get3A_412] {strides = array<i32>} : memref<4x16x1000xf32, #tpu.memory_space<vmem>>, vector<1x1x16xf32>,
      %get3A_414 = vector.shape_cast %get3A_413 : vector<1x1x16xf32> to vector<16xf32>
      %mul3A_415 = arith.mulf %get3A_414, %select_n3A_344 : vector<16xf32>
      %add3A_416 = arith.addf %scan3A_333#7, %mul3A_415 : vector<16xf32>
      %get3A_417 = arith.constant 1 : i32
      %get3A_418 = arith.constant 8 : i32
      %get3A_419 = arith.index_cast %get3A_417 : i32 to index
      %get3A_420 = arith.index_cast %get3A_418 : i32 to index
      %get3A_421 = arith.constant 984 : index
      %get3A_422 = tpu.vector_load %arg8[%get3A_419, %get3A_420, %get3A_421] {strides = array<i32>} : memref<4x16x1000xf32, #tpu.memory_space<vmem>>, vector<1x1x16xf32>,
      %get3A_423 = vector.shape_cast %get3A_422 : vector<1x1x16xf32> to vector<16xf32>
      %mul3A_424 = arith.mulf %get3A_423, %select_n3A_344 : vector<16xf32>
      %add3A_425 = arith.addf %scan3A_333#8, %mul3A_424 : vector<16xf32>
      %get3A_426 = arith.constant 1 : i32
      %get3A_427 = arith.constant 9 : i32
      %get3A_428 = arith.index_cast %get3A_426 : i32 to index
      %get3A_429 = arith.index_cast %get3A_427 : i32 to index
      %get3A_430 = arith.constant 984 : index
      %get3A_431 = tpu.vector_load %arg8[%get3A_428, %get3A_429, %get3A_430] {strides = array<i32>} : memref<4x16x1000xf32, #tpu.memory_space<vmem>>, vector<1x1x16xf32>,
      %get3A_432 = vector.shape_cast %get3A_431 : vector<1x1x16xf32> to vector<16xf32>
      %mul3A_433 = arith.mulf %get3A_432, %select_n3A_344 : vector<16xf32>
      %add3A_434 = arith.addf %scan3A_333#9, %mul3A_433 : vector<16xf32>
      %get3A_435 = arith.constant 1 : i32
      %get3A_436 = arith.constant 10 : i32
      %get3A_437 = arith.index_cast %get3A_435 : i32 to index
      %get3A_438 = arith.index_cast %get3A_436 : i32 to index
      %get3A_439 = arith.constant 984 : index
      %get3A_440 = tpu.vector_load %arg8[%get3A_437, %get3A_438, %get3A_439] {strides = array<i32>} : memref<4x16x1000xf32, #tpu.memory_space<vmem>>, vector<1x1x16xf32>,
      %get3A_441 = vector.shape_cast %get3A_440 : vector<1x1x16xf32> to vector<16xf32>
      %mul3A_442 = arith.mulf %get3A_441, %select_n3A_344 : vector<16xf32>
      %add3A_443 = arith.addf %scan3A_333#10, %mul3A_442 : vector<16xf32>
      %get3A_444 = arith.constant 1 : i32
      %get3A_445 = arith.constant 11 : i32
      %get3A_446 = arith.index_cast %get3A_444 : i32 to index
      %get3A_447 = arith.index_cast %get3A_445 : i32 to index
      %get3A_448 = arith.constant 984 : index
      %get3A_449 = tpu.vector_load %arg8[%get3A_446, %get3A_447, %get3A_448] {strides = array<i32>} : memref<4x16x1000xf32, #tpu.memory_space<vmem>>, vector<1x1x16xf32>,
      %get3A_450 = vector.shape_cast %get3A_449 : vector<1x1x16xf32> to vector<16xf32>
      %mul3A_451 = arith.mulf %get3A_450, %select_n3A_344 : vector<16xf32>
      %add3A_452 = arith.addf %scan3A_333#11, %mul3A_451 : vector<16xf32>
      %get3A_453 = arith.constant 1 : i32
      %get3A_454 = arith.constant 12 : i32
      %get3A_455 = arith.index_cast %get3A_453 : i32 to index
      %get3A_456 = arith.index_cast %get3A_454 : i32 to index
      %get3A_457 = arith.constant 984 : index
      %get3A_458 = tpu.vector_load %arg8[%get3A_455, %get3A_456, %get3A_457] {strides = array<i32>} : memref<4x16x1000xf32, #tpu.memory_space<vmem>>, vector<1x1x16xf32>,
      %get3A_459 = vector.shape_cast %get3A_458 : vector<1x1x16xf32> to vector<16xf32>
      %mul3A_460 = arith.mulf %get3A_459, %select_n3A_344 : vector<16xf32>
      %add3A_461 = arith.addf %scan3A_333#12, %mul3A_460 : vector<16xf32>
      %get3A_462 = arith.constant 1 : i32
      %get3A_463 = arith.constant 13 : i32
      %get3A_464 = arith.index_cast %get3A_462 : i32 to index
      %get3A_465 = arith.index_cast %get3A_463 : i32 to index
      %get3A_466 = arith.constant 984 : index
      %get3A_467 = tpu.vector_load %arg8[%get3A_464, %get3A_465, %get3A_466] {strides = array<i32>} : memref<4x16x1000xf32, #tpu.memory_space<vmem>>, vector<1x1x16xf32>,
      %get3A_468 = vector.shape_cast %get3A_467 : vector<1x1x16xf32> to vector<16xf32>
      %mul3A_469 = arith.mulf %get3A_468, %select_n3A_344 : vector<16xf32>
      %add3A_470 = arith.addf %scan3A_333#13, %mul3A_469 : vector<16xf32>
      %get3A_471 = arith.constant 1 : i32
      %get3A_472 = arith.constant 14 : i32
      %get3A_473 = arith.index_cast %get3A_471 : i32 to index
      %get3A_474 = arith.index_cast %get3A_472 : i32 to index
      %get3A_475 = arith.constant 984 : index
      %get3A_476 = tpu.vector_load %arg8[%get3A_473, %get3A_474, %get3A_475] {strides = array<i32>} : memref<4x16x1000xf32, #tpu.memory_space<vmem>>, vector<1x1x16xf32>,
      %get3A_477 = vector.shape_cast %get3A_476 : vector<1x1x16xf32> to vector<16xf32>
      %mul3A_478 = arith.mulf %get3A_477, %select_n3A_344 : vector<16xf32>
      %add3A_479 = arith.addf %scan3A_333#14, %mul3A_478 : vector<16xf32>
      %get3A_480 = arith.constant 1 : i32
      %get3A_481 = arith.constant 15 : i32
      %get3A_482 = arith.index_cast %get3A_480 : i32 to index
      %get3A_483 = arith.index_cast %get3A_481 : i32 to index
      %get3A_484 = arith.constant 984 : index
      %get3A_485 = tpu.vector_load %arg8[%get3A_482, %get3A_483, %get3A_484] {strides = array<i32>} : memref<4x16x1000xf32, #tpu.memory_space<vmem>>, vector<1x1x16xf32>,
      %get3A_486 = vector.shape_cast %get3A_485 : vector<1x1x16xf32> to vector<16xf32>
      %mul3A_487 = arith.mulf %get3A_486, %select_n3A_344 : vector<16xf32>
      %add3A_488 = arith.addf %scan3A_333#15, %mul3A_487 : vector<16xf32>
      %swap3A_489 = arith.constant 16 : i32
      %swap3A_490 = arith.index_cast %swap3A_489 : i32 to index
      %swap3A_491 = arith.constant 0 : index
      %swap3A_492 = tpu.vector_load %arg9[%swap3A_490, %swap3A_491] {strides = array<i32>} : memref<64x16xf32, #tpu.memory_space<vmem>>, vector<1x16xf32>,
      %swap3A_493 = vector.shape_cast %swap3A_492 : vector<1x16xf32> to vector<16xf32>
      %swap3A_494 = vector.shape_cast %add3A_353 : vector<16xf32> to vector<1x16xf32>
      tpu.vector_store %arg9[%swap3A_490, %swap3A_491], %swap3A_494 {strides = array<i32>} : memref<64x16xf32, #tpu.memory_space<vmem>>, vector<1x16xf32>,
      %swap3A_495 = arith.constant 17 : i32
      %swap3A_496 = arith.index_cast %swap3A_495 : i32 to index
      %swap3A_497 = arith.constant 0 : index
      %swap3A_498 = tpu.vector_load %arg9[%swap3A_496, %swap3A_497] {strides = array<i32>} : memref<64x16xf32, #tpu.memory_space<vmem>>, vector<1x16xf32>,
      %swap3A_499 = vector.shape_cast %swap3A_498 : vector<1x16xf32> to vector<16xf32>
      %swap3A_500 = vector.shape_cast %add3A_362 : vector<16xf32> to vector<1x16xf32>
      tpu.vector_store %arg9[%swap3A_496, %swap3A_497], %swap3A_500 {strides = array<i32>} : memref<64x16xf32, #tpu.memory_space<vmem>>, vector<1x16xf32>,
      %swap3A_501 = arith.constant 18 : i32
      %swap3A_502 = arith.index_cast %swap3A_501 : i32 to index
      %swap3A_503 = arith.constant 0 : index
      %swap3A_504 = tpu.vector_load %arg9[%swap3A_502, %swap3A_503] {strides = array<i32>} : memref<64x16xf32, #tpu.memory_space<vmem>>, vector<1x16xf32>,
      %swap3A_505 = vector.shape_cast %swap3A_504 : vector<1x16xf32> to vector<16xf32>
      %swap3A_506 = vector.shape_cast %add3A_371 : vector<16xf32> to vector<1x16xf32>
      tpu.vector_store %arg9[%swap3A_502, %swap3A_503], %swap3A_506 {strides = array<i32>} : memref<64x16xf32, #tpu.memory_space<vmem>>, vector<1x16xf32>,
      %swap3A_507 = arith.constant 19 : i32
      %swap3A_508 = arith.index_cast %swap3A_507 : i32 to index
      %swap3A_509 = arith.constant 0 : index
      %swap3A_510 = tpu.vector_load %arg9[%swap3A_508, %swap3A_509] {strides = array<i32>} : memref<64x16xf32, #tpu.memory_space<vmem>>, vector<1x16xf32>,
      %swap3A_511 = vector.shape_cast %swap3A_510 : vector<1x16xf32> to vector<16xf32>
      %swap3A_512 = vector.shape_cast %add3A_380 : vector<16xf32> to vector<1x16xf32>
      tpu.vector_store %arg9[%swap3A_508, %swap3A_509], %swap3A_512 {strides = array<i32>} : memref<64x16xf32, #tpu.memory_space<vmem>>, vector<1x16xf32>,
      %swap3A_513 = arith.constant 20 : i32
      %swap3A_514 = arith.index_cast %swap3A_513 : i32 to index
      %swap3A_515 = arith.constant 0 : index
      %swap3A_516 = tpu.vector_load %arg9[%swap3A_514, %swap3A_515] {strides = array<i32>} : memref<64x16xf32, #tpu.memory_space<vmem>>, vector<1x16xf32>,
      %swap3A_517 = vector.shape_cast %swap3A_516 : vector<1x16xf32> to vector<16xf32>
      %swap3A_518 = vector.shape_cast %add3A_389 : vector<16xf32> to vector<1x16xf32>
      tpu.vector_store %arg9[%swap3A_514, %swap3A_515], %swap3A_518 {strides = array<i32>} : memref<64x16xf32, #tpu.memory_space<vmem>>, vector<1x16xf32>,
      %swap3A_519 = arith.constant 21 : i32
      %swap3A_520 = arith.index_cast %swap3A_519 : i32 to index
      %swap3A_521 = arith.constant 0 : index
      %swap3A_522 = tpu.vector_load %arg9[%swap3A_520, %swap3A_521] {strides = array<i32>} : memref<64x16xf32, #tpu.memory_space<vmem>>, vector<1x16xf32>,
      %swap3A_523 = vector.shape_cast %swap3A_522 : vector<1x16xf32> to vector<16xf32>
      %swap3A_524 = vector.shape_cast %add3A_398 : vector<16xf32> to vector<1x16xf32>
      tpu.vector_store %arg9[%swap3A_520, %swap3A_521], %swap3A_524 {strides = array<i32>} : memref<64x16xf32, #tpu.memory_space<vmem>>, vector<1x16xf32>,
      %swap3A_525 = arith.constant 22 : i32
      %swap3A_526 = arith.index_cast %swap3A_525 : i32 to index
      %swap3A_527 = arith.constant 0 : index
      %swap3A_528 = tpu.vector_load %arg9[%swap3A_526, %swap3A_527] {strides = array<i32>} : memref<64x16xf32, #tpu.memory_space<vmem>>, vector<1x16xf32>,
      %swap3A_529 = vector.shape_cast %swap3A_528 : vector<1x16xf32> to vector<16xf32>
      %swap3A_530 = vector.shape_cast %add3A_407 : vector<16xf32> to vector<1x16xf32>
      tpu.vector_store %arg9[%swap3A_526, %swap3A_527], %swap3A_530 {strides = array<i32>} : memref<64x16xf32, #tpu.memory_space<vmem>>, vector<1x16xf32>,
      %swap3A_531 = arith.constant 23 : i32
      %swap3A_532 = arith.index_cast %swap3A_531 : i32 to index
      %swap3A_533 = arith.constant 0 : index
      %swap3A_534 = tpu.vector_load %arg9[%swap3A_532, %swap3A_533] {strides = array<i32>} : memref<64x16xf32, #tpu.memory_space<vmem>>, vector<1x16xf32>,
      %swap3A_535 = vector.shape_cast %swap3A_534 : vector<1x16xf32> to vector<16xf32>
      %swap3A_536 = vector.shape_cast %add3A_416 : vector<16xf32> to vector<1x16xf32>
      tpu.vector_store %arg9[%swap3A_532, %swap3A_533], %swap3A_536 {strides = array<i32>} : memref<64x16xf32, #tpu.memory_space<vmem>>, vector<1x16xf32>,
      %swap3A_537 = arith.constant 24 : i32
      %swap3A_538 = arith.index_cast %swap3A_537 : i32 to index
      %swap3A_539 = arith.constant 0 : index
      %swap3A_540 = tpu.vector_load %arg9[%swap3A_538, %swap3A_539] {strides = array<i32>} : memref<64x16xf32, #tpu.memory_space<vmem>>, vector<1x16xf32>,
      %swap3A_541 = vector.shape_cast %swap3A_540 : vector<1x16xf32> to vector<16xf32>
      %swap3A_542 = vector.shape_cast %add3A_425 : vector<16xf32> to vector<1x16xf32>
      tpu.vector_store %arg9[%swap3A_538, %swap3A_539], %swap3A_542 {strides = array<i32>} : memref<64x16xf32, #tpu.memory_space<vmem>>, vector<1x16xf32>,
      %swap3A_543 = arith.constant 25 : i32
      %swap3A_544 = arith.index_cast %swap3A_543 : i32 to index
      %swap3A_545 = arith.constant 0 : index
      %swap3A_546 = tpu.vector_load %arg9[%swap3A_544, %swap3A_545] {strides = array<i32>} : memref<64x16xf32, #tpu.memory_space<vmem>>, vector<1x16xf32>,
      %swap3A_547 = vector.shape_cast %swap3A_546 : vector<1x16xf32> to vector<16xf32>
      %swap3A_548 = vector.shape_cast %add3A_434 : vector<16xf32> to vector<1x16xf32>
      tpu.vector_store %arg9[%swap3A_544, %swap3A_545], %swap3A_548 {strides = array<i32>} : memref<64x16xf32, #tpu.memory_space<vmem>>, vector<1x16xf32>,
      %swap3A_549 = arith.constant 26 : i32
      %swap3A_550 = arith.index_cast %swap3A_549 : i32 to index
      %swap3A_551 = arith.constant 0 : index
      %swap3A_552 = tpu.vector_load %arg9[%swap3A_550, %swap3A_551] {strides = array<i32>} : memref<64x16xf32, #tpu.memory_space<vmem>>, vector<1x16xf32>,
      %swap3A_553 = vector.shape_cast %swap3A_552 : vector<1x16xf32> to vector<16xf32>
      %swap3A_554 = vector.shape_cast %add3A_443 : vector<16xf32> to vector<1x16xf32>
      tpu.vector_store %arg9[%swap3A_550, %swap3A_551], %swap3A_554 {strides = array<i32>} : memref<64x16xf32, #tpu.memory_space<vmem>>, vector<1x16xf32>,
      %swap3A_555 = arith.constant 27 : i32
      %swap3A_556 = arith.index_cast %swap3A_555 : i32 to index
      %swap3A_557 = arith.constant 0 : index
      %swap3A_558 = tpu.vector_load %arg9[%swap3A_556, %swap3A_557] {strides = array<i32>} : memref<64x16xf32, #tpu.memory_space<vmem>>, vector<1x16xf32>,
      %swap3A_559 = vector.shape_cast %swap3A_558 : vector<1x16xf32> to vector<16xf32>
      %swap3A_560 = vector.shape_cast %add3A_452 : vector<16xf32> to vector<1x16xf32>
      tpu.vector_store %arg9[%swap3A_556, %swap3A_557], %swap3A_560 {strides = array<i32>} : memref<64x16xf32, #tpu.memory_space<vmem>>, vector<1x16xf32>,
      %swap3A_561 = arith.constant 28 : i32
      %swap3A_562 = arith.index_cast %swap3A_561 : i32 to index
      %swap3A_563 = arith.constant 0 : index
      %swap3A_564 = tpu.vector_load %arg9[%swap3A_562, %swap3A_563] {strides = array<i32>} : memref<64x16xf32, #tpu.memory_space<vmem>>, vector<1x16xf32>,
      %swap3A_565 = vector.shape_cast %swap3A_564 : vector<1x16xf32> to vector<16xf32>
      %swap3A_566 = vector.shape_cast %add3A_461 : vector<16xf32> to vector<1x16xf32>
      tpu.vector_store %arg9[%swap3A_562, %swap3A_563], %swap3A_566 {strides = array<i32>} : memref<64x16xf32, #tpu.memory_space<vmem>>, vector<1x16xf32>,
      %swap3A_567 = arith.constant 29 : i32
      %swap3A_568 = arith.index_cast %swap3A_567 : i32 to index
      %swap3A_569 = arith.constant 0 : index
      %swap3A_570 = tpu.vector_load %arg9[%swap3A_568, %swap3A_569] {strides = array<i32>} : memref<64x16xf32, #tpu.memory_space<vmem>>, vector<1x16xf32>,
      %swap3A_571 = vector.shape_cast %swap3A_570 : vector<1x16xf32> to vector<16xf32>
      %swap3A_572 = vector.shape_cast %add3A_470 : vector<16xf32> to vector<1x16xf32>
      tpu.vector_store %arg9[%swap3A_568, %swap3A_569], %swap3A_572 {strides = array<i32>} : memref<64x16xf32, #tpu.memory_space<vmem>>, vector<1x16xf32>,
      %swap3A_573 = arith.constant 30 : i32
      %swap3A_574 = arith.index_cast %swap3A_573 : i32 to index
      %swap3A_575 = arith.constant 0 : index
      %swap3A_576 = tpu.vector_load %arg9[%swap3A_574, %swap3A_575] {strides = array<i32>} : memref<64x16xf32, #tpu.memory_space<vmem>>, vector<1x16xf32>,
      %swap3A_577 = vector.shape_cast %swap3A_576 : vector<1x16xf32> to vector<16xf32>
      %swap3A_578 = vector.shape_cast %add3A_479 : vector<16xf32> to vector<1x16xf32>
      tpu.vector_store %arg9[%swap3A_574, %swap3A_575], %swap3A_578 {strides = array<i32>} : memref<64x16xf32, #tpu.memory_space<vmem>>, vector<1x16xf32>,
      %swap3A_579 = arith.constant 31 : i32
      %swap3A_580 = arith.index_cast %swap3A_579 : i32 to index
      %swap3A_581 = arith.constant 0 : index
      %swap3A_582 = tpu.vector_load %arg9[%swap3A_580, %swap3A_581] {strides = array<i32>} : memref<64x16xf32, #tpu.memory_space<vmem>>, vector<1x16xf32>,
      %swap3A_583 = vector.shape_cast %swap3A_582 : vector<1x16xf32> to vector<16xf32>
      %swap3A_584 = vector.shape_cast %add3A_488 : vector<16xf32> to vector<1x16xf32>
      tpu.vector_store %arg9[%swap3A_580, %swap3A_581], %swap3A_584 {strides = array<i32>} : memref<64x16xf32, #tpu.memory_space<vmem>>, vector<1x16xf32>,
      %run_scoped3A_585 = arith.constant 2 : i32
      %run_scoped3A_586 = arith.constant 2 : i32
      "tpu.region"() ({
        %run_scoped3A_1166 = tpu.sem_alloc : memref<!tpu.dma_semaphore, #tpu.memory_space<semaphore_mem>>
        %dma_start3A = arith.constant 0 : i32
        %dma_start3A_1167 = arith.constant 0 : i32
        %dma_start3A_1168 = tpu.memref_slice %arg8[%run_scoped3A_586, %dma_start3A, %dma_start3A_1167] : memref<4x16x1000xf32, #tpu.memory_space<vmem>> -> memref<1x16x1000xf32, #tpu.memory_space<vmem>>
        %dma_start3A_1169 = tpu.memref_squeeze %dma_start3A_1168 : memref<1x16x1000xf32, #tpu.memory_space<vmem>> -> memref<16x1000xf32, #tpu.memory_space<vmem>>
        %dma_start3A_1170 = arith.constant 0 : i32
        %dma_start3A_1171 = arith.constant 0 : i32
        %dma_start3A_1172 = tpu.memref_slice %arg3[%squeeze3A, %run_scoped3A_585, %dma_start3A_1170, %dma_start3A_1171] : memref<1000x4x16x1000xf32, #tpu.memory_space<hbm>> -> memref<1x1x16x1000xf32, #tpu.memory_space<hbm>>
        %dma_start3A_1173 = tpu.memref_squeeze %dma_start3A_1172 : memref<1x1x16x1000xf32, #tpu.memory_space<hbm>> -> memref<16x1000xf32, #tpu.memory_space<hbm>>
        %dma_start3A_1174 = arith.constant 0 : i32
        %dma_start3A_1175 = arith.constant 0 : i32
        %dma_start3A_1176 = tpu.memref_slice %arg8[%run_scoped3A_586, %dma_start3A_1174, %dma_start3A_1175] : memref<4x16x1000xf32, #tpu.memory_space<vmem>> -> memref<1x16x1000xf32, #tpu.memory_space<vmem>>
        %dma_start3A_1177 = tpu.memref_squeeze %dma_start3A_1176 : memref<1x16x1000xf32, #tpu.memory_space<vmem>> -> memref<16x1000xf32, #tpu.memory_space<vmem>>
        %dma_start3A_1178 = arith.constant 0 : i32
        %dma_start3A_1179 = arith.constant 0 : i32
        %dma_start3A_1180 = tpu.memref_slice %arg3[%squeeze3A, %run_scoped3A_585, %dma_start3A_1178, %dma_start3A_1179] : memref<1000x4x16x1000xf32, #tpu.memory_space<hbm>> -> memref<1x1x16x1000xf32, #tpu.memory_space<hbm>>
        %dma_start3A_1181 = tpu.memref_squeeze %dma_start3A_1180 : memref<1x1x16x1000xf32, #tpu.memory_space<hbm>> -> memref<16x1000xf32, #tpu.memory_space<hbm>>
        tpu.enqueue_dma source(%dma_start3A_1181 : memref<16x1000xf32, #tpu.memory_space<hbm>>) target(%dma_start3A_1177 : memref<16x1000xf32, #tpu.memory_space<vmem>>) target_semaphore(%run_scoped3A_1166 : memref<!tpu.dma_semaphore, #tpu.memory_space<semaphore_mem>>)
        %dma_wait3A = arith.constant 0 : i32
        %dma_wait3A_1182 = arith.constant 0 : i32
        %dma_wait3A_1183 = tpu.memref_slice %arg8[%run_scoped3A_586, %dma_wait3A, %dma_wait3A_1182] : memref<4x16x1000xf32, #tpu.memory_space<vmem>> -> memref<1x16x1000xf32, #tpu.memory_space<vmem>>
        %dma_wait3A_1184 = tpu.memref_squeeze %dma_wait3A_1183 : memref<1x16x1000xf32, #tpu.memory_space<vmem>> -> memref<16x1000xf32, #tpu.memory_space<vmem>>
        %dma_wait3A_1185 = arith.constant 0 : i32
        %dma_wait3A_1186 = arith.constant 0 : i32
        %dma_wait3A_1187 = tpu.memref_slice %arg3[%squeeze3A, %run_scoped3A_585, %dma_wait3A_1185, %dma_wait3A_1186] : memref<1000x4x16x1000xf32, #tpu.memory_space<hbm>> -> memref<1x1x16x1000xf32, #tpu.memory_space<hbm>>
        %dma_wait3A_1188 = tpu.memref_squeeze %dma_wait3A_1187 : memref<1x1x16x1000xf32, #tpu.memory_space<hbm>> -> memref<16x1000xf32, #tpu.memory_space<hbm>>
        %dma_wait3A_1189 = arith.constant 0 : i32
        %dma_wait3A_1190 = arith.constant 0 : i32
        %dma_wait3A_1191 = tpu.memref_slice %arg8[%run_scoped3A_586, %dma_wait3A_1189, %dma_wait3A_1190] : memref<4x16x1000xf32, #tpu.memory_space<vmem>> -> memref<1x16x1000xf32, #tpu.memory_space<vmem>>
        %dma_wait3A_1192 = tpu.memref_squeeze %dma_wait3A_1191 : memref<1x16x1000xf32, #tpu.memory_space<vmem>> -> memref<16x1000xf32, #tpu.memory_space<vmem>>
        %dma_wait3A_1193 = arith.constant 0 : i32
        %dma_wait3A_1194 = arith.constant 0 : i32
        %dma_wait3A_1195 = tpu.memref_slice %arg3[%squeeze3A, %run_scoped3A_585, %dma_wait3A_1193, %dma_wait3A_1194] : memref<1000x4x16x1000xf32, #tpu.memory_space<hbm>> -> memref<1x1x16x1000xf32, #tpu.memory_space<hbm>>
        %dma_wait3A_1196 = tpu.memref_squeeze %dma_wait3A_1195 : memref<1x1x16x1000xf32, #tpu.memory_space<hbm>> -> memref<16x1000xf32, #tpu.memory_space<hbm>>
        tpu.wait_dma2 semaphore(%run_scoped3A_1166 : memref<!tpu.dma_semaphore, #tpu.memory_space<semaphore_mem>>) src(%dma_wait3A_1196 : memref<16x1000xf32, #tpu.memory_space<hbm>>) dst(%dma_wait3A_1192 : memref<16x1000xf32, #tpu.memory_space<vmem>>)
        tpu.yield
      }) : () -> ()
      %broadcast_in_dim3A_587 = arith.constant 0.000000e+00 : f32
      %broadcast_in_dim3A_588 = vector.broadcast %broadcast_in_dim3A_587 : f32 to vector<16xf32>
      %broadcast_in_dim3A_589 = arith.constant 0.000000e+00 : f32
      %broadcast_in_dim3A_590 = vector.broadcast %broadcast_in_dim3A_589 : f32 to vector<16xf32>
      %broadcast_in_dim3A_591 = arith.constant 0.000000e+00 : f32
      %broadcast_in_dim3A_592 = vector.broadcast %broadcast_in_dim3A_591 : f32 to vector<16xf32>
      %broadcast_in_dim3A_593 = arith.constant 0.000000e+00 : f32
      %broadcast_in_dim3A_594 = vector.broadcast %broadcast_in_dim3A_593 : f32 to vector<16xf32>
      %broadcast_in_dim3A_595 = arith.constant 0.000000e+00 : f32
      %broadcast_in_dim3A_596 = vector.broadcast %broadcast_in_dim3A_595 : f32 to vector<16xf32>
      %broadcast_in_dim3A_597 = arith.constant 0.000000e+00 : f32
      %broadcast_in_dim3A_598 = vector.broadcast %broadcast_in_dim3A_597 : f32 to vector<16xf32>
      %broadcast_in_dim3A_599 = arith.constant 0.000000e+00 : f32
      %broadcast_in_dim3A_600 = vector.broadcast %broadcast_in_dim3A_599 : f32 to vector<16xf32>
      %broadcast_in_dim3A_601 = arith.constant 0.000000e+00 : f32
      %broadcast_in_dim3A_602 = vector.broadcast %broadcast_in_dim3A_601 : f32 to vector<16xf32>
      %broadcast_in_dim3A_603 = arith.constant 0.000000e+00 : f32
      %broadcast_in_dim3A_604 = vector.broadcast %broadcast_in_dim3A_603 : f32 to vector<16xf32>
      %broadcast_in_dim3A_605 = arith.constant 0.000000e+00 : f32
      %broadcast_in_dim3A_606 = vector.broadcast %broadcast_in_dim3A_605 : f32 to vector<16xf32>
      %broadcast_in_dim3A_607 = arith.constant 0.000000e+00 : f32
      %broadcast_in_dim3A_608 = vector.broadcast %broadcast_in_dim3A_607 : f32 to vector<16xf32>
      %broadcast_in_dim3A_609 = arith.constant 0.000000e+00 : f32
      %broadcast_in_dim3A_610 = vector.broadcast %broadcast_in_dim3A_609 : f32 to vector<16xf32>
      %broadcast_in_dim3A_611 = arith.constant 0.000000e+00 : f32
      %broadcast_in_dim3A_612 = vector.broadcast %broadcast_in_dim3A_611 : f32 to vector<16xf32>
      %broadcast_in_dim3A_613 = arith.constant 0.000000e+00 : f32
      %broadcast_in_dim3A_614 = vector.broadcast %broadcast_in_dim3A_613 : f32 to vector<16xf32>
      %broadcast_in_dim3A_615 = arith.constant 0.000000e+00 : f32
      %broadcast_in_dim3A_616 = vector.broadcast %broadcast_in_dim3A_615 : f32 to vector<16xf32>
      %broadcast_in_dim3A_617 = arith.constant 0.000000e+00 : f32
      %broadcast_in_dim3A_618 = vector.broadcast %broadcast_in_dim3A_617 : f32 to vector<16xf32>
      %scan3A_619 = arith.constant 0 : i32
      %scan3A_620 = arith.constant 62 : i32
      %scan3A_621 = arith.addi %scan3A_619, %scan3A_620 : i32
      %scan3A_622 = arith.constant 2 : i32
      %scan3A_623:16 = scf.for %scan3A_1166 = %scan3A_619 to %scan3A_621 step %scan3A_622 iter_args(%scan3A_1167 = %broadcast_in_dim3A_588, %scan3A_1168 = %broadcast_in_dim3A_590, %scan3A_1169 = %broadcast_in_dim3A_592, %scan3A_1170 = %broadcast_in_dim3A_594, %scan3A_1171 = %broadcast_in_dim3A_596, %scan3A_1172 = %broadcast_in_dim3A_598, %scan3A_1173 = %broadcast_in_dim3A_600, %scan3A_1174 = %broadcast_in_dim3A_602, %scan3A_1175 = %broadcast_in_dim3A_604, %scan3A_1176 = %broadcast_in_dim3A_606, %scan3A_1177 = %broadcast_in_dim3A_608, %scan3A_1178 = %broadcast_in_dim3A_610, %scan3A_1179 = %broadcast_in_dim3A_612, %scan3A_1180 = %broadcast_in_dim3A_614, %scan3A_1181 = %broadcast_in_dim3A_616, %scan3A_1182 = %broadcast_in_dim3A_618) -> (vector<16xf32>, vector<16xf32>, vector<16xf32>, vector<16xf32>, vector<16xf32>, vector<16xf32>, vector<16xf32>, vector<16xf32>, vector<16xf32>, vector<16xf32>, vector<16xf32>, vector<16xf32>, vector<16xf32>, vector<16xf32>, vector<16xf32>, vector<16xf32>)  : i32 {
        %mul3A_1183 = arith.constant 16 : i32
        %mul3A_1184 = arith.muli %scan3A_1166, %mul3A_1183 : i32
        %get3A_1185 = arith.index_cast %scan3A_8 : i32 to index
        %get3A_1186 = arith.index_cast %mul3A_1184 : i32 to index
        %get3A_1187 = tpu.vector_load %arg7[%get3A_1185, %get3A_1186] {strides = array<i32>} : memref<32x1000xf32, #tpu.memory_space<vmem>>, vector<1x16xf32>,
        %get3A_1188 = vector.shape_cast %get3A_1187 : vector<1x16xf32> to vector<16xf32>
        %mul3A_1189 = arith.constant 16 : i32
        %mul3A_1190 = arith.muli %scan3A_1166, %mul3A_1189 : i32
        %get3A_1191 = arith.constant 2 : i32
        %get3A_1192 = arith.constant 0 : i32
        %get3A_1193 = arith.index_cast %get3A_1191 : i32 to index
        %get3A_1194 = arith.index_cast %get3A_1192 : i32 to index
        %get3A_1195 = arith.index_cast %mul3A_1190 : i32 to index
        %get3A_1196 = tpu.vector_load %arg8[%get3A_1193, %get3A_1194, %get3A_1195] {strides = array<i32>} : memref<4x16x1000xf32, #tpu.memory_space<vmem>>, vector<1x1x16xf32>,
        %get3A_1197 = vector.shape_cast %get3A_1196 : vector<1x1x16xf32> to vector<16xf32>
        %mul3A_1198 = arith.mulf %get3A_1197, %get3A_1188 : vector<16xf32>
        %add3A_1199 = arith.addf %scan3A_1167, %mul3A_1198 : vector<16xf32>
        %mul3A_1200 = arith.constant 16 : i32
        %mul3A_1201 = arith.muli %scan3A_1166, %mul3A_1200 : i32
        %get3A_1202 = arith.constant 2 : i32
        %get3A_1203 = arith.constant 1 : i32
        %get3A_1204 = arith.index_cast %get3A_1202 : i32 to index
        %get3A_1205 = arith.index_cast %get3A_1203 : i32 to index
        %get3A_1206 = arith.index_cast %mul3A_1201 : i32 to index
        %get3A_1207 = tpu.vector_load %arg8[%get3A_1204, %get3A_1205, %get3A_1206] {strides = array<i32>} : memref<4x16x1000xf32, #tpu.memory_space<vmem>>, vector<1x1x16xf32>,
        %get3A_1208 = vector.shape_cast %get3A_1207 : vector<1x1x16xf32> to vector<16xf32>
        %mul3A_1209 = arith.mulf %get3A_1208, %get3A_1188 : vector<16xf32>
        %add3A_1210 = arith.addf %scan3A_1168, %mul3A_1209 : vector<16xf32>
        %mul3A_1211 = arith.constant 16 : i32
        %mul3A_1212 = arith.muli %scan3A_1166, %mul3A_1211 : i32
        %get3A_1213 = arith.constant 2 : i32
        %get3A_1214 = arith.constant 2 : i32
        %get3A_1215 = arith.index_cast %get3A_1213 : i32 to index
        %get3A_1216 = arith.index_cast %get3A_1214 : i32 to index
        %get3A_1217 = arith.index_cast %mul3A_1212 : i32 to index
        %get3A_1218 = tpu.vector_load %arg8[%get3A_1215, %get3A_1216, %get3A_1217] {strides = array<i32>} : memref<4x16x1000xf32, #tpu.memory_space<vmem>>, vector<1x1x16xf32>,
        %get3A_1219 = vector.shape_cast %get3A_1218 : vector<1x1x16xf32> to vector<16xf32>
        %mul3A_1220 = arith.mulf %get3A_1219, %get3A_1188 : vector<16xf32>
        %add3A_1221 = arith.addf %scan3A_1169, %mul3A_1220 : vector<16xf32>
        %mul3A_1222 = arith.constant 16 : i32
        %mul3A_1223 = arith.muli %scan3A_1166, %mul3A_1222 : i32
        %get3A_1224 = arith.constant 2 : i32
        %get3A_1225 = arith.constant 3 : i32
        %get3A_1226 = arith.index_cast %get3A_1224 : i32 to index
        %get3A_1227 = arith.index_cast %get3A_1225 : i32 to index
        %get3A_1228 = arith.index_cast %mul3A_1223 : i32 to index
        %get3A_1229 = tpu.vector_load %arg8[%get3A_1226, %get3A_1227, %get3A_1228] {strides = array<i32>} : memref<4x16x1000xf32, #tpu.memory_space<vmem>>, vector<1x1x16xf32>,
        %get3A_1230 = vector.shape_cast %get3A_1229 : vector<1x1x16xf32> to vector<16xf32>
        %mul3A_1231 = arith.mulf %get3A_1230, %get3A_1188 : vector<16xf32>
        %add3A_1232 = arith.addf %scan3A_1170, %mul3A_1231 : vector<16xf32>
        %mul3A_1233 = arith.constant 16 : i32
        %mul3A_1234 = arith.muli %scan3A_1166, %mul3A_1233 : i32
        %get3A_1235 = arith.constant 2 : i32
        %get3A_1236 = arith.constant 4 : i32
        %get3A_1237 = arith.index_cast %get3A_1235 : i32 to index
        %get3A_1238 = arith.index_cast %get3A_1236 : i32 to index
        %get3A_1239 = arith.index_cast %mul3A_1234 : i32 to index
        %get3A_1240 = tpu.vector_load %arg8[%get3A_1237, %get3A_1238, %get3A_1239] {strides = array<i32>} : memref<4x16x1000xf32, #tpu.memory_space<vmem>>, vector<1x1x16xf32>,
        %get3A_1241 = vector.shape_cast %get3A_1240 : vector<1x1x16xf32> to vector<16xf32>
        %mul3A_1242 = arith.mulf %get3A_1241, %get3A_1188 : vector<16xf32>
        %add3A_1243 = arith.addf %scan3A_1171, %mul3A_1242 : vector<16xf32>
        %mul3A_1244 = arith.constant 16 : i32
        %mul3A_1245 = arith.muli %scan3A_1166, %mul3A_1244 : i32
        %get3A_1246 = arith.constant 2 : i32
        %get3A_1247 = arith.constant 5 : i32
        %get3A_1248 = arith.index_cast %get3A_1246 : i32 to index
        %get3A_1249 = arith.index_cast %get3A_1247 : i32 to index
        %get3A_1250 = arith.index_cast %mul3A_1245 : i32 to index
        %get3A_1251 = tpu.vector_load %arg8[%get3A_1248, %get3A_1249, %get3A_1250] {strides = array<i32>} : memref<4x16x1000xf32, #tpu.memory_space<vmem>>, vector<1x1x16xf32>,
        %get3A_1252 = vector.shape_cast %get3A_1251 : vector<1x1x16xf32> to vector<16xf32>
        %mul3A_1253 = arith.mulf %get3A_1252, %get3A_1188 : vector<16xf32>
        %add3A_1254 = arith.addf %scan3A_1172, %mul3A_1253 : vector<16xf32>
        %mul3A_1255 = arith.constant 16 : i32
        %mul3A_1256 = arith.muli %scan3A_1166, %mul3A_1255 : i32
        %get3A_1257 = arith.constant 2 : i32
        %get3A_1258 = arith.constant 6 : i32
        %get3A_1259 = arith.index_cast %get3A_1257 : i32 to index
        %get3A_1260 = arith.index_cast %get3A_1258 : i32 to index
        %get3A_1261 = arith.index_cast %mul3A_1256 : i32 to index
        %get3A_1262 = tpu.vector_load %arg8[%get3A_1259, %get3A_1260, %get3A_1261] {strides = array<i32>} : memref<4x16x1000xf32, #tpu.memory_space<vmem>>, vector<1x1x16xf32>,
        %get3A_1263 = vector.shape_cast %get3A_1262 : vector<1x1x16xf32> to vector<16xf32>
        %mul3A_1264 = arith.mulf %get3A_1263, %get3A_1188 : vector<16xf32>
        %add3A_1265 = arith.addf %scan3A_1173, %mul3A_1264 : vector<16xf32>
        %mul3A_1266 = arith.constant 16 : i32
        %mul3A_1267 = arith.muli %scan3A_1166, %mul3A_1266 : i32
        %get3A_1268 = arith.constant 2 : i32
        %get3A_1269 = arith.constant 7 : i32
        %get3A_1270 = arith.index_cast %get3A_1268 : i32 to index
        %get3A_1271 = arith.index_cast %get3A_1269 : i32 to index
        %get3A_1272 = arith.index_cast %mul3A_1267 : i32 to index
        %get3A_1273 = tpu.vector_load %arg8[%get3A_1270, %get3A_1271, %get3A_1272] {strides = array<i32>} : memref<4x16x1000xf32, #tpu.memory_space<vmem>>, vector<1x1x16xf32>,
        %get3A_1274 = vector.shape_cast %get3A_1273 : vector<1x1x16xf32> to vector<16xf32>
        %mul3A_1275 = arith.mulf %get3A_1274, %get3A_1188 : vector<16xf32>
        %add3A_1276 = arith.addf %scan3A_1174, %mul3A_1275 : vector<16xf32>
        %mul3A_1277 = arith.constant 16 : i32
        %mul3A_1278 = arith.muli %scan3A_1166, %mul3A_1277 : i32
        %get3A_1279 = arith.constant 2 : i32
        %get3A_1280 = arith.constant 8 : i32
        %get3A_1281 = arith.index_cast %get3A_1279 : i32 to index
        %get3A_1282 = arith.index_cast %get3A_1280 : i32 to index
        %get3A_1283 = arith.index_cast %mul3A_1278 : i32 to index
        %get3A_1284 = tpu.vector_load %arg8[%get3A_1281, %get3A_1282, %get3A_1283] {strides = array<i32>} : memref<4x16x1000xf32, #tpu.memory_space<vmem>>, vector<1x1x16xf32>,
        %get3A_1285 = vector.shape_cast %get3A_1284 : vector<1x1x16xf32> to vector<16xf32>
        %mul3A_1286 = arith.mulf %get3A_1285, %get3A_1188 : vector<16xf32>
        %add3A_1287 = arith.addf %scan3A_1175, %mul3A_1286 : vector<16xf32>
        %mul3A_1288 = arith.constant 16 : i32
        %mul3A_1289 = arith.muli %scan3A_1166, %mul3A_1288 : i32
        %get3A_1290 = arith.constant 2 : i32
        %get3A_1291 = arith.constant 9 : i32
        %get3A_1292 = arith.index_cast %get3A_1290 : i32 to index
        %get3A_1293 = arith.index_cast %get3A_1291 : i32 to index
        %get3A_1294 = arith.index_cast %mul3A_1289 : i32 to index
        %get3A_1295 = tpu.vector_load %arg8[%get3A_1292, %get3A_1293, %get3A_1294] {strides = array<i32>} : memref<4x16x1000xf32, #tpu.memory_space<vmem>>, vector<1x1x16xf32>,
        %get3A_1296 = vector.shape_cast %get3A_1295 : vector<1x1x16xf32> to vector<16xf32>
        %mul3A_1297 = arith.mulf %get3A_1296, %get3A_1188 : vector<16xf32>
        %add3A_1298 = arith.addf %scan3A_1176, %mul3A_1297 : vector<16xf32>
        %mul3A_1299 = arith.constant 16 : i32
        %mul3A_1300 = arith.muli %scan3A_1166, %mul3A_1299 : i32
        %get3A_1301 = arith.constant 2 : i32
        %get3A_1302 = arith.constant 10 : i32
        %get3A_1303 = arith.index_cast %get3A_1301 : i32 to index
        %get3A_1304 = arith.index_cast %get3A_1302 : i32 to index
        %get3A_1305 = arith.index_cast %mul3A_1300 : i32 to index
        %get3A_1306 = tpu.vector_load %arg8[%get3A_1303, %get3A_1304, %get3A_1305] {strides = array<i32>} : memref<4x16x1000xf32, #tpu.memory_space<vmem>>, vector<1x1x16xf32>,
        %get3A_1307 = vector.shape_cast %get3A_1306 : vector<1x1x16xf32> to vector<16xf32>
        %mul3A_1308 = arith.mulf %get3A_1307, %get3A_1188 : vector<16xf32>
        %add3A_1309 = arith.addf %scan3A_1177, %mul3A_1308 : vector<16xf32>
        %mul3A_1310 = arith.constant 16 : i32
        %mul3A_1311 = arith.muli %scan3A_1166, %mul3A_1310 : i32
        %get3A_1312 = arith.constant 2 : i32
        %get3A_1313 = arith.constant 11 : i32
        %get3A_1314 = arith.index_cast %get3A_1312 : i32 to index
        %get3A_1315 = arith.index_cast %get3A_1313 : i32 to index
        %get3A_1316 = arith.index_cast %mul3A_1311 : i32 to index
        %get3A_1317 = tpu.vector_load %arg8[%get3A_1314, %get3A_1315, %get3A_1316] {strides = array<i32>} : memref<4x16x1000xf32, #tpu.memory_space<vmem>>, vector<1x1x16xf32>,
        %get3A_1318 = vector.shape_cast %get3A_1317 : vector<1x1x16xf32> to vector<16xf32>
        %mul3A_1319 = arith.mulf %get3A_1318, %get3A_1188 : vector<16xf32>
        %add3A_1320 = arith.addf %scan3A_1178, %mul3A_1319 : vector<16xf32>
        %mul3A_1321 = arith.constant 16 : i32
        %mul3A_1322 = arith.muli %scan3A_1166, %mul3A_1321 : i32
        %get3A_1323 = arith.constant 2 : i32
        %get3A_1324 = arith.constant 12 : i32
        %get3A_1325 = arith.index_cast %get3A_1323 : i32 to index
        %get3A_1326 = arith.index_cast %get3A_1324 : i32 to index
        %get3A_1327 = arith.index_cast %mul3A_1322 : i32 to index
        %get3A_1328 = tpu.vector_load %arg8[%get3A_1325, %get3A_1326, %get3A_1327] {strides = array<i32>} : memref<4x16x1000xf32, #tpu.memory_space<vmem>>, vector<1x1x16xf32>,
        %get3A_1329 = vector.shape_cast %get3A_1328 : vector<1x1x16xf32> to vector<16xf32>
        %mul3A_1330 = arith.mulf %get3A_1329, %get3A_1188 : vector<16xf32>
        %add3A_1331 = arith.addf %scan3A_1179, %mul3A_1330 : vector<16xf32>
        %mul3A_1332 = arith.constant 16 : i32
        %mul3A_1333 = arith.muli %scan3A_1166, %mul3A_1332 : i32
        %get3A_1334 = arith.constant 2 : i32
        %get3A_1335 = arith.constant 13 : i32
        %get3A_1336 = arith.index_cast %get3A_1334 : i32 to index
        %get3A_1337 = arith.index_cast %get3A_1335 : i32 to index
        %get3A_1338 = arith.index_cast %mul3A_1333 : i32 to index
        %get3A_1339 = tpu.vector_load %arg8[%get3A_1336, %get3A_1337, %get3A_1338] {strides = array<i32>} : memref<4x16x1000xf32, #tpu.memory_space<vmem>>, vector<1x1x16xf32>,
        %get3A_1340 = vector.shape_cast %get3A_1339 : vector<1x1x16xf32> to vector<16xf32>
        %mul3A_1341 = arith.mulf %get3A_1340, %get3A_1188 : vector<16xf32>
        %add3A_1342 = arith.addf %scan3A_1180, %mul3A_1341 : vector<16xf32>
        %mul3A_1343 = arith.constant 16 : i32
        %mul3A_1344 = arith.muli %scan3A_1166, %mul3A_1343 : i32
        %get3A_1345 = arith.constant 2 : i32
        %get3A_1346 = arith.constant 14 : i32
        %get3A_1347 = arith.index_cast %get3A_1345 : i32 to index
        %get3A_1348 = arith.index_cast %get3A_1346 : i32 to index
        %get3A_1349 = arith.index_cast %mul3A_1344 : i32 to index
        %get3A_1350 = tpu.vector_load %arg8[%get3A_1347, %get3A_1348, %get3A_1349] {strides = array<i32>} : memref<4x16x1000xf32, #tpu.memory_space<vmem>>, vector<1x1x16xf32>,
        %get3A_1351 = vector.shape_cast %get3A_1350 : vector<1x1x16xf32> to vector<16xf32>
        %mul3A_1352 = arith.mulf %get3A_1351, %get3A_1188 : vector<16xf32>
        %add3A_1353 = arith.addf %scan3A_1181, %mul3A_1352 : vector<16xf32>
        %mul3A_1354 = arith.constant 16 : i32
        %mul3A_1355 = arith.muli %scan3A_1166, %mul3A_1354 : i32
        %get3A_1356 = arith.constant 2 : i32
        %get3A_1357 = arith.constant 15 : i32
        %get3A_1358 = arith.index_cast %get3A_1356 : i32 to index
        %get3A_1359 = arith.index_cast %get3A_1357 : i32 to index
        %get3A_1360 = arith.index_cast %mul3A_1355 : i32 to index
        %get3A_1361 = tpu.vector_load %arg8[%get3A_1358, %get3A_1359, %get3A_1360] {strides = array<i32>} : memref<4x16x1000xf32, #tpu.memory_space<vmem>>, vector<1x1x16xf32>,
        %get3A_1362 = vector.shape_cast %get3A_1361 : vector<1x1x16xf32> to vector<16xf32>
        %mul3A_1363 = arith.mulf %get3A_1362, %get3A_1188 : vector<16xf32>
        %add3A_1364 = arith.addf %scan3A_1182, %mul3A_1363 : vector<16xf32>
        %scan3A_1365 = arith.constant 1 : i32
        %scan3A_1366 = arith.addi %scan3A_1166, %scan3A_1365 : i32
        %mul3A_1367 = arith.constant 16 : i32
        %mul3A_1368 = arith.muli %scan3A_1366, %mul3A_1367 : i32
        %get3A_1369 = arith.index_cast %scan3A_8 : i32 to index
        %get3A_1370 = arith.index_cast %mul3A_1368 : i32 to index
        %get3A_1371 = tpu.vector_load %arg7[%get3A_1369, %get3A_1370] {strides = array<i32>} : memref<32x1000xf32, #tpu.memory_space<vmem>>, vector<1x16xf32>,
        %get3A_1372 = vector.shape_cast %get3A_1371 : vector<1x16xf32> to vector<16xf32>
        %mul3A_1373 = arith.constant 16 : i32
        %mul3A_1374 = arith.muli %scan3A_1366, %mul3A_1373 : i32
        %get3A_1375 = arith.constant 2 : i32
        %get3A_1376 = arith.constant 0 : i32
        %get3A_1377 = arith.index_cast %get3A_1375 : i32 to index
        %get3A_1378 = arith.index_cast %get3A_1376 : i32 to index
        %get3A_1379 = arith.index_cast %mul3A_1374 : i32 to index
        %get3A_1380 = tpu.vector_load %arg8[%get3A_1377, %get3A_1378, %get3A_1379] {strides = array<i32>} : memref<4x16x1000xf32, #tpu.memory_space<vmem>>, vector<1x1x16xf32>,
        %get3A_1381 = vector.shape_cast %get3A_1380 : vector<1x1x16xf32> to vector<16xf32>
        %mul3A_1382 = arith.mulf %get3A_1381, %get3A_1372 : vector<16xf32>
        %add3A_1383 = arith.addf %add3A_1199, %mul3A_1382 : vector<16xf32>
        %mul3A_1384 = arith.constant 16 : i32
        %mul3A_1385 = arith.muli %scan3A_1366, %mul3A_1384 : i32
        %get3A_1386 = arith.constant 2 : i32
        %get3A_1387 = arith.constant 1 : i32
        %get3A_1388 = arith.index_cast %get3A_1386 : i32 to index
        %get3A_1389 = arith.index_cast %get3A_1387 : i32 to index
        %get3A_1390 = arith.index_cast %mul3A_1385 : i32 to index
        %get3A_1391 = tpu.vector_load %arg8[%get3A_1388, %get3A_1389, %get3A_1390] {strides = array<i32>} : memref<4x16x1000xf32, #tpu.memory_space<vmem>>, vector<1x1x16xf32>,
        %get3A_1392 = vector.shape_cast %get3A_1391 : vector<1x1x16xf32> to vector<16xf32>
        %mul3A_1393 = arith.mulf %get3A_1392, %get3A_1372 : vector<16xf32>
        %add3A_1394 = arith.addf %add3A_1210, %mul3A_1393 : vector<16xf32>
        %mul3A_1395 = arith.constant 16 : i32
        %mul3A_1396 = arith.muli %scan3A_1366, %mul3A_1395 : i32
        %get3A_1397 = arith.constant 2 : i32
        %get3A_1398 = arith.constant 2 : i32
        %get3A_1399 = arith.index_cast %get3A_1397 : i32 to index
        %get3A_1400 = arith.index_cast %get3A_1398 : i32 to index
        %get3A_1401 = arith.index_cast %mul3A_1396 : i32 to index
        %get3A_1402 = tpu.vector_load %arg8[%get3A_1399, %get3A_1400, %get3A_1401] {strides = array<i32>} : memref<4x16x1000xf32, #tpu.memory_space<vmem>>, vector<1x1x16xf32>,
        %get3A_1403 = vector.shape_cast %get3A_1402 : vector<1x1x16xf32> to vector<16xf32>
        %mul3A_1404 = arith.mulf %get3A_1403, %get3A_1372 : vector<16xf32>
        %add3A_1405 = arith.addf %add3A_1221, %mul3A_1404 : vector<16xf32>
        %mul3A_1406 = arith.constant 16 : i32
        %mul3A_1407 = arith.muli %scan3A_1366, %mul3A_1406 : i32
        %get3A_1408 = arith.constant 2 : i32
        %get3A_1409 = arith.constant 3 : i32
        %get3A_1410 = arith.index_cast %get3A_1408 : i32 to index
        %get3A_1411 = arith.index_cast %get3A_1409 : i32 to index
        %get3A_1412 = arith.index_cast %mul3A_1407 : i32 to index
        %get3A_1413 = tpu.vector_load %arg8[%get3A_1410, %get3A_1411, %get3A_1412] {strides = array<i32>} : memref<4x16x1000xf32, #tpu.memory_space<vmem>>, vector<1x1x16xf32>,
        %get3A_1414 = vector.shape_cast %get3A_1413 : vector<1x1x16xf32> to vector<16xf32>
        %mul3A_1415 = arith.mulf %get3A_1414, %get3A_1372 : vector<16xf32>
        %add3A_1416 = arith.addf %add3A_1232, %mul3A_1415 : vector<16xf32>
        %mul3A_1417 = arith.constant 16 : i32
        %mul3A_1418 = arith.muli %scan3A_1366, %mul3A_1417 : i32
        %get3A_1419 = arith.constant 2 : i32
        %get3A_1420 = arith.constant 4 : i32
        %get3A_1421 = arith.index_cast %get3A_1419 : i32 to index
        %get3A_1422 = arith.index_cast %get3A_1420 : i32 to index
        %get3A_1423 = arith.index_cast %mul3A_1418 : i32 to index
        %get3A_1424 = tpu.vector_load %arg8[%get3A_1421, %get3A_1422, %get3A_1423] {strides = array<i32>} : memref<4x16x1000xf32, #tpu.memory_space<vmem>>, vector<1x1x16xf32>,
        %get3A_1425 = vector.shape_cast %get3A_1424 : vector<1x1x16xf32> to vector<16xf32>
        %mul3A_1426 = arith.mulf %get3A_1425, %get3A_1372 : vector<16xf32>
        %add3A_1427 = arith.addf %add3A_1243, %mul3A_1426 : vector<16xf32>
        %mul3A_1428 = arith.constant 16 : i32
        %mul3A_1429 = arith.muli %scan3A_1366, %mul3A_1428 : i32
        %get3A_1430 = arith.constant 2 : i32
        %get3A_1431 = arith.constant 5 : i32
        %get3A_1432 = arith.index_cast %get3A_1430 : i32 to index
        %get3A_1433 = arith.index_cast %get3A_1431 : i32 to index
        %get3A_1434 = arith.index_cast %mul3A_1429 : i32 to index
        %get3A_1435 = tpu.vector_load %arg8[%get3A_1432, %get3A_1433, %get3A_1434] {strides = array<i32>} : memref<4x16x1000xf32, #tpu.memory_space<vmem>>, vector<1x1x16xf32>,
        %get3A_1436 = vector.shape_cast %get3A_1435 : vector<1x1x16xf32> to vector<16xf32>
        %mul3A_1437 = arith.mulf %get3A_1436, %get3A_1372 : vector<16xf32>
        %add3A_1438 = arith.addf %add3A_1254, %mul3A_1437 : vector<16xf32>
        %mul3A_1439 = arith.constant 16 : i32
        %mul3A_1440 = arith.muli %scan3A_1366, %mul3A_1439 : i32
        %get3A_1441 = arith.constant 2 : i32
        %get3A_1442 = arith.constant 6 : i32
        %get3A_1443 = arith.index_cast %get3A_1441 : i32 to index
        %get3A_1444 = arith.index_cast %get3A_1442 : i32 to index
        %get3A_1445 = arith.index_cast %mul3A_1440 : i32 to index
        %get3A_1446 = tpu.vector_load %arg8[%get3A_1443, %get3A_1444, %get3A_1445] {strides = array<i32>} : memref<4x16x1000xf32, #tpu.memory_space<vmem>>, vector<1x1x16xf32>,
        %get3A_1447 = vector.shape_cast %get3A_1446 : vector<1x1x16xf32> to vector<16xf32>
        %mul3A_1448 = arith.mulf %get3A_1447, %get3A_1372 : vector<16xf32>
        %add3A_1449 = arith.addf %add3A_1265, %mul3A_1448 : vector<16xf32>
        %mul3A_1450 = arith.constant 16 : i32
        %mul3A_1451 = arith.muli %scan3A_1366, %mul3A_1450 : i32
        %get3A_1452 = arith.constant 2 : i32
        %get3A_1453 = arith.constant 7 : i32
        %get3A_1454 = arith.index_cast %get3A_1452 : i32 to index
        %get3A_1455 = arith.index_cast %get3A_1453 : i32 to index
        %get3A_1456 = arith.index_cast %mul3A_1451 : i32 to index
        %get3A_1457 = tpu.vector_load %arg8[%get3A_1454, %get3A_1455, %get3A_1456] {strides = array<i32>} : memref<4x16x1000xf32, #tpu.memory_space<vmem>>, vector<1x1x16xf32>,
        %get3A_1458 = vector.shape_cast %get3A_1457 : vector<1x1x16xf32> to vector<16xf32>
        %mul3A_1459 = arith.mulf %get3A_1458, %get3A_1372 : vector<16xf32>
        %add3A_1460 = arith.addf %add3A_1276, %mul3A_1459 : vector<16xf32>
        %mul3A_1461 = arith.constant 16 : i32
        %mul3A_1462 = arith.muli %scan3A_1366, %mul3A_1461 : i32
        %get3A_1463 = arith.constant 2 : i32
        %get3A_1464 = arith.constant 8 : i32
        %get3A_1465 = arith.index_cast %get3A_1463 : i32 to index
        %get3A_1466 = arith.index_cast %get3A_1464 : i32 to index
        %get3A_1467 = arith.index_cast %mul3A_1462 : i32 to index
        %get3A_1468 = tpu.vector_load %arg8[%get3A_1465, %get3A_1466, %get3A_1467] {strides = array<i32>} : memref<4x16x1000xf32, #tpu.memory_space<vmem>>, vector<1x1x16xf32>,
        %get3A_1469 = vector.shape_cast %get3A_1468 : vector<1x1x16xf32> to vector<16xf32>
        %mul3A_1470 = arith.mulf %get3A_1469, %get3A_1372 : vector<16xf32>
        %add3A_1471 = arith.addf %add3A_1287, %mul3A_1470 : vector<16xf32>
        %mul3A_1472 = arith.constant 16 : i32
        %mul3A_1473 = arith.muli %scan3A_1366, %mul3A_1472 : i32
        %get3A_1474 = arith.constant 2 : i32
        %get3A_1475 = arith.constant 9 : i32
        %get3A_1476 = arith.index_cast %get3A_1474 : i32 to index
        %get3A_1477 = arith.index_cast %get3A_1475 : i32 to index
        %get3A_1478 = arith.index_cast %mul3A_1473 : i32 to index
        %get3A_1479 = tpu.vector_load %arg8[%get3A_1476, %get3A_1477, %get3A_1478] {strides = array<i32>} : memref<4x16x1000xf32, #tpu.memory_space<vmem>>, vector<1x1x16xf32>,
        %get3A_1480 = vector.shape_cast %get3A_1479 : vector<1x1x16xf32> to vector<16xf32>
        %mul3A_1481 = arith.mulf %get3A_1480, %get3A_1372 : vector<16xf32>
        %add3A_1482 = arith.addf %add3A_1298, %mul3A_1481 : vector<16xf32>
        %mul3A_1483 = arith.constant 16 : i32
        %mul3A_1484 = arith.muli %scan3A_1366, %mul3A_1483 : i32
        %get3A_1485 = arith.constant 2 : i32
        %get3A_1486 = arith.constant 10 : i32
        %get3A_1487 = arith.index_cast %get3A_1485 : i32 to index
        %get3A_1488 = arith.index_cast %get3A_1486 : i32 to index
        %get3A_1489 = arith.index_cast %mul3A_1484 : i32 to index
        %get3A_1490 = tpu.vector_load %arg8[%get3A_1487, %get3A_1488, %get3A_1489] {strides = array<i32>} : memref<4x16x1000xf32, #tpu.memory_space<vmem>>, vector<1x1x16xf32>,
        %get3A_1491 = vector.shape_cast %get3A_1490 : vector<1x1x16xf32> to vector<16xf32>
        %mul3A_1492 = arith.mulf %get3A_1491, %get3A_1372 : vector<16xf32>
        %add3A_1493 = arith.addf %add3A_1309, %mul3A_1492 : vector<16xf32>
        %mul3A_1494 = arith.constant 16 : i32
        %mul3A_1495 = arith.muli %scan3A_1366, %mul3A_1494 : i32
        %get3A_1496 = arith.constant 2 : i32
        %get3A_1497 = arith.constant 11 : i32
        %get3A_1498 = arith.index_cast %get3A_1496 : i32 to index
        %get3A_1499 = arith.index_cast %get3A_1497 : i32 to index
        %get3A_1500 = arith.index_cast %mul3A_1495 : i32 to index
        %get3A_1501 = tpu.vector_load %arg8[%get3A_1498, %get3A_1499, %get3A_1500] {strides = array<i32>} : memref<4x16x1000xf32, #tpu.memory_space<vmem>>, vector<1x1x16xf32>,
        %get3A_1502 = vector.shape_cast %get3A_1501 : vector<1x1x16xf32> to vector<16xf32>
        %mul3A_1503 = arith.mulf %get3A_1502, %get3A_1372 : vector<16xf32>
        %add3A_1504 = arith.addf %add3A_1320, %mul3A_1503 : vector<16xf32>
        %mul3A_1505 = arith.constant 16 : i32
        %mul3A_1506 = arith.muli %scan3A_1366, %mul3A_1505 : i32
        %get3A_1507 = arith.constant 2 : i32
        %get3A_1508 = arith.constant 12 : i32
        %get3A_1509 = arith.index_cast %get3A_1507 : i32 to index
        %get3A_1510 = arith.index_cast %get3A_1508 : i32 to index
        %get3A_1511 = arith.index_cast %mul3A_1506 : i32 to index
        %get3A_1512 = tpu.vector_load %arg8[%get3A_1509, %get3A_1510, %get3A_1511] {strides = array<i32>} : memref<4x16x1000xf32, #tpu.memory_space<vmem>>, vector<1x1x16xf32>,
        %get3A_1513 = vector.shape_cast %get3A_1512 : vector<1x1x16xf32> to vector<16xf32>
        %mul3A_1514 = arith.mulf %get3A_1513, %get3A_1372 : vector<16xf32>
        %add3A_1515 = arith.addf %add3A_1331, %mul3A_1514 : vector<16xf32>
        %mul3A_1516 = arith.constant 16 : i32
        %mul3A_1517 = arith.muli %scan3A_1366, %mul3A_1516 : i32
        %get3A_1518 = arith.constant 2 : i32
        %get3A_1519 = arith.constant 13 : i32
        %get3A_1520 = arith.index_cast %get3A_1518 : i32 to index
        %get3A_1521 = arith.index_cast %get3A_1519 : i32 to index
        %get3A_1522 = arith.index_cast %mul3A_1517 : i32 to index
        %get3A_1523 = tpu.vector_load %arg8[%get3A_1520, %get3A_1521, %get3A_1522] {strides = array<i32>} : memref<4x16x1000xf32, #tpu.memory_space<vmem>>, vector<1x1x16xf32>,
        %get3A_1524 = vector.shape_cast %get3A_1523 : vector<1x1x16xf32> to vector<16xf32>
        %mul3A_1525 = arith.mulf %get3A_1524, %get3A_1372 : vector<16xf32>
        %add3A_1526 = arith.addf %add3A_1342, %mul3A_1525 : vector<16xf32>
        %mul3A_1527 = arith.constant 16 : i32
        %mul3A_1528 = arith.muli %scan3A_1366, %mul3A_1527 : i32
        %get3A_1529 = arith.constant 2 : i32
        %get3A_1530 = arith.constant 14 : i32
        %get3A_1531 = arith.index_cast %get3A_1529 : i32 to index
        %get3A_1532 = arith.index_cast %get3A_1530 : i32 to index
        %get3A_1533 = arith.index_cast %mul3A_1528 : i32 to index
        %get3A_1534 = tpu.vector_load %arg8[%get3A_1531, %get3A_1532, %get3A_1533] {strides = array<i32>} : memref<4x16x1000xf32, #tpu.memory_space<vmem>>, vector<1x1x16xf32>,
        %get3A_1535 = vector.shape_cast %get3A_1534 : vector<1x1x16xf32> to vector<16xf32>
        %mul3A_1536 = arith.mulf %get3A_1535, %get3A_1372 : vector<16xf32>
        %add3A_1537 = arith.addf %add3A_1353, %mul3A_1536 : vector<16xf32>
        %mul3A_1538 = arith.constant 16 : i32
        %mul3A_1539 = arith.muli %scan3A_1366, %mul3A_1538 : i32
        %get3A_1540 = arith.constant 2 : i32
        %get3A_1541 = arith.constant 15 : i32
        %get3A_1542 = arith.index_cast %get3A_1540 : i32 to index
        %get3A_1543 = arith.index_cast %get3A_1541 : i32 to index
        %get3A_1544 = arith.index_cast %mul3A_1539 : i32 to index
        %get3A_1545 = tpu.vector_load %arg8[%get3A_1542, %get3A_1543, %get3A_1544] {strides = array<i32>} : memref<4x16x1000xf32, #tpu.memory_space<vmem>>, vector<1x1x16xf32>,
        %get3A_1546 = vector.shape_cast %get3A_1545 : vector<1x1x16xf32> to vector<16xf32>
        %mul3A_1547 = arith.mulf %get3A_1546, %get3A_1372 : vector<16xf32>
        %add3A_1548 = arith.addf %add3A_1364, %mul3A_1547 : vector<16xf32>
        scf.yield %add3A_1383, %add3A_1394, %add3A_1405, %add3A_1416, %add3A_1427, %add3A_1438, %add3A_1449, %add3A_1460, %add3A_1471, %add3A_1482, %add3A_1493, %add3A_1504, %add3A_1515, %add3A_1526, %add3A_1537, %add3A_1548 : vector<16xf32>, vector<16xf32>, vector<16xf32>, vector<16xf32>, vector<16xf32>, vector<16xf32>, vector<16xf32>, vector<16xf32>, vector<16xf32>, vector<16xf32>, vector<16xf32>, vector<16xf32>, vector<16xf32>, vector<16xf32>, vector<16xf32>, vector<16xf32>
      }
      %scan3A_624 = arith.constant 62 : i32
      %ge3A_625 = arith.constant 8 : i32
      %ge3A_626 = vector.broadcast %ge3A_625 : i32 to vector<16xi32>
      %ge3A_627 = arith.cmpi sge, %iota3A, %ge3A_626 : vector<16xi32>
      %get3A_628 = arith.index_cast %scan3A_8 : i32 to index
      %get3A_629 = arith.constant 984 : index
      %get3A_630 = tpu.vector_load %arg7[%get3A_628, %get3A_629] {strides = array<i32>} : memref<32x1000xf32, #tpu.memory_space<vmem>>, vector<1x16xf32>,
      %get3A_631 = vector.shape_cast %get3A_630 : vector<1x16xf32> to vector<16xf32>
      %jit3A_632 = arith.constant 0.000000e+00 : f32
      %broadcast_in_dim3A_633 = vector.broadcast %jit3A_632 : f32 to vector<16xf32>
      %select_n3A_634 = arith.select %ge3A_627, %get3A_631, %broadcast_in_dim3A_633 : vector<16xi1>, vector<16xf32>
      %get3A_635 = arith.constant 2 : i32
      %get3A_636 = arith.constant 0 : i32
      %get3A_637 = arith.index_cast %get3A_635 : i32 to index
      %get3A_638 = arith.index_cast %get3A_636 : i32 to index
      %get3A_639 = arith.constant 984 : index
      %get3A_640 = tpu.vector_load %arg8[%get3A_637, %get3A_638, %get3A_639] {strides = array<i32>} : memref<4x16x1000xf32, #tpu.memory_space<vmem>>, vector<1x1x16xf32>,
      %get3A_641 = vector.shape_cast %get3A_640 : vector<1x1x16xf32> to vector<16xf32>
      %mul3A_642 = arith.mulf %get3A_641, %select_n3A_634 : vector<16xf32>
      %add3A_643 = arith.addf %scan3A_623#0, %mul3A_642 : vector<16xf32>
      %get3A_644 = arith.constant 2 : i32
      %get3A_645 = arith.constant 1 : i32
      %get3A_646 = arith.index_cast %get3A_644 : i32 to index
      %get3A_647 = arith.index_cast %get3A_645 : i32 to index
      %get3A_648 = arith.constant 984 : index
      %get3A_649 = tpu.vector_load %arg8[%get3A_646, %get3A_647, %get3A_648] {strides = array<i32>} : memref<4x16x1000xf32, #tpu.memory_space<vmem>>, vector<1x1x16xf32>,
      %get3A_650 = vector.shape_cast %get3A_649 : vector<1x1x16xf32> to vector<16xf32>
      %mul3A_651 = arith.mulf %get3A_650, %select_n3A_634 : vector<16xf32>
      %add3A_652 = arith.addf %scan3A_623#1, %mul3A_651 : vector<16xf32>
      %get3A_653 = arith.constant 2 : i32
      %get3A_654 = arith.constant 2 : i32
      %get3A_655 = arith.index_cast %get3A_653 : i32 to index
      %get3A_656 = arith.index_cast %get3A_654 : i32 to index
      %get3A_657 = arith.constant 984 : index
      %get3A_658 = tpu.vector_load %arg8[%get3A_655, %get3A_656, %get3A_657] {strides = array<i32>} : memref<4x16x1000xf32, #tpu.memory_space<vmem>>, vector<1x1x16xf32>,
      %get3A_659 = vector.shape_cast %get3A_658 : vector<1x1x16xf32> to vector<16xf32>
      %mul3A_660 = arith.mulf %get3A_659, %select_n3A_634 : vector<16xf32>
      %add3A_661 = arith.addf %scan3A_623#2, %mul3A_660 : vector<16xf32>
      %get3A_662 = arith.constant 2 : i32
      %get3A_663 = arith.constant 3 : i32
      %get3A_664 = arith.index_cast %get3A_662 : i32 to index
      %get3A_665 = arith.index_cast %get3A_663 : i32 to index
      %get3A_666 = arith.constant 984 : index
      %get3A_667 = tpu.vector_load %arg8[%get3A_664, %get3A_665, %get3A_666] {strides = array<i32>} : memref<4x16x1000xf32, #tpu.memory_space<vmem>>, vector<1x1x16xf32>,
      %get3A_668 = vector.shape_cast %get3A_667 : vector<1x1x16xf32> to vector<16xf32>
      %mul3A_669 = arith.mulf %get3A_668, %select_n3A_634 : vector<16xf32>
      %add3A_670 = arith.addf %scan3A_623#3, %mul3A_669 : vector<16xf32>
      %get3A_671 = arith.constant 2 : i32
      %get3A_672 = arith.constant 4 : i32
      %get3A_673 = arith.index_cast %get3A_671 : i32 to index
      %get3A_674 = arith.index_cast %get3A_672 : i32 to index
      %get3A_675 = arith.constant 984 : index
      %get3A_676 = tpu.vector_load %arg8[%get3A_673, %get3A_674, %get3A_675] {strides = array<i32>} : memref<4x16x1000xf32, #tpu.memory_space<vmem>>, vector<1x1x16xf32>,
      %get3A_677 = vector.shape_cast %get3A_676 : vector<1x1x16xf32> to vector<16xf32>
      %mul3A_678 = arith.mulf %get3A_677, %select_n3A_634 : vector<16xf32>
      %add3A_679 = arith.addf %scan3A_623#4, %mul3A_678 : vector<16xf32>
      %get3A_680 = arith.constant 2 : i32
      %get3A_681 = arith.constant 5 : i32
      %get3A_682 = arith.index_cast %get3A_680 : i32 to index
      %get3A_683 = arith.index_cast %get3A_681 : i32 to index
      %get3A_684 = arith.constant 984 : index
      %get3A_685 = tpu.vector_load %arg8[%get3A_682, %get3A_683, %get3A_684] {strides = array<i32>} : memref<4x16x1000xf32, #tpu.memory_space<vmem>>, vector<1x1x16xf32>,
      %get3A_686 = vector.shape_cast %get3A_685 : vector<1x1x16xf32> to vector<16xf32>
      %mul3A_687 = arith.mulf %get3A_686, %select_n3A_634 : vector<16xf32>
      %add3A_688 = arith.addf %scan3A_623#5, %mul3A_687 : vector<16xf32>
      %get3A_689 = arith.constant 2 : i32
      %get3A_690 = arith.constant 6 : i32
      %get3A_691 = arith.index_cast %get3A_689 : i32 to index
      %get3A_692 = arith.index_cast %get3A_690 : i32 to index
      %get3A_693 = arith.constant 984 : index
      %get3A_694 = tpu.vector_load %arg8[%get3A_691, %get3A_692, %get3A_693] {strides = array<i32>} : memref<4x16x1000xf32, #tpu.memory_space<vmem>>, vector<1x1x16xf32>,
      %get3A_695 = vector.shape_cast %get3A_694 : vector<1x1x16xf32> to vector<16xf32>
      %mul3A_696 = arith.mulf %get3A_695, %select_n3A_634 : vector<16xf32>
      %add3A_697 = arith.addf %scan3A_623#6, %mul3A_696 : vector<16xf32>
      %get3A_698 = arith.constant 2 : i32
      %get3A_699 = arith.constant 7 : i32
      %get3A_700 = arith.index_cast %get3A_698 : i32 to index
      %get3A_701 = arith.index_cast %get3A_699 : i32 to index
      %get3A_702 = arith.constant 984 : index
      %get3A_703 = tpu.vector_load %arg8[%get3A_700, %get3A_701, %get3A_702] {strides = array<i32>} : memref<4x16x1000xf32, #tpu.memory_space<vmem>>, vector<1x1x16xf32>,
      %get3A_704 = vector.shape_cast %get3A_703 : vector<1x1x16xf32> to vector<16xf32>
      %mul3A_705 = arith.mulf %get3A_704, %select_n3A_634 : vector<16xf32>
      %add3A_706 = arith.addf %scan3A_623#7, %mul3A_705 : vector<16xf32>
      %get3A_707 = arith.constant 2 : i32
      %get3A_708 = arith.constant 8 : i32
      %get3A_709 = arith.index_cast %get3A_707 : i32 to index
      %get3A_710 = arith.index_cast %get3A_708 : i32 to index
      %get3A_711 = arith.constant 984 : index
      %get3A_712 = tpu.vector_load %arg8[%get3A_709, %get3A_710, %get3A_711] {strides = array<i32>} : memref<4x16x1000xf32, #tpu.memory_space<vmem>>, vector<1x1x16xf32>,
      %get3A_713 = vector.shape_cast %get3A_712 : vector<1x1x16xf32> to vector<16xf32>
      %mul3A_714 = arith.mulf %get3A_713, %select_n3A_634 : vector<16xf32>
      %add3A_715 = arith.addf %scan3A_623#8, %mul3A_714 : vector<16xf32>
      %get3A_716 = arith.constant 2 : i32
      %get3A_717 = arith.constant 9 : i32
      %get3A_718 = arith.index_cast %get3A_716 : i32 to index
      %get3A_719 = arith.index_cast %get3A_717 : i32 to index
      %get3A_720 = arith.constant 984 : index
      %get3A_721 = tpu.vector_load %arg8[%get3A_718, %get3A_719, %get3A_720] {strides = array<i32>} : memref<4x16x1000xf32, #tpu.memory_space<vmem>>, vector<1x1x16xf32>,
      %get3A_722 = vector.shape_cast %get3A_721 : vector<1x1x16xf32> to vector<16xf32>
      %mul3A_723 = arith.mulf %get3A_722, %select_n3A_634 : vector<16xf32>
      %add3A_724 = arith.addf %scan3A_623#9, %mul3A_723 : vector<16xf32>
      %get3A_725 = arith.constant 2 : i32
      %get3A_726 = arith.constant 10 : i32
      %get3A_727 = arith.index_cast %get3A_725 : i32 to index
      %get3A_728 = arith.index_cast %get3A_726 : i32 to index
      %get3A_729 = arith.constant 984 : index
      %get3A_730 = tpu.vector_load %arg8[%get3A_727, %get3A_728, %get3A_729] {strides = array<i32>} : memref<4x16x1000xf32, #tpu.memory_space<vmem>>, vector<1x1x16xf32>,
      %get3A_731 = vector.shape_cast %get3A_730 : vector<1x1x16xf32> to vector<16xf32>
      %mul3A_732 = arith.mulf %get3A_731, %select_n3A_634 : vector<16xf32>
      %add3A_733 = arith.addf %scan3A_623#10, %mul3A_732 : vector<16xf32>
      %get3A_734 = arith.constant 2 : i32
      %get3A_735 = arith.constant 11 : i32
      %get3A_736 = arith.index_cast %get3A_734 : i32 to index
      %get3A_737 = arith.index_cast %get3A_735 : i32 to index
      %get3A_738 = arith.constant 984 : index
      %get3A_739 = tpu.vector_load %arg8[%get3A_736, %get3A_737, %get3A_738] {strides = array<i32>} : memref<4x16x1000xf32, #tpu.memory_space<vmem>>, vector<1x1x16xf32>,
      %get3A_740 = vector.shape_cast %get3A_739 : vector<1x1x16xf32> to vector<16xf32>
      %mul3A_741 = arith.mulf %get3A_740, %select_n3A_634 : vector<16xf32>
      %add3A_742 = arith.addf %scan3A_623#11, %mul3A_741 : vector<16xf32>
      %get3A_743 = arith.constant 2 : i32
      %get3A_744 = arith.constant 12 : i32
      %get3A_745 = arith.index_cast %get3A_743 : i32 to index
      %get3A_746 = arith.index_cast %get3A_744 : i32 to index
      %get3A_747 = arith.constant 984 : index
      %get3A_748 = tpu.vector_load %arg8[%get3A_745, %get3A_746, %get3A_747] {strides = array<i32>} : memref<4x16x1000xf32, #tpu.memory_space<vmem>>, vector<1x1x16xf32>,
      %get3A_749 = vector.shape_cast %get3A_748 : vector<1x1x16xf32> to vector<16xf32>
      %mul3A_750 = arith.mulf %get3A_749, %select_n3A_634 : vector<16xf32>
      %add3A_751 = arith.addf %scan3A_623#12, %mul3A_750 : vector<16xf32>
      %get3A_752 = arith.constant 2 : i32
      %get3A_753 = arith.constant 13 : i32
      %get3A_754 = arith.index_cast %get3A_752 : i32 to index
      %get3A_755 = arith.index_cast %get3A_753 : i32 to index
      %get3A_756 = arith.constant 984 : index
      %get3A_757 = tpu.vector_load %arg8[%get3A_754, %get3A_755, %get3A_756] {strides = array<i32>} : memref<4x16x1000xf32, #tpu.memory_space<vmem>>, vector<1x1x16xf32>,
      %get3A_758 = vector.shape_cast %get3A_757 : vector<1x1x16xf32> to vector<16xf32>
      %mul3A_759 = arith.mulf %get3A_758, %select_n3A_634 : vector<16xf32>
      %add3A_760 = arith.addf %scan3A_623#13, %mul3A_759 : vector<16xf32>
      %get3A_761 = arith.constant 2 : i32
      %get3A_762 = arith.constant 14 : i32
      %get3A_763 = arith.index_cast %get3A_761 : i32 to index
      %get3A_764 = arith.index_cast %get3A_762 : i32 to index
      %get3A_765 = arith.constant 984 : index
      %get3A_766 = tpu.vector_load %arg8[%get3A_763, %get3A_764, %get3A_765] {strides = array<i32>} : memref<4x16x1000xf32, #tpu.memory_space<vmem>>, vector<1x1x16xf32>,
      %get3A_767 = vector.shape_cast %get3A_766 : vector<1x1x16xf32> to vector<16xf32>
      %mul3A_768 = arith.mulf %get3A_767, %select_n3A_634 : vector<16xf32>
      %add3A_769 = arith.addf %scan3A_623#14, %mul3A_768 : vector<16xf32>
      %get3A_770 = arith.constant 2 : i32
      %get3A_771 = arith.constant 15 : i32
      %get3A_772 = arith.index_cast %get3A_770 : i32 to index
      %get3A_773 = arith.index_cast %get3A_771 : i32 to index
      %get3A_774 = arith.constant 984 : index
      %get3A_775 = tpu.vector_load %arg8[%get3A_772, %get3A_773, %get3A_774] {strides = array<i32>} : memref<4x16x1000xf32, #tpu.memory_space<vmem>>, vector<1x1x16xf32>,
      %get3A_776 = vector.shape_cast %get3A_775 : vector<1x1x16xf32> to vector<16xf32>
      %mul3A_777 = arith.mulf %get3A_776, %select_n3A_634 : vector<16xf32>
      %add3A_778 = arith.addf %scan3A_623#15, %mul3A_777 : vector<16xf32>
      %swap3A_779 = arith.constant 32 : i32
      %swap3A_780 = arith.index_cast %swap3A_779 : i32 to index
      %swap3A_781 = arith.constant 0 : index
      %swap3A_782 = tpu.vector_load %arg9[%swap3A_780, %swap3A_781] {strides = array<i32>} : memref<64x16xf32, #tpu.memory_space<vmem>>, vector<1x16xf32>,
      %swap3A_783 = vector.shape_cast %swap3A_782 : vector<1x16xf32> to vector<16xf32>
      %swap3A_784 = vector.shape_cast %add3A_643 : vector<16xf32> to vector<1x16xf32>
      tpu.vector_store %arg9[%swap3A_780, %swap3A_781], %swap3A_784 {strides = array<i32>} : memref<64x16xf32, #tpu.memory_space<vmem>>, vector<1x16xf32>,
      %swap3A_785 = arith.constant 33 : i32
      %swap3A_786 = arith.index_cast %swap3A_785 : i32 to index
      %swap3A_787 = arith.constant 0 : index
      %swap3A_788 = tpu.vector_load %arg9[%swap3A_786, %swap3A_787] {strides = array<i32>} : memref<64x16xf32, #tpu.memory_space<vmem>>, vector<1x16xf32>,
      %swap3A_789 = vector.shape_cast %swap3A_788 : vector<1x16xf32> to vector<16xf32>
      %swap3A_790 = vector.shape_cast %add3A_652 : vector<16xf32> to vector<1x16xf32>
      tpu.vector_store %arg9[%swap3A_786, %swap3A_787], %swap3A_790 {strides = array<i32>} : memref<64x16xf32, #tpu.memory_space<vmem>>, vector<1x16xf32>,
      %swap3A_791 = arith.constant 34 : i32
      %swap3A_792 = arith.index_cast %swap3A_791 : i32 to index
      %swap3A_793 = arith.constant 0 : index
      %swap3A_794 = tpu.vector_load %arg9[%swap3A_792, %swap3A_793] {strides = array<i32>} : memref<64x16xf32, #tpu.memory_space<vmem>>, vector<1x16xf32>,
      %swap3A_795 = vector.shape_cast %swap3A_794 : vector<1x16xf32> to vector<16xf32>
      %swap3A_796 = vector.shape_cast %add3A_661 : vector<16xf32> to vector<1x16xf32>
      tpu.vector_store %arg9[%swap3A_792, %swap3A_793], %swap3A_796 {strides = array<i32>} : memref<64x16xf32, #tpu.memory_space<vmem>>, vector<1x16xf32>,
      %swap3A_797 = arith.constant 35 : i32
      %swap3A_798 = arith.index_cast %swap3A_797 : i32 to index
      %swap3A_799 = arith.constant 0 : index
      %swap3A_800 = tpu.vector_load %arg9[%swap3A_798, %swap3A_799] {strides = array<i32>} : memref<64x16xf32, #tpu.memory_space<vmem>>, vector<1x16xf32>,
      %swap3A_801 = vector.shape_cast %swap3A_800 : vector<1x16xf32> to vector<16xf32>
      %swap3A_802 = vector.shape_cast %add3A_670 : vector<16xf32> to vector<1x16xf32>
      tpu.vector_store %arg9[%swap3A_798, %swap3A_799], %swap3A_802 {strides = array<i32>} : memref<64x16xf32, #tpu.memory_space<vmem>>, vector<1x16xf32>,
      %swap3A_803 = arith.constant 36 : i32
      %swap3A_804 = arith.index_cast %swap3A_803 : i32 to index
      %swap3A_805 = arith.constant 0 : index
      %swap3A_806 = tpu.vector_load %arg9[%swap3A_804, %swap3A_805] {strides = array<i32>} : memref<64x16xf32, #tpu.memory_space<vmem>>, vector<1x16xf32>,
      %swap3A_807 = vector.shape_cast %swap3A_806 : vector<1x16xf32> to vector<16xf32>
      %swap3A_808 = vector.shape_cast %add3A_679 : vector<16xf32> to vector<1x16xf32>
      tpu.vector_store %arg9[%swap3A_804, %swap3A_805], %swap3A_808 {strides = array<i32>} : memref<64x16xf32, #tpu.memory_space<vmem>>, vector<1x16xf32>,
      %swap3A_809 = arith.constant 37 : i32
      %swap3A_810 = arith.index_cast %swap3A_809 : i32 to index
      %swap3A_811 = arith.constant 0 : index
      %swap3A_812 = tpu.vector_load %arg9[%swap3A_810, %swap3A_811] {strides = array<i32>} : memref<64x16xf32, #tpu.memory_space<vmem>>, vector<1x16xf32>,
      %swap3A_813 = vector.shape_cast %swap3A_812 : vector<1x16xf32> to vector<16xf32>
      %swap3A_814 = vector.shape_cast %add3A_688 : vector<16xf32> to vector<1x16xf32>
      tpu.vector_store %arg9[%swap3A_810, %swap3A_811], %swap3A_814 {strides = array<i32>} : memref<64x16xf32, #tpu.memory_space<vmem>>, vector<1x16xf32>,
      %swap3A_815 = arith.constant 38 : i32
      %swap3A_816 = arith.index_cast %swap3A_815 : i32 to index
      %swap3A_817 = arith.constant 0 : index
      %swap3A_818 = tpu.vector_load %arg9[%swap3A_816, %swap3A_817] {strides = array<i32>} : memref<64x16xf32, #tpu.memory_space<vmem>>, vector<1x16xf32>,
      %swap3A_819 = vector.shape_cast %swap3A_818 : vector<1x16xf32> to vector<16xf32>
      %swap3A_820 = vector.shape_cast %add3A_697 : vector<16xf32> to vector<1x16xf32>
      tpu.vector_store %arg9[%swap3A_816, %swap3A_817], %swap3A_820 {strides = array<i32>} : memref<64x16xf32, #tpu.memory_space<vmem>>, vector<1x16xf32>,
      %swap3A_821 = arith.constant 39 : i32
      %swap3A_822 = arith.index_cast %swap3A_821 : i32 to index
      %swap3A_823 = arith.constant 0 : index
      %swap3A_824 = tpu.vector_load %arg9[%swap3A_822, %swap3A_823] {strides = array<i32>} : memref<64x16xf32, #tpu.memory_space<vmem>>, vector<1x16xf32>,
      %swap3A_825 = vector.shape_cast %swap3A_824 : vector<1x16xf32> to vector<16xf32>
      %swap3A_826 = vector.shape_cast %add3A_706 : vector<16xf32> to vector<1x16xf32>
      tpu.vector_store %arg9[%swap3A_822, %swap3A_823], %swap3A_826 {strides = array<i32>} : memref<64x16xf32, #tpu.memory_space<vmem>>, vector<1x16xf32>,
      %swap3A_827 = arith.constant 40 : i32
      %swap3A_828 = arith.index_cast %swap3A_827 : i32 to index
      %swap3A_829 = arith.constant 0 : index
      %swap3A_830 = tpu.vector_load %arg9[%swap3A_828, %swap3A_829] {strides = array<i32>} : memref<64x16xf32, #tpu.memory_space<vmem>>, vector<1x16xf32>,
      %swap3A_831 = vector.shape_cast %swap3A_830 : vector<1x16xf32> to vector<16xf32>
      %swap3A_832 = vector.shape_cast %add3A_715 : vector<16xf32> to vector<1x16xf32>
      tpu.vector_store %arg9[%swap3A_828, %swap3A_829], %swap3A_832 {strides = array<i32>} : memref<64x16xf32, #tpu.memory_space<vmem>>, vector<1x16xf32>,
      %swap3A_833 = arith.constant 41 : i32
      %swap3A_834 = arith.index_cast %swap3A_833 : i32 to index
      %swap3A_835 = arith.constant 0 : index
      %swap3A_836 = tpu.vector_load %arg9[%swap3A_834, %swap3A_835] {strides = array<i32>} : memref<64x16xf32, #tpu.memory_space<vmem>>, vector<1x16xf32>,
      %swap3A_837 = vector.shape_cast %swap3A_836 : vector<1x16xf32> to vector<16xf32>
      %swap3A_838 = vector.shape_cast %add3A_724 : vector<16xf32> to vector<1x16xf32>
      tpu.vector_store %arg9[%swap3A_834, %swap3A_835], %swap3A_838 {strides = array<i32>} : memref<64x16xf32, #tpu.memory_space<vmem>>, vector<1x16xf32>,
      %swap3A_839 = arith.constant 42 : i32
      %swap3A_840 = arith.index_cast %swap3A_839 : i32 to index
      %swap3A_841 = arith.constant 0 : index
      %swap3A_842 = tpu.vector_load %arg9[%swap3A_840, %swap3A_841] {strides = array<i32>} : memref<64x16xf32, #tpu.memory_space<vmem>>, vector<1x16xf32>,
      %swap3A_843 = vector.shape_cast %swap3A_842 : vector<1x16xf32> to vector<16xf32>
      %swap3A_844 = vector.shape_cast %add3A_733 : vector<16xf32> to vector<1x16xf32>
      tpu.vector_store %arg9[%swap3A_840, %swap3A_841], %swap3A_844 {strides = array<i32>} : memref<64x16xf32, #tpu.memory_space<vmem>>, vector<1x16xf32>,
      %swap3A_845 = arith.constant 43 : i32
      %swap3A_846 = arith.index_cast %swap3A_845 : i32 to index
      %swap3A_847 = arith.constant 0 : index
      %swap3A_848 = tpu.vector_load %arg9[%swap3A_846, %swap3A_847] {strides = array<i32>} : memref<64x16xf32, #tpu.memory_space<vmem>>, vector<1x16xf32>,
      %swap3A_849 = vector.shape_cast %swap3A_848 : vector<1x16xf32> to vector<16xf32>
      %swap3A_850 = vector.shape_cast %add3A_742 : vector<16xf32> to vector<1x16xf32>
      tpu.vector_store %arg9[%swap3A_846, %swap3A_847], %swap3A_850 {strides = array<i32>} : memref<64x16xf32, #tpu.memory_space<vmem>>, vector<1x16xf32>,
      %swap3A_851 = arith.constant 44 : i32
      %swap3A_852 = arith.index_cast %swap3A_851 : i32 to index
      %swap3A_853 = arith.constant 0 : index
      %swap3A_854 = tpu.vector_load %arg9[%swap3A_852, %swap3A_853] {strides = array<i32>} : memref<64x16xf32, #tpu.memory_space<vmem>>, vector<1x16xf32>,
      %swap3A_855 = vector.shape_cast %swap3A_854 : vector<1x16xf32> to vector<16xf32>
      %swap3A_856 = vector.shape_cast %add3A_751 : vector<16xf32> to vector<1x16xf32>
      tpu.vector_store %arg9[%swap3A_852, %swap3A_853], %swap3A_856 {strides = array<i32>} : memref<64x16xf32, #tpu.memory_space<vmem>>, vector<1x16xf32>,
      %swap3A_857 = arith.constant 45 : i32
      %swap3A_858 = arith.index_cast %swap3A_857 : i32 to index
      %swap3A_859 = arith.constant 0 : index
      %swap3A_860 = tpu.vector_load %arg9[%swap3A_858, %swap3A_859] {strides = array<i32>} : memref<64x16xf32, #tpu.memory_space<vmem>>, vector<1x16xf32>,
      %swap3A_861 = vector.shape_cast %swap3A_860 : vector<1x16xf32> to vector<16xf32>
      %swap3A_862 = vector.shape_cast %add3A_760 : vector<16xf32> to vector<1x16xf32>
      tpu.vector_store %arg9[%swap3A_858, %swap3A_859], %swap3A_862 {strides = array<i32>} : memref<64x16xf32, #tpu.memory_space<vmem>>, vector<1x16xf32>,
      %swap3A_863 = arith.constant 46 : i32
      %swap3A_864 = arith.index_cast %swap3A_863 : i32 to index
      %swap3A_865 = arith.constant 0 : index
      %swap3A_866 = tpu.vector_load %arg9[%swap3A_864, %swap3A_865] {strides = array<i32>} : memref<64x16xf32, #tpu.memory_space<vmem>>, vector<1x16xf32>,
      %swap3A_867 = vector.shape_cast %swap3A_866 : vector<1x16xf32> to vector<16xf32>
      %swap3A_868 = vector.shape_cast %add3A_769 : vector<16xf32> to vector<1x16xf32>
      tpu.vector_store %arg9[%swap3A_864, %swap3A_865], %swap3A_868 {strides = array<i32>} : memref<64x16xf32, #tpu.memory_space<vmem>>, vector<1x16xf32>,
      %swap3A_869 = arith.constant 47 : i32
      %swap3A_870 = arith.index_cast %swap3A_869 : i32 to index
      %swap3A_871 = arith.constant 0 : index
      %swap3A_872 = tpu.vector_load %arg9[%swap3A_870, %swap3A_871] {strides = array<i32>} : memref<64x16xf32, #tpu.memory_space<vmem>>, vector<1x16xf32>,
      %swap3A_873 = vector.shape_cast %swap3A_872 : vector<1x16xf32> to vector<16xf32>
      %swap3A_874 = vector.shape_cast %add3A_778 : vector<16xf32> to vector<1x16xf32>
      tpu.vector_store %arg9[%swap3A_870, %swap3A_871], %swap3A_874 {strides = array<i32>} : memref<64x16xf32, #tpu.memory_space<vmem>>, vector<1x16xf32>,
      %run_scoped3A_875 = arith.constant 3 : i32
      %run_scoped3A_876 = arith.constant 3 : i32
      "tpu.region"() ({
        %run_scoped3A_1166 = tpu.sem_alloc : memref<!tpu.dma_semaphore, #tpu.memory_space<semaphore_mem>>
        %dma_start3A = arith.constant 0 : i32
        %dma_start3A_1167 = arith.constant 0 : i32
        %dma_start3A_1168 = tpu.memref_slice %arg8[%run_scoped3A_876, %dma_start3A, %dma_start3A_1167] : memref<4x16x1000xf32, #tpu.memory_space<vmem>> -> memref<1x16x1000xf32, #tpu.memory_space<vmem>>
        %dma_start3A_1169 = tpu.memref_squeeze %dma_start3A_1168 : memref<1x16x1000xf32, #tpu.memory_space<vmem>> -> memref<16x1000xf32, #tpu.memory_space<vmem>>
        %dma_start3A_1170 = arith.constant 0 : i32
        %dma_start3A_1171 = arith.constant 0 : i32
        %dma_start3A_1172 = tpu.memref_slice %arg3[%squeeze3A, %run_scoped3A_875, %dma_start3A_1170, %dma_start3A_1171] : memref<1000x4x16x1000xf32, #tpu.memory_space<hbm>> -> memref<1x1x16x1000xf32, #tpu.memory_space<hbm>>
        %dma_start3A_1173 = tpu.memref_squeeze %dma_start3A_1172 : memref<1x1x16x1000xf32, #tpu.memory_space<hbm>> -> memref<16x1000xf32, #tpu.memory_space<hbm>>
        %dma_start3A_1174 = arith.constant 0 : i32
        %dma_start3A_1175 = arith.constant 0 : i32
        %dma_start3A_1176 = tpu.memref_slice %arg8[%run_scoped3A_876, %dma_start3A_1174, %dma_start3A_1175] : memref<4x16x1000xf32, #tpu.memory_space<vmem>> -> memref<1x16x1000xf32, #tpu.memory_space<vmem>>
        %dma_start3A_1177 = tpu.memref_squeeze %dma_start3A_1176 : memref<1x16x1000xf32, #tpu.memory_space<vmem>> -> memref<16x1000xf32, #tpu.memory_space<vmem>>
        %dma_start3A_1178 = arith.constant 0 : i32
        %dma_start3A_1179 = arith.constant 0 : i32
        %dma_start3A_1180 = tpu.memref_slice %arg3[%squeeze3A, %run_scoped3A_875, %dma_start3A_1178, %dma_start3A_1179] : memref<1000x4x16x1000xf32, #tpu.memory_space<hbm>> -> memref<1x1x16x1000xf32, #tpu.memory_space<hbm>>
        %dma_start3A_1181 = tpu.memref_squeeze %dma_start3A_1180 : memref<1x1x16x1000xf32, #tpu.memory_space<hbm>> -> memref<16x1000xf32, #tpu.memory_space<hbm>>
        tpu.enqueue_dma source(%dma_start3A_1181 : memref<16x1000xf32, #tpu.memory_space<hbm>>) target(%dma_start3A_1177 : memref<16x1000xf32, #tpu.memory_space<vmem>>) target_semaphore(%run_scoped3A_1166 : memref<!tpu.dma_semaphore, #tpu.memory_space<semaphore_mem>>)
        %dma_wait3A = arith.constant 0 : i32
        %dma_wait3A_1182 = arith.constant 0 : i32
        %dma_wait3A_1183 = tpu.memref_slice %arg8[%run_scoped3A_876, %dma_wait3A, %dma_wait3A_1182] : memref<4x16x1000xf32, #tpu.memory_space<vmem>> -> memref<1x16x1000xf32, #tpu.memory_space<vmem>>
        %dma_wait3A_1184 = tpu.memref_squeeze %dma_wait3A_1183 : memref<1x16x1000xf32, #tpu.memory_space<vmem>> -> memref<16x1000xf32, #tpu.memory_space<vmem>>
        %dma_wait3A_1185 = arith.constant 0 : i32
        %dma_wait3A_1186 = arith.constant 0 : i32
        %dma_wait3A_1187 = tpu.memref_slice %arg3[%squeeze3A, %run_scoped3A_875, %dma_wait3A_1185, %dma_wait3A_1186] : memref<1000x4x16x1000xf32, #tpu.memory_space<hbm>> -> memref<1x1x16x1000xf32, #tpu.memory_space<hbm>>
        %dma_wait3A_1188 = tpu.memref_squeeze %dma_wait3A_1187 : memref<1x1x16x1000xf32, #tpu.memory_space<hbm>> -> memref<16x1000xf32, #tpu.memory_space<hbm>>
        %dma_wait3A_1189 = arith.constant 0 : i32
        %dma_wait3A_1190 = arith.constant 0 : i32
        %dma_wait3A_1191 = tpu.memref_slice %arg8[%run_scoped3A_876, %dma_wait3A_1189, %dma_wait3A_1190] : memref<4x16x1000xf32, #tpu.memory_space<vmem>> -> memref<1x16x1000xf32, #tpu.memory_space<vmem>>
        %dma_wait3A_1192 = tpu.memref_squeeze %dma_wait3A_1191 : memref<1x16x1000xf32, #tpu.memory_space<vmem>> -> memref<16x1000xf32, #tpu.memory_space<vmem>>
        %dma_wait3A_1193 = arith.constant 0 : i32
        %dma_wait3A_1194 = arith.constant 0 : i32
        %dma_wait3A_1195 = tpu.memref_slice %arg3[%squeeze3A, %run_scoped3A_875, %dma_wait3A_1193, %dma_wait3A_1194] : memref<1000x4x16x1000xf32, #tpu.memory_space<hbm>> -> memref<1x1x16x1000xf32, #tpu.memory_space<hbm>>
        %dma_wait3A_1196 = tpu.memref_squeeze %dma_wait3A_1195 : memref<1x1x16x1000xf32, #tpu.memory_space<hbm>> -> memref<16x1000xf32, #tpu.memory_space<hbm>>
        tpu.wait_dma2 semaphore(%run_scoped3A_1166 : memref<!tpu.dma_semaphore, #tpu.memory_space<semaphore_mem>>) src(%dma_wait3A_1196 : memref<16x1000xf32, #tpu.memory_space<hbm>>) dst(%dma_wait3A_1192 : memref<16x1000xf32, #tpu.memory_space<vmem>>)
        tpu.yield
      }) : () -> ()
      %broadcast_in_dim3A_877 = arith.constant 0.000000e+00 : f32
      %broadcast_in_dim3A_878 = vector.broadcast %broadcast_in_dim3A_877 : f32 to vector<16xf32>
      %broadcast_in_dim3A_879 = arith.constant 0.000000e+00 : f32
      %broadcast_in_dim3A_880 = vector.broadcast %broadcast_in_dim3A_879 : f32 to vector<16xf32>
      %broadcast_in_dim3A_881 = arith.constant 0.000000e+00 : f32
      %broadcast_in_dim3A_882 = vector.broadcast %broadcast_in_dim3A_881 : f32 to vector<16xf32>
      %broadcast_in_dim3A_883 = arith.constant 0.000000e+00 : f32
      %broadcast_in_dim3A_884 = vector.broadcast %broadcast_in_dim3A_883 : f32 to vector<16xf32>
      %broadcast_in_dim3A_885 = arith.constant 0.000000e+00 : f32
      %broadcast_in_dim3A_886 = vector.broadcast %broadcast_in_dim3A_885 : f32 to vector<16xf32>
      %broadcast_in_dim3A_887 = arith.constant 0.000000e+00 : f32
      %broadcast_in_dim3A_888 = vector.broadcast %broadcast_in_dim3A_887 : f32 to vector<16xf32>
      %broadcast_in_dim3A_889 = arith.constant 0.000000e+00 : f32
      %broadcast_in_dim3A_890 = vector.broadcast %broadcast_in_dim3A_889 : f32 to vector<16xf32>
      %broadcast_in_dim3A_891 = arith.constant 0.000000e+00 : f32
      %broadcast_in_dim3A_892 = vector.broadcast %broadcast_in_dim3A_891 : f32 to vector<16xf32>
      %broadcast_in_dim3A_893 = arith.constant 0.000000e+00 : f32
      %broadcast_in_dim3A_894 = vector.broadcast %broadcast_in_dim3A_893 : f32 to vector<16xf32>
      %broadcast_in_dim3A_895 = arith.constant 0.000000e+00 : f32
      %broadcast_in_dim3A_896 = vector.broadcast %broadcast_in_dim3A_895 : f32 to vector<16xf32>
      %broadcast_in_dim3A_897 = arith.constant 0.000000e+00 : f32
      %broadcast_in_dim3A_898 = vector.broadcast %broadcast_in_dim3A_897 : f32 to vector<16xf32>
      %broadcast_in_dim3A_899 = arith.constant 0.000000e+00 : f32
      %broadcast_in_dim3A_900 = vector.broadcast %broadcast_in_dim3A_899 : f32 to vector<16xf32>
      %broadcast_in_dim3A_901 = arith.constant 0.000000e+00 : f32
      %broadcast_in_dim3A_902 = vector.broadcast %broadcast_in_dim3A_901 : f32 to vector<16xf32>
      %broadcast_in_dim3A_903 = arith.constant 0.000000e+00 : f32
      %broadcast_in_dim3A_904 = vector.broadcast %broadcast_in_dim3A_903 : f32 to vector<16xf32>
      %broadcast_in_dim3A_905 = arith.constant 0.000000e+00 : f32
      %broadcast_in_dim3A_906 = vector.broadcast %broadcast_in_dim3A_905 : f32 to vector<16xf32>
      %broadcast_in_dim3A_907 = arith.constant 0.000000e+00 : f32
      %broadcast_in_dim3A_908 = vector.broadcast %broadcast_in_dim3A_907 : f32 to vector<16xf32>
      %scan3A_909 = arith.constant 0 : i32
      %scan3A_910 = arith.constant 62 : i32
      %scan3A_911 = arith.addi %scan3A_909, %scan3A_910 : i32
      %scan3A_912 = arith.constant 2 : i32
      %scan3A_913:16 = scf.for %scan3A_1166 = %scan3A_909 to %scan3A_911 step %scan3A_912 iter_args(%scan3A_1167 = %broadcast_in_dim3A_878, %scan3A_1168 = %broadcast_in_dim3A_880, %scan3A_1169 = %broadcast_in_dim3A_882, %scan3A_1170 = %broadcast_in_dim3A_884, %scan3A_1171 = %broadcast_in_dim3A_886, %scan3A_1172 = %broadcast_in_dim3A_888, %scan3A_1173 = %broadcast_in_dim3A_890, %scan3A_1174 = %broadcast_in_dim3A_892, %scan3A_1175 = %broadcast_in_dim3A_894, %scan3A_1176 = %broadcast_in_dim3A_896, %scan3A_1177 = %broadcast_in_dim3A_898, %scan3A_1178 = %broadcast_in_dim3A_900, %scan3A_1179 = %broadcast_in_dim3A_902, %scan3A_1180 = %broadcast_in_dim3A_904, %scan3A_1181 = %broadcast_in_dim3A_906, %scan3A_1182 = %broadcast_in_dim3A_908) -> (vector<16xf32>, vector<16xf32>, vector<16xf32>, vector<16xf32>, vector<16xf32>, vector<16xf32>, vector<16xf32>, vector<16xf32>, vector<16xf32>, vector<16xf32>, vector<16xf32>, vector<16xf32>, vector<16xf32>, vector<16xf32>, vector<16xf32>, vector<16xf32>)  : i32 {
        %mul3A_1183 = arith.constant 16 : i32
        %mul3A_1184 = arith.muli %scan3A_1166, %mul3A_1183 : i32
        %get3A_1185 = arith.index_cast %scan3A_8 : i32 to index
        %get3A_1186 = arith.index_cast %mul3A_1184 : i32 to index
        %get3A_1187 = tpu.vector_load %arg7[%get3A_1185, %get3A_1186] {strides = array<i32>} : memref<32x1000xf32, #tpu.memory_space<vmem>>, vector<1x16xf32>,
        %get3A_1188 = vector.shape_cast %get3A_1187 : vector<1x16xf32> to vector<16xf32>
        %mul3A_1189 = arith.constant 16 : i32
        %mul3A_1190 = arith.muli %scan3A_1166, %mul3A_1189 : i32
        %get3A_1191 = arith.constant 3 : i32
        %get3A_1192 = arith.constant 0 : i32
        %get3A_1193 = arith.index_cast %get3A_1191 : i32 to index
        %get3A_1194 = arith.index_cast %get3A_1192 : i32 to index
        %get3A_1195 = arith.index_cast %mul3A_1190 : i32 to index
        %get3A_1196 = tpu.vector_load %arg8[%get3A_1193, %get3A_1194, %get3A_1195] {strides = array<i32>} : memref<4x16x1000xf32, #tpu.memory_space<vmem>>, vector<1x1x16xf32>,
        %get3A_1197 = vector.shape_cast %get3A_1196 : vector<1x1x16xf32> to vector<16xf32>
        %mul3A_1198 = arith.mulf %get3A_1197, %get3A_1188 : vector<16xf32>
        %add3A_1199 = arith.addf %scan3A_1167, %mul3A_1198 : vector<16xf32>
        %mul3A_1200 = arith.constant 16 : i32
        %mul3A_1201 = arith.muli %scan3A_1166, %mul3A_1200 : i32
        %get3A_1202 = arith.constant 3 : i32
        %get3A_1203 = arith.constant 1 : i32
        %get3A_1204 = arith.index_cast %get3A_1202 : i32 to index
        %get3A_1205 = arith.index_cast %get3A_1203 : i32 to index
        %get3A_1206 = arith.index_cast %mul3A_1201 : i32 to index
        %get3A_1207 = tpu.vector_load %arg8[%get3A_1204, %get3A_1205, %get3A_1206] {strides = array<i32>} : memref<4x16x1000xf32, #tpu.memory_space<vmem>>, vector<1x1x16xf32>,
        %get3A_1208 = vector.shape_cast %get3A_1207 : vector<1x1x16xf32> to vector<16xf32>
        %mul3A_1209 = arith.mulf %get3A_1208, %get3A_1188 : vector<16xf32>
        %add3A_1210 = arith.addf %scan3A_1168, %mul3A_1209 : vector<16xf32>
        %mul3A_1211 = arith.constant 16 : i32
        %mul3A_1212 = arith.muli %scan3A_1166, %mul3A_1211 : i32
        %get3A_1213 = arith.constant 3 : i32
        %get3A_1214 = arith.constant 2 : i32
        %get3A_1215 = arith.index_cast %get3A_1213 : i32 to index
        %get3A_1216 = arith.index_cast %get3A_1214 : i32 to index
        %get3A_1217 = arith.index_cast %mul3A_1212 : i32 to index
        %get3A_1218 = tpu.vector_load %arg8[%get3A_1215, %get3A_1216, %get3A_1217] {strides = array<i32>} : memref<4x16x1000xf32, #tpu.memory_space<vmem>>, vector<1x1x16xf32>,
        %get3A_1219 = vector.shape_cast %get3A_1218 : vector<1x1x16xf32> to vector<16xf32>
        %mul3A_1220 = arith.mulf %get3A_1219, %get3A_1188 : vector<16xf32>
        %add3A_1221 = arith.addf %scan3A_1169, %mul3A_1220 : vector<16xf32>
        %mul3A_1222 = arith.constant 16 : i32
        %mul3A_1223 = arith.muli %scan3A_1166, %mul3A_1222 : i32
        %get3A_1224 = arith.constant 3 : i32
        %get3A_1225 = arith.constant 3 : i32
        %get3A_1226 = arith.index_cast %get3A_1224 : i32 to index
        %get3A_1227 = arith.index_cast %get3A_1225 : i32 to index
        %get3A_1228 = arith.index_cast %mul3A_1223 : i32 to index
        %get3A_1229 = tpu.vector_load %arg8[%get3A_1226, %get3A_1227, %get3A_1228] {strides = array<i32>} : memref<4x16x1000xf32, #tpu.memory_space<vmem>>, vector<1x1x16xf32>,
        %get3A_1230 = vector.shape_cast %get3A_1229 : vector<1x1x16xf32> to vector<16xf32>
        %mul3A_1231 = arith.mulf %get3A_1230, %get3A_1188 : vector<16xf32>
        %add3A_1232 = arith.addf %scan3A_1170, %mul3A_1231 : vector<16xf32>
        %mul3A_1233 = arith.constant 16 : i32
        %mul3A_1234 = arith.muli %scan3A_1166, %mul3A_1233 : i32
        %get3A_1235 = arith.constant 3 : i32
        %get3A_1236 = arith.constant 4 : i32
        %get3A_1237 = arith.index_cast %get3A_1235 : i32 to index
        %get3A_1238 = arith.index_cast %get3A_1236 : i32 to index
        %get3A_1239 = arith.index_cast %mul3A_1234 : i32 to index
        %get3A_1240 = tpu.vector_load %arg8[%get3A_1237, %get3A_1238, %get3A_1239] {strides = array<i32>} : memref<4x16x1000xf32, #tpu.memory_space<vmem>>, vector<1x1x16xf32>,
        %get3A_1241 = vector.shape_cast %get3A_1240 : vector<1x1x16xf32> to vector<16xf32>
        %mul3A_1242 = arith.mulf %get3A_1241, %get3A_1188 : vector<16xf32>
        %add3A_1243 = arith.addf %scan3A_1171, %mul3A_1242 : vector<16xf32>
        %mul3A_1244 = arith.constant 16 : i32
        %mul3A_1245 = arith.muli %scan3A_1166, %mul3A_1244 : i32
        %get3A_1246 = arith.constant 3 : i32
        %get3A_1247 = arith.constant 5 : i32
        %get3A_1248 = arith.index_cast %get3A_1246 : i32 to index
        %get3A_1249 = arith.index_cast %get3A_1247 : i32 to index
        %get3A_1250 = arith.index_cast %mul3A_1245 : i32 to index
        %get3A_1251 = tpu.vector_load %arg8[%get3A_1248, %get3A_1249, %get3A_1250] {strides = array<i32>} : memref<4x16x1000xf32, #tpu.memory_space<vmem>>, vector<1x1x16xf32>,
        %get3A_1252 = vector.shape_cast %get3A_1251 : vector<1x1x16xf32> to vector<16xf32>
        %mul3A_1253 = arith.mulf %get3A_1252, %get3A_1188 : vector<16xf32>
        %add3A_1254 = arith.addf %scan3A_1172, %mul3A_1253 : vector<16xf32>
        %mul3A_1255 = arith.constant 16 : i32
        %mul3A_1256 = arith.muli %scan3A_1166, %mul3A_1255 : i32
        %get3A_1257 = arith.constant 3 : i32
        %get3A_1258 = arith.constant 6 : i32
        %get3A_1259 = arith.index_cast %get3A_1257 : i32 to index
        %get3A_1260 = arith.index_cast %get3A_1258 : i32 to index
        %get3A_1261 = arith.index_cast %mul3A_1256 : i32 to index
        %get3A_1262 = tpu.vector_load %arg8[%get3A_1259, %get3A_1260, %get3A_1261] {strides = array<i32>} : memref<4x16x1000xf32, #tpu.memory_space<vmem>>, vector<1x1x16xf32>,
        %get3A_1263 = vector.shape_cast %get3A_1262 : vector<1x1x16xf32> to vector<16xf32>
        %mul3A_1264 = arith.mulf %get3A_1263, %get3A_1188 : vector<16xf32>
        %add3A_1265 = arith.addf %scan3A_1173, %mul3A_1264 : vector<16xf32>
        %mul3A_1266 = arith.constant 16 : i32
        %mul3A_1267 = arith.muli %scan3A_1166, %mul3A_1266 : i32
        %get3A_1268 = arith.constant 3 : i32
        %get3A_1269 = arith.constant 7 : i32
        %get3A_1270 = arith.index_cast %get3A_1268 : i32 to index
        %get3A_1271 = arith.index_cast %get3A_1269 : i32 to index
        %get3A_1272 = arith.index_cast %mul3A_1267 : i32 to index
        %get3A_1273 = tpu.vector_load %arg8[%get3A_1270, %get3A_1271, %get3A_1272] {strides = array<i32>} : memref<4x16x1000xf32, #tpu.memory_space<vmem>>, vector<1x1x16xf32>,
        %get3A_1274 = vector.shape_cast %get3A_1273 : vector<1x1x16xf32> to vector<16xf32>
        %mul3A_1275 = arith.mulf %get3A_1274, %get3A_1188 : vector<16xf32>
        %add3A_1276 = arith.addf %scan3A_1174, %mul3A_1275 : vector<16xf32>
        %mul3A_1277 = arith.constant 16 : i32
        %mul3A_1278 = arith.muli %scan3A_1166, %mul3A_1277 : i32
        %get3A_1279 = arith.constant 3 : i32
        %get3A_1280 = arith.constant 8 : i32
        %get3A_1281 = arith.index_cast %get3A_1279 : i32 to index
        %get3A_1282 = arith.index_cast %get3A_1280 : i32 to index
        %get3A_1283 = arith.index_cast %mul3A_1278 : i32 to index
        %get3A_1284 = tpu.vector_load %arg8[%get3A_1281, %get3A_1282, %get3A_1283] {strides = array<i32>} : memref<4x16x1000xf32, #tpu.memory_space<vmem>>, vector<1x1x16xf32>,
        %get3A_1285 = vector.shape_cast %get3A_1284 : vector<1x1x16xf32> to vector<16xf32>
        %mul3A_1286 = arith.mulf %get3A_1285, %get3A_1188 : vector<16xf32>
        %add3A_1287 = arith.addf %scan3A_1175, %mul3A_1286 : vector<16xf32>
        %mul3A_1288 = arith.constant 16 : i32
        %mul3A_1289 = arith.muli %scan3A_1166, %mul3A_1288 : i32
        %get3A_1290 = arith.constant 3 : i32
        %get3A_1291 = arith.constant 9 : i32
        %get3A_1292 = arith.index_cast %get3A_1290 : i32 to index
        %get3A_1293 = arith.index_cast %get3A_1291 : i32 to index
        %get3A_1294 = arith.index_cast %mul3A_1289 : i32 to index
        %get3A_1295 = tpu.vector_load %arg8[%get3A_1292, %get3A_1293, %get3A_1294] {strides = array<i32>} : memref<4x16x1000xf32, #tpu.memory_space<vmem>>, vector<1x1x16xf32>,
        %get3A_1296 = vector.shape_cast %get3A_1295 : vector<1x1x16xf32> to vector<16xf32>
        %mul3A_1297 = arith.mulf %get3A_1296, %get3A_1188 : vector<16xf32>
        %add3A_1298 = arith.addf %scan3A_1176, %mul3A_1297 : vector<16xf32>
        %mul3A_1299 = arith.constant 16 : i32
        %mul3A_1300 = arith.muli %scan3A_1166, %mul3A_1299 : i32
        %get3A_1301 = arith.constant 3 : i32
        %get3A_1302 = arith.constant 10 : i32
        %get3A_1303 = arith.index_cast %get3A_1301 : i32 to index
        %get3A_1304 = arith.index_cast %get3A_1302 : i32 to index
        %get3A_1305 = arith.index_cast %mul3A_1300 : i32 to index
        %get3A_1306 = tpu.vector_load %arg8[%get3A_1303, %get3A_1304, %get3A_1305] {strides = array<i32>} : memref<4x16x1000xf32, #tpu.memory_space<vmem>>, vector<1x1x16xf32>,
        %get3A_1307 = vector.shape_cast %get3A_1306 : vector<1x1x16xf32> to vector<16xf32>
        %mul3A_1308 = arith.mulf %get3A_1307, %get3A_1188 : vector<16xf32>
        %add3A_1309 = arith.addf %scan3A_1177, %mul3A_1308 : vector<16xf32>
        %mul3A_1310 = arith.constant 16 : i32
        %mul3A_1311 = arith.muli %scan3A_1166, %mul3A_1310 : i32
        %get3A_1312 = arith.constant 3 : i32
        %get3A_1313 = arith.constant 11 : i32
        %get3A_1314 = arith.index_cast %get3A_1312 : i32 to index
        %get3A_1315 = arith.index_cast %get3A_1313 : i32 to index
        %get3A_1316 = arith.index_cast %mul3A_1311 : i32 to index
        %get3A_1317 = tpu.vector_load %arg8[%get3A_1314, %get3A_1315, %get3A_1316] {strides = array<i32>} : memref<4x16x1000xf32, #tpu.memory_space<vmem>>, vector<1x1x16xf32>,
        %get3A_1318 = vector.shape_cast %get3A_1317 : vector<1x1x16xf32> to vector<16xf32>
        %mul3A_1319 = arith.mulf %get3A_1318, %get3A_1188 : vector<16xf32>
        %add3A_1320 = arith.addf %scan3A_1178, %mul3A_1319 : vector<16xf32>
        %mul3A_1321 = arith.constant 16 : i32
        %mul3A_1322 = arith.muli %scan3A_1166, %mul3A_1321 : i32
        %get3A_1323 = arith.constant 3 : i32
        %get3A_1324 = arith.constant 12 : i32
        %get3A_1325 = arith.index_cast %get3A_1323 : i32 to index
        %get3A_1326 = arith.index_cast %get3A_1324 : i32 to index
        %get3A_1327 = arith.index_cast %mul3A_1322 : i32 to index
        %get3A_1328 = tpu.vector_load %arg8[%get3A_1325, %get3A_1326, %get3A_1327] {strides = array<i32>} : memref<4x16x1000xf32, #tpu.memory_space<vmem>>, vector<1x1x16xf32>,
        %get3A_1329 = vector.shape_cast %get3A_1328 : vector<1x1x16xf32> to vector<16xf32>
        %mul3A_1330 = arith.mulf %get3A_1329, %get3A_1188 : vector<16xf32>
        %add3A_1331 = arith.addf %scan3A_1179, %mul3A_1330 : vector<16xf32>
        %mul3A_1332 = arith.constant 16 : i32
        %mul3A_1333 = arith.muli %scan3A_1166, %mul3A_1332 : i32
        %get3A_1334 = arith.constant 3 : i32
        %get3A_1335 = arith.constant 13 : i32
        %get3A_1336 = arith.index_cast %get3A_1334 : i32 to index
        %get3A_1337 = arith.index_cast %get3A_1335 : i32 to index
        %get3A_1338 = arith.index_cast %mul3A_1333 : i32 to index
        %get3A_1339 = tpu.vector_load %arg8[%get3A_1336, %get3A_1337, %get3A_1338] {strides = array<i32>} : memref<4x16x1000xf32, #tpu.memory_space<vmem>>, vector<1x1x16xf32>,
        %get3A_1340 = vector.shape_cast %get3A_1339 : vector<1x1x16xf32> to vector<16xf32>
        %mul3A_1341 = arith.mulf %get3A_1340, %get3A_1188 : vector<16xf32>
        %add3A_1342 = arith.addf %scan3A_1180, %mul3A_1341 : vector<16xf32>
        %mul3A_1343 = arith.constant 16 : i32
        %mul3A_1344 = arith.muli %scan3A_1166, %mul3A_1343 : i32
        %get3A_1345 = arith.constant 3 : i32
        %get3A_1346 = arith.constant 14 : i32
        %get3A_1347 = arith.index_cast %get3A_1345 : i32 to index
        %get3A_1348 = arith.index_cast %get3A_1346 : i32 to index
        %get3A_1349 = arith.index_cast %mul3A_1344 : i32 to index
        %get3A_1350 = tpu.vector_load %arg8[%get3A_1347, %get3A_1348, %get3A_1349] {strides = array<i32>} : memref<4x16x1000xf32, #tpu.memory_space<vmem>>, vector<1x1x16xf32>,
        %get3A_1351 = vector.shape_cast %get3A_1350 : vector<1x1x16xf32> to vector<16xf32>
        %mul3A_1352 = arith.mulf %get3A_1351, %get3A_1188 : vector<16xf32>
        %add3A_1353 = arith.addf %scan3A_1181, %mul3A_1352 : vector<16xf32>
        %mul3A_1354 = arith.constant 16 : i32
        %mul3A_1355 = arith.muli %scan3A_1166, %mul3A_1354 : i32
        %get3A_1356 = arith.constant 3 : i32
        %get3A_1357 = arith.constant 15 : i32
        %get3A_1358 = arith.index_cast %get3A_1356 : i32 to index
        %get3A_1359 = arith.index_cast %get3A_1357 : i32 to index
        %get3A_1360 = arith.index_cast %mul3A_1355 : i32 to index
        %get3A_1361 = tpu.vector_load %arg8[%get3A_1358, %get3A_1359, %get3A_1360] {strides = array<i32>} : memref<4x16x1000xf32, #tpu.memory_space<vmem>>, vector<1x1x16xf32>,
        %get3A_1362 = vector.shape_cast %get3A_1361 : vector<1x1x16xf32> to vector<16xf32>
        %mul3A_1363 = arith.mulf %get3A_1362, %get3A_1188 : vector<16xf32>
        %add3A_1364 = arith.addf %scan3A_1182, %mul3A_1363 : vector<16xf32>
        %scan3A_1365 = arith.constant 1 : i32
        %scan3A_1366 = arith.addi %scan3A_1166, %scan3A_1365 : i32
        %mul3A_1367 = arith.constant 16 : i32
        %mul3A_1368 = arith.muli %scan3A_1366, %mul3A_1367 : i32
        %get3A_1369 = arith.index_cast %scan3A_8 : i32 to index
        %get3A_1370 = arith.index_cast %mul3A_1368 : i32 to index
        %get3A_1371 = tpu.vector_load %arg7[%get3A_1369, %get3A_1370] {strides = array<i32>} : memref<32x1000xf32, #tpu.memory_space<vmem>>, vector<1x16xf32>,
        %get3A_1372 = vector.shape_cast %get3A_1371 : vector<1x16xf32> to vector<16xf32>
        %mul3A_1373 = arith.constant 16 : i32
        %mul3A_1374 = arith.muli %scan3A_1366, %mul3A_1373 : i32
        %get3A_1375 = arith.constant 3 : i32
        %get3A_1376 = arith.constant 0 : i32
        %get3A_1377 = arith.index_cast %get3A_1375 : i32 to index
        %get3A_1378 = arith.index_cast %get3A_1376 : i32 to index
        %get3A_1379 = arith.index_cast %mul3A_1374 : i32 to index
        %get3A_1380 = tpu.vector_load %arg8[%get3A_1377, %get3A_1378, %get3A_1379] {strides = array<i32>} : memref<4x16x1000xf32, #tpu.memory_space<vmem>>, vector<1x1x16xf32>,
        %get3A_1381 = vector.shape_cast %get3A_1380 : vector<1x1x16xf32> to vector<16xf32>
        %mul3A_1382 = arith.mulf %get3A_1381, %get3A_1372 : vector<16xf32>
        %add3A_1383 = arith.addf %add3A_1199, %mul3A_1382 : vector<16xf32>
        %mul3A_1384 = arith.constant 16 : i32
        %mul3A_1385 = arith.muli %scan3A_1366, %mul3A_1384 : i32
        %get3A_1386 = arith.constant 3 : i32
        %get3A_1387 = arith.constant 1 : i32
        %get3A_1388 = arith.index_cast %get3A_1386 : i32 to index
        %get3A_1389 = arith.index_cast %get3A_1387 : i32 to index
        %get3A_1390 = arith.index_cast %mul3A_1385 : i32 to index
        %get3A_1391 = tpu.vector_load %arg8[%get3A_1388, %get3A_1389, %get3A_1390] {strides = array<i32>} : memref<4x16x1000xf32, #tpu.memory_space<vmem>>, vector<1x1x16xf32>,
        %get3A_1392 = vector.shape_cast %get3A_1391 : vector<1x1x16xf32> to vector<16xf32>
        %mul3A_1393 = arith.mulf %get3A_1392, %get3A_1372 : vector<16xf32>
        %add3A_1394 = arith.addf %add3A_1210, %mul3A_1393 : vector<16xf32>
        %mul3A_1395 = arith.constant 16 : i32
        %mul3A_1396 = arith.muli %scan3A_1366, %mul3A_1395 : i32
        %get3A_1397 = arith.constant 3 : i32
        %get3A_1398 = arith.constant 2 : i32
        %get3A_1399 = arith.index_cast %get3A_1397 : i32 to index
        %get3A_1400 = arith.index_cast %get3A_1398 : i32 to index
        %get3A_1401 = arith.index_cast %mul3A_1396 : i32 to index
        %get3A_1402 = tpu.vector_load %arg8[%get3A_1399, %get3A_1400, %get3A_1401] {strides = array<i32>} : memref<4x16x1000xf32, #tpu.memory_space<vmem>>, vector<1x1x16xf32>,
        %get3A_1403 = vector.shape_cast %get3A_1402 : vector<1x1x16xf32> to vector<16xf32>
        %mul3A_1404 = arith.mulf %get3A_1403, %get3A_1372 : vector<16xf32>
        %add3A_1405 = arith.addf %add3A_1221, %mul3A_1404 : vector<16xf32>
        %mul3A_1406 = arith.constant 16 : i32
        %mul3A_1407 = arith.muli %scan3A_1366, %mul3A_1406 : i32
        %get3A_1408 = arith.constant 3 : i32
        %get3A_1409 = arith.constant 3 : i32
        %get3A_1410 = arith.index_cast %get3A_1408 : i32 to index
        %get3A_1411 = arith.index_cast %get3A_1409 : i32 to index
        %get3A_1412 = arith.index_cast %mul3A_1407 : i32 to index
        %get3A_1413 = tpu.vector_load %arg8[%get3A_1410, %get3A_1411, %get3A_1412] {strides = array<i32>} : memref<4x16x1000xf32, #tpu.memory_space<vmem>>, vector<1x1x16xf32>,
        %get3A_1414 = vector.shape_cast %get3A_1413 : vector<1x1x16xf32> to vector<16xf32>
        %mul3A_1415 = arith.mulf %get3A_1414, %get3A_1372 : vector<16xf32>
        %add3A_1416 = arith.addf %add3A_1232, %mul3A_1415 : vector<16xf32>
        %mul3A_1417 = arith.constant 16 : i32
        %mul3A_1418 = arith.muli %scan3A_1366, %mul3A_1417 : i32
        %get3A_1419 = arith.constant 3 : i32
        %get3A_1420 = arith.constant 4 : i32
        %get3A_1421 = arith.index_cast %get3A_1419 : i32 to index
        %get3A_1422 = arith.index_cast %get3A_1420 : i32 to index
        %get3A_1423 = arith.index_cast %mul3A_1418 : i32 to index
        %get3A_1424 = tpu.vector_load %arg8[%get3A_1421, %get3A_1422, %get3A_1423] {strides = array<i32>} : memref<4x16x1000xf32, #tpu.memory_space<vmem>>, vector<1x1x16xf32>,
        %get3A_1425 = vector.shape_cast %get3A_1424 : vector<1x1x16xf32> to vector<16xf32>
        %mul3A_1426 = arith.mulf %get3A_1425, %get3A_1372 : vector<16xf32>
        %add3A_1427 = arith.addf %add3A_1243, %mul3A_1426 : vector<16xf32>
        %mul3A_1428 = arith.constant 16 : i32
        %mul3A_1429 = arith.muli %scan3A_1366, %mul3A_1428 : i32
        %get3A_1430 = arith.constant 3 : i32
        %get3A_1431 = arith.constant 5 : i32
        %get3A_1432 = arith.index_cast %get3A_1430 : i32 to index
        %get3A_1433 = arith.index_cast %get3A_1431 : i32 to index
        %get3A_1434 = arith.index_cast %mul3A_1429 : i32 to index
        %get3A_1435 = tpu.vector_load %arg8[%get3A_1432, %get3A_1433, %get3A_1434] {strides = array<i32>} : memref<4x16x1000xf32, #tpu.memory_space<vmem>>, vector<1x1x16xf32>,
        %get3A_1436 = vector.shape_cast %get3A_1435 : vector<1x1x16xf32> to vector<16xf32>
        %mul3A_1437 = arith.mulf %get3A_1436, %get3A_1372 : vector<16xf32>
        %add3A_1438 = arith.addf %add3A_1254, %mul3A_1437 : vector<16xf32>
        %mul3A_1439 = arith.constant 16 : i32
        %mul3A_1440 = arith.muli %scan3A_1366, %mul3A_1439 : i32
        %get3A_1441 = arith.constant 3 : i32
        %get3A_1442 = arith.constant 6 : i32
        %get3A_1443 = arith.index_cast %get3A_1441 : i32 to index
        %get3A_1444 = arith.index_cast %get3A_1442 : i32 to index
        %get3A_1445 = arith.index_cast %mul3A_1440 : i32 to index
        %get3A_1446 = tpu.vector_load %arg8[%get3A_1443, %get3A_1444, %get3A_1445] {strides = array<i32>} : memref<4x16x1000xf32, #tpu.memory_space<vmem>>, vector<1x1x16xf32>,
        %get3A_1447 = vector.shape_cast %get3A_1446 : vector<1x1x16xf32> to vector<16xf32>
        %mul3A_1448 = arith.mulf %get3A_1447, %get3A_1372 : vector<16xf32>
        %add3A_1449 = arith.addf %add3A_1265, %mul3A_1448 : vector<16xf32>
        %mul3A_1450 = arith.constant 16 : i32
        %mul3A_1451 = arith.muli %scan3A_1366, %mul3A_1450 : i32
        %get3A_1452 = arith.constant 3 : i32
        %get3A_1453 = arith.constant 7 : i32
        %get3A_1454 = arith.index_cast %get3A_1452 : i32 to index
        %get3A_1455 = arith.index_cast %get3A_1453 : i32 to index
        %get3A_1456 = arith.index_cast %mul3A_1451 : i32 to index
        %get3A_1457 = tpu.vector_load %arg8[%get3A_1454, %get3A_1455, %get3A_1456] {strides = array<i32>} : memref<4x16x1000xf32, #tpu.memory_space<vmem>>, vector<1x1x16xf32>,
        %get3A_1458 = vector.shape_cast %get3A_1457 : vector<1x1x16xf32> to vector<16xf32>
        %mul3A_1459 = arith.mulf %get3A_1458, %get3A_1372 : vector<16xf32>
        %add3A_1460 = arith.addf %add3A_1276, %mul3A_1459 : vector<16xf32>
        %mul3A_1461 = arith.constant 16 : i32
        %mul3A_1462 = arith.muli %scan3A_1366, %mul3A_1461 : i32
        %get3A_1463 = arith.constant 3 : i32
        %get3A_1464 = arith.constant 8 : i32
        %get3A_1465 = arith.index_cast %get3A_1463 : i32 to index
        %get3A_1466 = arith.index_cast %get3A_1464 : i32 to index
        %get3A_1467 = arith.index_cast %mul3A_1462 : i32 to index
        %get3A_1468 = tpu.vector_load %arg8[%get3A_1465, %get3A_1466, %get3A_1467] {strides = array<i32>} : memref<4x16x1000xf32, #tpu.memory_space<vmem>>, vector<1x1x16xf32>,
        %get3A_1469 = vector.shape_cast %get3A_1468 : vector<1x1x16xf32> to vector<16xf32>
        %mul3A_1470 = arith.mulf %get3A_1469, %get3A_1372 : vector<16xf32>
        %add3A_1471 = arith.addf %add3A_1287, %mul3A_1470 : vector<16xf32>
        %mul3A_1472 = arith.constant 16 : i32
        %mul3A_1473 = arith.muli %scan3A_1366, %mul3A_1472 : i32
        %get3A_1474 = arith.constant 3 : i32
        %get3A_1475 = arith.constant 9 : i32
        %get3A_1476 = arith.index_cast %get3A_1474 : i32 to index
        %get3A_1477 = arith.index_cast %get3A_1475 : i32 to index
        %get3A_1478 = arith.index_cast %mul3A_1473 : i32 to index
        %get3A_1479 = tpu.vector_load %arg8[%get3A_1476, %get3A_1477, %get3A_1478] {strides = array<i32>} : memref<4x16x1000xf32, #tpu.memory_space<vmem>>, vector<1x1x16xf32>,
        %get3A_1480 = vector.shape_cast %get3A_1479 : vector<1x1x16xf32> to vector<16xf32>
        %mul3A_1481 = arith.mulf %get3A_1480, %get3A_1372 : vector<16xf32>
        %add3A_1482 = arith.addf %add3A_1298, %mul3A_1481 : vector<16xf32>
        %mul3A_1483 = arith.constant 16 : i32
        %mul3A_1484 = arith.muli %scan3A_1366, %mul3A_1483 : i32
        %get3A_1485 = arith.constant 3 : i32
        %get3A_1486 = arith.constant 10 : i32
        %get3A_1487 = arith.index_cast %get3A_1485 : i32 to index
        %get3A_1488 = arith.index_cast %get3A_1486 : i32 to index
        %get3A_1489 = arith.index_cast %mul3A_1484 : i32 to index
        %get3A_1490 = tpu.vector_load %arg8[%get3A_1487, %get3A_1488, %get3A_1489] {strides = array<i32>} : memref<4x16x1000xf32, #tpu.memory_space<vmem>>, vector<1x1x16xf32>,
        %get3A_1491 = vector.shape_cast %get3A_1490 : vector<1x1x16xf32> to vector<16xf32>
        %mul3A_1492 = arith.mulf %get3A_1491, %get3A_1372 : vector<16xf32>
        %add3A_1493 = arith.addf %add3A_1309, %mul3A_1492 : vector<16xf32>
        %mul3A_1494 = arith.constant 16 : i32
        %mul3A_1495 = arith.muli %scan3A_1366, %mul3A_1494 : i32
        %get3A_1496 = arith.constant 3 : i32
        %get3A_1497 = arith.constant 11 : i32
        %get3A_1498 = arith.index_cast %get3A_1496 : i32 to index
        %get3A_1499 = arith.index_cast %get3A_1497 : i32 to index
        %get3A_1500 = arith.index_cast %mul3A_1495 : i32 to index
        %get3A_1501 = tpu.vector_load %arg8[%get3A_1498, %get3A_1499, %get3A_1500] {strides = array<i32>} : memref<4x16x1000xf32, #tpu.memory_space<vmem>>, vector<1x1x16xf32>,
        %get3A_1502 = vector.shape_cast %get3A_1501 : vector<1x1x16xf32> to vector<16xf32>
        %mul3A_1503 = arith.mulf %get3A_1502, %get3A_1372 : vector<16xf32>
        %add3A_1504 = arith.addf %add3A_1320, %mul3A_1503 : vector<16xf32>
        %mul3A_1505 = arith.constant 16 : i32
        %mul3A_1506 = arith.muli %scan3A_1366, %mul3A_1505 : i32
        %get3A_1507 = arith.constant 3 : i32
        %get3A_1508 = arith.constant 12 : i32
        %get3A_1509 = arith.index_cast %get3A_1507 : i32 to index
        %get3A_1510 = arith.index_cast %get3A_1508 : i32 to index
        %get3A_1511 = arith.index_cast %mul3A_1506 : i32 to index
        %get3A_1512 = tpu.vector_load %arg8[%get3A_1509, %get3A_1510, %get3A_1511] {strides = array<i32>} : memref<4x16x1000xf32, #tpu.memory_space<vmem>>, vector<1x1x16xf32>,
        %get3A_1513 = vector.shape_cast %get3A_1512 : vector<1x1x16xf32> to vector<16xf32>
        %mul3A_1514 = arith.mulf %get3A_1513, %get3A_1372 : vector<16xf32>
        %add3A_1515 = arith.addf %add3A_1331, %mul3A_1514 : vector<16xf32>
        %mul3A_1516 = arith.constant 16 : i32
        %mul3A_1517 = arith.muli %scan3A_1366, %mul3A_1516 : i32
        %get3A_1518 = arith.constant 3 : i32
        %get3A_1519 = arith.constant 13 : i32
        %get3A_1520 = arith.index_cast %get3A_1518 : i32 to index
        %get3A_1521 = arith.index_cast %get3A_1519 : i32 to index
        %get3A_1522 = arith.index_cast %mul3A_1517 : i32 to index
        %get3A_1523 = tpu.vector_load %arg8[%get3A_1520, %get3A_1521, %get3A_1522] {strides = array<i32>} : memref<4x16x1000xf32, #tpu.memory_space<vmem>>, vector<1x1x16xf32>,
        %get3A_1524 = vector.shape_cast %get3A_1523 : vector<1x1x16xf32> to vector<16xf32>
        %mul3A_1525 = arith.mulf %get3A_1524, %get3A_1372 : vector<16xf32>
        %add3A_1526 = arith.addf %add3A_1342, %mul3A_1525 : vector<16xf32>
        %mul3A_1527 = arith.constant 16 : i32
        %mul3A_1528 = arith.muli %scan3A_1366, %mul3A_1527 : i32
        %get3A_1529 = arith.constant 3 : i32
        %get3A_1530 = arith.constant 14 : i32
        %get3A_1531 = arith.index_cast %get3A_1529 : i32 to index
        %get3A_1532 = arith.index_cast %get3A_1530 : i32 to index
        %get3A_1533 = arith.index_cast %mul3A_1528 : i32 to index
        %get3A_1534 = tpu.vector_load %arg8[%get3A_1531, %get3A_1532, %get3A_1533] {strides = array<i32>} : memref<4x16x1000xf32, #tpu.memory_space<vmem>>, vector<1x1x16xf32>,
        %get3A_1535 = vector.shape_cast %get3A_1534 : vector<1x1x16xf32> to vector<16xf32>
        %mul3A_1536 = arith.mulf %get3A_1535, %get3A_1372 : vector<16xf32>
        %add3A_1537 = arith.addf %add3A_1353, %mul3A_1536 : vector<16xf32>
        %mul3A_1538 = arith.constant 16 : i32
        %mul3A_1539 = arith.muli %scan3A_1366, %mul3A_1538 : i32
        %get3A_1540 = arith.constant 3 : i32
        %get3A_1541 = arith.constant 15 : i32
        %get3A_1542 = arith.index_cast %get3A_1540 : i32 to index
        %get3A_1543 = arith.index_cast %get3A_1541 : i32 to index
        %get3A_1544 = arith.index_cast %mul3A_1539 : i32 to index
        %get3A_1545 = tpu.vector_load %arg8[%get3A_1542, %get3A_1543, %get3A_1544] {strides = array<i32>} : memref<4x16x1000xf32, #tpu.memory_space<vmem>>, vector<1x1x16xf32>,
        %get3A_1546 = vector.shape_cast %get3A_1545 : vector<1x1x16xf32> to vector<16xf32>
        %mul3A_1547 = arith.mulf %get3A_1546, %get3A_1372 : vector<16xf32>
        %add3A_1548 = arith.addf %add3A_1364, %mul3A_1547 : vector<16xf32>
        scf.yield %add3A_1383, %add3A_1394, %add3A_1405, %add3A_1416, %add3A_1427, %add3A_1438, %add3A_1449, %add3A_1460, %add3A_1471, %add3A_1482, %add3A_1493, %add3A_1504, %add3A_1515, %add3A_1526, %add3A_1537, %add3A_1548 : vector<16xf32>, vector<16xf32>, vector<16xf32>, vector<16xf32>, vector<16xf32>, vector<16xf32>, vector<16xf32>, vector<16xf32>, vector<16xf32>, vector<16xf32>, vector<16xf32>, vector<16xf32>, vector<16xf32>, vector<16xf32>, vector<16xf32>, vector<16xf32>
      }
      %scan3A_914 = arith.constant 62 : i32
      %ge3A_915 = arith.constant 8 : i32
      %ge3A_916 = vector.broadcast %ge3A_915 : i32 to vector<16xi32>
      %ge3A_917 = arith.cmpi sge, %iota3A, %ge3A_916 : vector<16xi32>
      %get3A_918 = arith.index_cast %scan3A_8 : i32 to index
      %get3A_919 = arith.constant 984 : index
      %get3A_920 = tpu.vector_load %arg7[%get3A_918, %get3A_919] {strides = array<i32>} : memref<32x1000xf32, #tpu.memory_space<vmem>>, vector<1x16xf32>,
      %get3A_921 = vector.shape_cast %get3A_920 : vector<1x16xf32> to vector<16xf32>
      %jit3A_922 = arith.constant 0.000000e+00 : f32
      %broadcast_in_dim3A_923 = vector.broadcast %jit3A_922 : f32 to vector<16xf32>
      %select_n3A_924 = arith.select %ge3A_917, %get3A_921, %broadcast_in_dim3A_923 : vector<16xi1>, vector<16xf32>
      %get3A_925 = arith.constant 3 : i32
      %get3A_926 = arith.constant 0 : i32
      %get3A_927 = arith.index_cast %get3A_925 : i32 to index
      %get3A_928 = arith.index_cast %get3A_926 : i32 to index
      %get3A_929 = arith.constant 984 : index
      %get3A_930 = tpu.vector_load %arg8[%get3A_927, %get3A_928, %get3A_929] {strides = array<i32>} : memref<4x16x1000xf32, #tpu.memory_space<vmem>>, vector<1x1x16xf32>,
      %get3A_931 = vector.shape_cast %get3A_930 : vector<1x1x16xf32> to vector<16xf32>
      %mul3A_932 = arith.mulf %get3A_931, %select_n3A_924 : vector<16xf32>
      %add3A_933 = arith.addf %scan3A_913#0, %mul3A_932 : vector<16xf32>
      %get3A_934 = arith.constant 3 : i32
      %get3A_935 = arith.constant 1 : i32
      %get3A_936 = arith.index_cast %get3A_934 : i32 to index
      %get3A_937 = arith.index_cast %get3A_935 : i32 to index
      %get3A_938 = arith.constant 984 : index
      %get3A_939 = tpu.vector_load %arg8[%get3A_936, %get3A_937, %get3A_938] {strides = array<i32>} : memref<4x16x1000xf32, #tpu.memory_space<vmem>>, vector<1x1x16xf32>,
      %get3A_940 = vector.shape_cast %get3A_939 : vector<1x1x16xf32> to vector<16xf32>
      %mul3A_941 = arith.mulf %get3A_940, %select_n3A_924 : vector<16xf32>
      %add3A_942 = arith.addf %scan3A_913#1, %mul3A_941 : vector<16xf32>
      %get3A_943 = arith.constant 3 : i32
      %get3A_944 = arith.constant 2 : i32
      %get3A_945 = arith.index_cast %get3A_943 : i32 to index
      %get3A_946 = arith.index_cast %get3A_944 : i32 to index
      %get3A_947 = arith.constant 984 : index
      %get3A_948 = tpu.vector_load %arg8[%get3A_945, %get3A_946, %get3A_947] {strides = array<i32>} : memref<4x16x1000xf32, #tpu.memory_space<vmem>>, vector<1x1x16xf32>,
      %get3A_949 = vector.shape_cast %get3A_948 : vector<1x1x16xf32> to vector<16xf32>
      %mul3A_950 = arith.mulf %get3A_949, %select_n3A_924 : vector<16xf32>
      %add3A_951 = arith.addf %scan3A_913#2, %mul3A_950 : vector<16xf32>
      %get3A_952 = arith.constant 3 : i32
      %get3A_953 = arith.constant 3 : i32
      %get3A_954 = arith.index_cast %get3A_952 : i32 to index
      %get3A_955 = arith.index_cast %get3A_953 : i32 to index
      %get3A_956 = arith.constant 984 : index
      %get3A_957 = tpu.vector_load %arg8[%get3A_954, %get3A_955, %get3A_956] {strides = array<i32>} : memref<4x16x1000xf32, #tpu.memory_space<vmem>>, vector<1x1x16xf32>,
      %get3A_958 = vector.shape_cast %get3A_957 : vector<1x1x16xf32> to vector<16xf32>
      %mul3A_959 = arith.mulf %get3A_958, %select_n3A_924 : vector<16xf32>
      %add3A_960 = arith.addf %scan3A_913#3, %mul3A_959 : vector<16xf32>
      %get3A_961 = arith.constant 3 : i32
      %get3A_962 = arith.constant 4 : i32
      %get3A_963 = arith.index_cast %get3A_961 : i32 to index
      %get3A_964 = arith.index_cast %get3A_962 : i32 to index
      %get3A_965 = arith.constant 984 : index
      %get3A_966 = tpu.vector_load %arg8[%get3A_963, %get3A_964, %get3A_965] {strides = array<i32>} : memref<4x16x1000xf32, #tpu.memory_space<vmem>>, vector<1x1x16xf32>,
      %get3A_967 = vector.shape_cast %get3A_966 : vector<1x1x16xf32> to vector<16xf32>
      %mul3A_968 = arith.mulf %get3A_967, %select_n3A_924 : vector<16xf32>
      %add3A_969 = arith.addf %scan3A_913#4, %mul3A_968 : vector<16xf32>
      %get3A_970 = arith.constant 3 : i32
      %get3A_971 = arith.constant 5 : i32
      %get3A_972 = arith.index_cast %get3A_970 : i32 to index
      %get3A_973 = arith.index_cast %get3A_971 : i32 to index
      %get3A_974 = arith.constant 984 : index
      %get3A_975 = tpu.vector_load %arg8[%get3A_972, %get3A_973, %get3A_974] {strides = array<i32>} : memref<4x16x1000xf32, #tpu.memory_space<vmem>>, vector<1x1x16xf32>,
      %get3A_976 = vector.shape_cast %get3A_975 : vector<1x1x16xf32> to vector<16xf32>
      %mul3A_977 = arith.mulf %get3A_976, %select_n3A_924 : vector<16xf32>
      %add3A_978 = arith.addf %scan3A_913#5, %mul3A_977 : vector<16xf32>
      %get3A_979 = arith.constant 3 : i32
      %get3A_980 = arith.constant 6 : i32
      %get3A_981 = arith.index_cast %get3A_979 : i32 to index
      %get3A_982 = arith.index_cast %get3A_980 : i32 to index
      %get3A_983 = arith.constant 984 : index
      %get3A_984 = tpu.vector_load %arg8[%get3A_981, %get3A_982, %get3A_983] {strides = array<i32>} : memref<4x16x1000xf32, #tpu.memory_space<vmem>>, vector<1x1x16xf32>,
      %get3A_985 = vector.shape_cast %get3A_984 : vector<1x1x16xf32> to vector<16xf32>
      %mul3A_986 = arith.mulf %get3A_985, %select_n3A_924 : vector<16xf32>
      %add3A_987 = arith.addf %scan3A_913#6, %mul3A_986 : vector<16xf32>
      %get3A_988 = arith.constant 3 : i32
      %get3A_989 = arith.constant 7 : i32
      %get3A_990 = arith.index_cast %get3A_988 : i32 to index
      %get3A_991 = arith.index_cast %get3A_989 : i32 to index
      %get3A_992 = arith.constant 984 : index
      %get3A_993 = tpu.vector_load %arg8[%get3A_990, %get3A_991, %get3A_992] {strides = array<i32>} : memref<4x16x1000xf32, #tpu.memory_space<vmem>>, vector<1x1x16xf32>,
      %get3A_994 = vector.shape_cast %get3A_993 : vector<1x1x16xf32> to vector<16xf32>
      %mul3A_995 = arith.mulf %get3A_994, %select_n3A_924 : vector<16xf32>
      %add3A_996 = arith.addf %scan3A_913#7, %mul3A_995 : vector<16xf32>
      %get3A_997 = arith.constant 3 : i32
      %get3A_998 = arith.constant 8 : i32
      %get3A_999 = arith.index_cast %get3A_997 : i32 to index
      %get3A_1000 = arith.index_cast %get3A_998 : i32 to index
      %get3A_1001 = arith.constant 984 : index
      %get3A_1002 = tpu.vector_load %arg8[%get3A_999, %get3A_1000, %get3A_1001] {strides = array<i32>} : memref<4x16x1000xf32, #tpu.memory_space<vmem>>, vector<1x1x16xf32>,
      %get3A_1003 = vector.shape_cast %get3A_1002 : vector<1x1x16xf32> to vector<16xf32>
      %mul3A_1004 = arith.mulf %get3A_1003, %select_n3A_924 : vector<16xf32>
      %add3A_1005 = arith.addf %scan3A_913#8, %mul3A_1004 : vector<16xf32>
      %get3A_1006 = arith.constant 3 : i32
      %get3A_1007 = arith.constant 9 : i32
      %get3A_1008 = arith.index_cast %get3A_1006 : i32 to index
      %get3A_1009 = arith.index_cast %get3A_1007 : i32 to index
      %get3A_1010 = arith.constant 984 : index
      %get3A_1011 = tpu.vector_load %arg8[%get3A_1008, %get3A_1009, %get3A_1010] {strides = array<i32>} : memref<4x16x1000xf32, #tpu.memory_space<vmem>>, vector<1x1x16xf32>,
      %get3A_1012 = vector.shape_cast %get3A_1011 : vector<1x1x16xf32> to vector<16xf32>
      %mul3A_1013 = arith.mulf %get3A_1012, %select_n3A_924 : vector<16xf32>
      %add3A_1014 = arith.addf %scan3A_913#9, %mul3A_1013 : vector<16xf32>
      %get3A_1015 = arith.constant 3 : i32
      %get3A_1016 = arith.constant 10 : i32
      %get3A_1017 = arith.index_cast %get3A_1015 : i32 to index
      %get3A_1018 = arith.index_cast %get3A_1016 : i32 to index
      %get3A_1019 = arith.constant 984 : index
      %get3A_1020 = tpu.vector_load %arg8[%get3A_1017, %get3A_1018, %get3A_1019] {strides = array<i32>} : memref<4x16x1000xf32, #tpu.memory_space<vmem>>, vector<1x1x16xf32>,
      %get3A_1021 = vector.shape_cast %get3A_1020 : vector<1x1x16xf32> to vector<16xf32>
      %mul3A_1022 = arith.mulf %get3A_1021, %select_n3A_924 : vector<16xf32>
      %add3A_1023 = arith.addf %scan3A_913#10, %mul3A_1022 : vector<16xf32>
      %get3A_1024 = arith.constant 3 : i32
      %get3A_1025 = arith.constant 11 : i32
      %get3A_1026 = arith.index_cast %get3A_1024 : i32 to index
      %get3A_1027 = arith.index_cast %get3A_1025 : i32 to index
      %get3A_1028 = arith.constant 984 : index
      %get3A_1029 = tpu.vector_load %arg8[%get3A_1026, %get3A_1027, %get3A_1028] {strides = array<i32>} : memref<4x16x1000xf32, #tpu.memory_space<vmem>>, vector<1x1x16xf32>,
      %get3A_1030 = vector.shape_cast %get3A_1029 : vector<1x1x16xf32> to vector<16xf32>
      %mul3A_1031 = arith.mulf %get3A_1030, %select_n3A_924 : vector<16xf32>
      %add3A_1032 = arith.addf %scan3A_913#11, %mul3A_1031 : vector<16xf32>
      %get3A_1033 = arith.constant 3 : i32
      %get3A_1034 = arith.constant 12 : i32
      %get3A_1035 = arith.index_cast %get3A_1033 : i32 to index
      %get3A_1036 = arith.index_cast %get3A_1034 : i32 to index
      %get3A_1037 = arith.constant 984 : index
      %get3A_1038 = tpu.vector_load %arg8[%get3A_1035, %get3A_1036, %get3A_1037] {strides = array<i32>} : memref<4x16x1000xf32, #tpu.memory_space<vmem>>, vector<1x1x16xf32>,
      %get3A_1039 = vector.shape_cast %get3A_1038 : vector<1x1x16xf32> to vector<16xf32>
      %mul3A_1040 = arith.mulf %get3A_1039, %select_n3A_924 : vector<16xf32>
      %add3A_1041 = arith.addf %scan3A_913#12, %mul3A_1040 : vector<16xf32>
      %get3A_1042 = arith.constant 3 : i32
      %get3A_1043 = arith.constant 13 : i32
      %get3A_1044 = arith.index_cast %get3A_1042 : i32 to index
      %get3A_1045 = arith.index_cast %get3A_1043 : i32 to index
      %get3A_1046 = arith.constant 984 : index
      %get3A_1047 = tpu.vector_load %arg8[%get3A_1044, %get3A_1045, %get3A_1046] {strides = array<i32>} : memref<4x16x1000xf32, #tpu.memory_space<vmem>>, vector<1x1x16xf32>,
      %get3A_1048 = vector.shape_cast %get3A_1047 : vector<1x1x16xf32> to vector<16xf32>
      %mul3A_1049 = arith.mulf %get3A_1048, %select_n3A_924 : vector<16xf32>
      %add3A_1050 = arith.addf %scan3A_913#13, %mul3A_1049 : vector<16xf32>
      %get3A_1051 = arith.constant 3 : i32
      %get3A_1052 = arith.constant 14 : i32
      %get3A_1053 = arith.index_cast %get3A_1051 : i32 to index
      %get3A_1054 = arith.index_cast %get3A_1052 : i32 to index
      %get3A_1055 = arith.constant 984 : index
      %get3A_1056 = tpu.vector_load %arg8[%get3A_1053, %get3A_1054, %get3A_1055] {strides = array<i32>} : memref<4x16x1000xf32, #tpu.memory_space<vmem>>, vector<1x1x16xf32>,
      %get3A_1057 = vector.shape_cast %get3A_1056 : vector<1x1x16xf32> to vector<16xf32>
      %mul3A_1058 = arith.mulf %get3A_1057, %select_n3A_924 : vector<16xf32>
      %add3A_1059 = arith.addf %scan3A_913#14, %mul3A_1058 : vector<16xf32>
      %get3A_1060 = arith.constant 3 : i32
      %get3A_1061 = arith.constant 15 : i32
      %get3A_1062 = arith.index_cast %get3A_1060 : i32 to index
      %get3A_1063 = arith.index_cast %get3A_1061 : i32 to index
      %get3A_1064 = arith.constant 984 : index
      %get3A_1065 = tpu.vector_load %arg8[%get3A_1062, %get3A_1063, %get3A_1064] {strides = array<i32>} : memref<4x16x1000xf32, #tpu.memory_space<vmem>>, vector<1x1x16xf32>,
      %get3A_1066 = vector.shape_cast %get3A_1065 : vector<1x1x16xf32> to vector<16xf32>
      %mul3A_1067 = arith.mulf %get3A_1066, %select_n3A_924 : vector<16xf32>
      %add3A_1068 = arith.addf %scan3A_913#15, %mul3A_1067 : vector<16xf32>
      %swap3A_1069 = arith.constant 48 : i32
      %swap3A_1070 = arith.index_cast %swap3A_1069 : i32 to index
      %swap3A_1071 = arith.constant 0 : index
      %swap3A_1072 = tpu.vector_load %arg9[%swap3A_1070, %swap3A_1071] {strides = array<i32>} : memref<64x16xf32, #tpu.memory_space<vmem>>, vector<1x16xf32>,
      %swap3A_1073 = vector.shape_cast %swap3A_1072 : vector<1x16xf32> to vector<16xf32>
      %swap3A_1074 = vector.shape_cast %add3A_933 : vector<16xf32> to vector<1x16xf32>
      tpu.vector_store %arg9[%swap3A_1070, %swap3A_1071], %swap3A_1074 {strides = array<i32>} : memref<64x16xf32, #tpu.memory_space<vmem>>, vector<1x16xf32>,
      %swap3A_1075 = arith.constant 49 : i32
      %swap3A_1076 = arith.index_cast %swap3A_1075 : i32 to index
      %swap3A_1077 = arith.constant 0 : index
      %swap3A_1078 = tpu.vector_load %arg9[%swap3A_1076, %swap3A_1077] {strides = array<i32>} : memref<64x16xf32, #tpu.memory_space<vmem>>, vector<1x16xf32>,
      %swap3A_1079 = vector.shape_cast %swap3A_1078 : vector<1x16xf32> to vector<16xf32>
      %swap3A_1080 = vector.shape_cast %add3A_942 : vector<16xf32> to vector<1x16xf32>
      tpu.vector_store %arg9[%swap3A_1076, %swap3A_1077], %swap3A_1080 {strides = array<i32>} : memref<64x16xf32, #tpu.memory_space<vmem>>, vector<1x16xf32>,
      %swap3A_1081 = arith.constant 50 : i32
      %swap3A_1082 = arith.index_cast %swap3A_1081 : i32 to index
      %swap3A_1083 = arith.constant 0 : index
      %swap3A_1084 = tpu.vector_load %arg9[%swap3A_1082, %swap3A_1083] {strides = array<i32>} : memref<64x16xf32, #tpu.memory_space<vmem>>, vector<1x16xf32>,
      %swap3A_1085 = vector.shape_cast %swap3A_1084 : vector<1x16xf32> to vector<16xf32>
      %swap3A_1086 = vector.shape_cast %add3A_951 : vector<16xf32> to vector<1x16xf32>
      tpu.vector_store %arg9[%swap3A_1082, %swap3A_1083], %swap3A_1086 {strides = array<i32>} : memref<64x16xf32, #tpu.memory_space<vmem>>, vector<1x16xf32>,
      %swap3A_1087 = arith.constant 51 : i32
      %swap3A_1088 = arith.index_cast %swap3A_1087 : i32 to index
      %swap3A_1089 = arith.constant 0 : index
      %swap3A_1090 = tpu.vector_load %arg9[%swap3A_1088, %swap3A_1089] {strides = array<i32>} : memref<64x16xf32, #tpu.memory_space<vmem>>, vector<1x16xf32>,
      %swap3A_1091 = vector.shape_cast %swap3A_1090 : vector<1x16xf32> to vector<16xf32>
      %swap3A_1092 = vector.shape_cast %add3A_960 : vector<16xf32> to vector<1x16xf32>
      tpu.vector_store %arg9[%swap3A_1088, %swap3A_1089], %swap3A_1092 {strides = array<i32>} : memref<64x16xf32, #tpu.memory_space<vmem>>, vector<1x16xf32>,
      %swap3A_1093 = arith.constant 52 : i32
      %swap3A_1094 = arith.index_cast %swap3A_1093 : i32 to index
      %swap3A_1095 = arith.constant 0 : index
      %swap3A_1096 = tpu.vector_load %arg9[%swap3A_1094, %swap3A_1095] {strides = array<i32>} : memref<64x16xf32, #tpu.memory_space<vmem>>, vector<1x16xf32>,
      %swap3A_1097 = vector.shape_cast %swap3A_1096 : vector<1x16xf32> to vector<16xf32>
      %swap3A_1098 = vector.shape_cast %add3A_969 : vector<16xf32> to vector<1x16xf32>
      tpu.vector_store %arg9[%swap3A_1094, %swap3A_1095], %swap3A_1098 {strides = array<i32>} : memref<64x16xf32, #tpu.memory_space<vmem>>, vector<1x16xf32>,
      %swap3A_1099 = arith.constant 53 : i32
      %swap3A_1100 = arith.index_cast %swap3A_1099 : i32 to index
      %swap3A_1101 = arith.constant 0 : index
      %swap3A_1102 = tpu.vector_load %arg9[%swap3A_1100, %swap3A_1101] {strides = array<i32>} : memref<64x16xf32, #tpu.memory_space<vmem>>, vector<1x16xf32>,
      %swap3A_1103 = vector.shape_cast %swap3A_1102 : vector<1x16xf32> to vector<16xf32>
      %swap3A_1104 = vector.shape_cast %add3A_978 : vector<16xf32> to vector<1x16xf32>
      tpu.vector_store %arg9[%swap3A_1100, %swap3A_1101], %swap3A_1104 {strides = array<i32>} : memref<64x16xf32, #tpu.memory_space<vmem>>, vector<1x16xf32>,
      %swap3A_1105 = arith.constant 54 : i32
      %swap3A_1106 = arith.index_cast %swap3A_1105 : i32 to index
      %swap3A_1107 = arith.constant 0 : index
      %swap3A_1108 = tpu.vector_load %arg9[%swap3A_1106, %swap3A_1107] {strides = array<i32>} : memref<64x16xf32, #tpu.memory_space<vmem>>, vector<1x16xf32>,
      %swap3A_1109 = vector.shape_cast %swap3A_1108 : vector<1x16xf32> to vector<16xf32>
      %swap3A_1110 = vector.shape_cast %add3A_987 : vector<16xf32> to vector<1x16xf32>
      tpu.vector_store %arg9[%swap3A_1106, %swap3A_1107], %swap3A_1110 {strides = array<i32>} : memref<64x16xf32, #tpu.memory_space<vmem>>, vector<1x16xf32>,
      %swap3A_1111 = arith.constant 55 : i32
      %swap3A_1112 = arith.index_cast %swap3A_1111 : i32 to index
      %swap3A_1113 = arith.constant 0 : index
      %swap3A_1114 = tpu.vector_load %arg9[%swap3A_1112, %swap3A_1113] {strides = array<i32>} : memref<64x16xf32, #tpu.memory_space<vmem>>, vector<1x16xf32>,
      %swap3A_1115 = vector.shape_cast %swap3A_1114 : vector<1x16xf32> to vector<16xf32>
      %swap3A_1116 = vector.shape_cast %add3A_996 : vector<16xf32> to vector<1x16xf32>
      tpu.vector_store %arg9[%swap3A_1112, %swap3A_1113], %swap3A_1116 {strides = array<i32>} : memref<64x16xf32, #tpu.memory_space<vmem>>, vector<1x16xf32>,
      %swap3A_1117 = arith.constant 56 : i32
      %swap3A_1118 = arith.index_cast %swap3A_1117 : i32 to index
      %swap3A_1119 = arith.constant 0 : index
      %swap3A_1120 = tpu.vector_load %arg9[%swap3A_1118, %swap3A_1119] {strides = array<i32>} : memref<64x16xf32, #tpu.memory_space<vmem>>, vector<1x16xf32>,
      %swap3A_1121 = vector.shape_cast %swap3A_1120 : vector<1x16xf32> to vector<16xf32>
      %swap3A_1122 = vector.shape_cast %add3A_1005 : vector<16xf32> to vector<1x16xf32>
      tpu.vector_store %arg9[%swap3A_1118, %swap3A_1119], %swap3A_1122 {strides = array<i32>} : memref<64x16xf32, #tpu.memory_space<vmem>>, vector<1x16xf32>,
      %swap3A_1123 = arith.constant 57 : i32
      %swap3A_1124 = arith.index_cast %swap3A_1123 : i32 to index
      %swap3A_1125 = arith.constant 0 : index
      %swap3A_1126 = tpu.vector_load %arg9[%swap3A_1124, %swap3A_1125] {strides = array<i32>} : memref<64x16xf32, #tpu.memory_space<vmem>>, vector<1x16xf32>,
      %swap3A_1127 = vector.shape_cast %swap3A_1126 : vector<1x16xf32> to vector<16xf32>
      %swap3A_1128 = vector.shape_cast %add3A_1014 : vector<16xf32> to vector<1x16xf32>
      tpu.vector_store %arg9[%swap3A_1124, %swap3A_1125], %swap3A_1128 {strides = array<i32>} : memref<64x16xf32, #tpu.memory_space<vmem>>, vector<1x16xf32>,
      %swap3A_1129 = arith.constant 58 : i32
      %swap3A_1130 = arith.index_cast %swap3A_1129 : i32 to index
      %swap3A_1131 = arith.constant 0 : index
      %swap3A_1132 = tpu.vector_load %arg9[%swap3A_1130, %swap3A_1131] {strides = array<i32>} : memref<64x16xf32, #tpu.memory_space<vmem>>, vector<1x16xf32>,
      %swap3A_1133 = vector.shape_cast %swap3A_1132 : vector<1x16xf32> to vector<16xf32>
      %swap3A_1134 = vector.shape_cast %add3A_1023 : vector<16xf32> to vector<1x16xf32>
      tpu.vector_store %arg9[%swap3A_1130, %swap3A_1131], %swap3A_1134 {strides = array<i32>} : memref<64x16xf32, #tpu.memory_space<vmem>>, vector<1x16xf32>,
      %swap3A_1135 = arith.constant 59 : i32
      %swap3A_1136 = arith.index_cast %swap3A_1135 : i32 to index
      %swap3A_1137 = arith.constant 0 : index
      %swap3A_1138 = tpu.vector_load %arg9[%swap3A_1136, %swap3A_1137] {strides = array<i32>} : memref<64x16xf32, #tpu.memory_space<vmem>>, vector<1x16xf32>,
      %swap3A_1139 = vector.shape_cast %swap3A_1138 : vector<1x16xf32> to vector<16xf32>
      %swap3A_1140 = vector.shape_cast %add3A_1032 : vector<16xf32> to vector<1x16xf32>
      tpu.vector_store %arg9[%swap3A_1136, %swap3A_1137], %swap3A_1140 {strides = array<i32>} : memref<64x16xf32, #tpu.memory_space<vmem>>, vector<1x16xf32>,
      %swap3A_1141 = arith.constant 60 : i32
      %swap3A_1142 = arith.index_cast %swap3A_1141 : i32 to index
      %swap3A_1143 = arith.constant 0 : index
      %swap3A_1144 = tpu.vector_load %arg9[%swap3A_1142, %swap3A_1143] {strides = array<i32>} : memref<64x16xf32, #tpu.memory_space<vmem>>, vector<1x16xf32>,
      %swap3A_1145 = vector.shape_cast %swap3A_1144 : vector<1x16xf32> to vector<16xf32>
      %swap3A_1146 = vector.shape_cast %add3A_1041 : vector<16xf32> to vector<1x16xf32>
      tpu.vector_store %arg9[%swap3A_1142, %swap3A_1143], %swap3A_1146 {strides = array<i32>} : memref<64x16xf32, #tpu.memory_space<vmem>>, vector<1x16xf32>,
      %swap3A_1147 = arith.constant 61 : i32
      %swap3A_1148 = arith.index_cast %swap3A_1147 : i32 to index
      %swap3A_1149 = arith.constant 0 : index
      %swap3A_1150 = tpu.vector_load %arg9[%swap3A_1148, %swap3A_1149] {strides = array<i32>} : memref<64x16xf32, #tpu.memory_space<vmem>>, vector<1x16xf32>,
      %swap3A_1151 = vector.shape_cast %swap3A_1150 : vector<1x16xf32> to vector<16xf32>
      %swap3A_1152 = vector.shape_cast %add3A_1050 : vector<16xf32> to vector<1x16xf32>
      tpu.vector_store %arg9[%swap3A_1148, %swap3A_1149], %swap3A_1152 {strides = array<i32>} : memref<64x16xf32, #tpu.memory_space<vmem>>, vector<1x16xf32>,
      %swap3A_1153 = arith.constant 62 : i32
      %swap3A_1154 = arith.index_cast %swap3A_1153 : i32 to index
      %swap3A_1155 = arith.constant 0 : index
      %swap3A_1156 = tpu.vector_load %arg9[%swap3A_1154, %swap3A_1155] {strides = array<i32>} : memref<64x16xf32, #tpu.memory_space<vmem>>, vector<1x16xf32>,
      %swap3A_1157 = vector.shape_cast %swap3A_1156 : vector<1x16xf32> to vector<16xf32>
      %swap3A_1158 = vector.shape_cast %add3A_1059 : vector<16xf32> to vector<1x16xf32>
      tpu.vector_store %arg9[%swap3A_1154, %swap3A_1155], %swap3A_1158 {strides = array<i32>} : memref<64x16xf32, #tpu.memory_space<vmem>>, vector<1x16xf32>,
      %swap3A_1159 = arith.constant 63 : i32
      %swap3A_1160 = arith.index_cast %swap3A_1159 : i32 to index
      %swap3A_1161 = arith.constant 0 : index
      %swap3A_1162 = tpu.vector_load %arg9[%swap3A_1160, %swap3A_1161] {strides = array<i32>} : memref<64x16xf32, #tpu.memory_space<vmem>>, vector<1x16xf32>,
      %swap3A_1163 = vector.shape_cast %swap3A_1162 : vector<1x16xf32> to vector<16xf32>
      %swap3A_1164 = vector.shape_cast %add3A_1068 : vector<16xf32> to vector<1x16xf32>
      tpu.vector_store %arg9[%swap3A_1160, %swap3A_1161], %swap3A_1164 {strides = array<i32>} : memref<64x16xf32, #tpu.memory_space<vmem>>, vector<1x16xf32>,
      %add3A_1165 = arith.addi %mul3A_2, %scan3A_8 : i32
      "tpu.region"() ({
        %run_scoped3A_1166 = tpu.sem_alloc : memref<!tpu.dma_semaphore, #tpu.memory_space<semaphore_mem>>
        %dma_start3A = arith.constant 0 : i32
        %dma_start3A_1167 = arith.constant 0 : i32
        %dma_start3A_1168 = tpu.memref_slice %arg5[%add3A_1165, %dma_start3A, %dma_start3A_1167] : memref<1024x64x16xf32, #tpu.memory_space<hbm>> -> memref<1x64x16xf32, #tpu.memory_space<hbm>>
        %dma_start3A_1169 = tpu.memref_squeeze %dma_start3A_1168 : memref<1x64x16xf32, #tpu.memory_space<hbm>> -> memref<64x16xf32, #tpu.memory_space<hbm>>
        %dma_start3A_1170 = arith.constant 0 : i32
        %dma_start3A_1171 = arith.constant 0 : i32
        %dma_start3A_1172 = tpu.memref_slice %arg5[%add3A_1165, %dma_start3A_1170, %dma_start3A_1171] : memref<1024x64x16xf32, #tpu.memory_space<hbm>> -> memref<1x64x16xf32, #tpu.memory_space<hbm>>
        %dma_start3A_1173 = tpu.memref_squeeze %dma_start3A_1172 : memref<1x64x16xf32, #tpu.memory_space<hbm>> -> memref<64x16xf32, #tpu.memory_space<hbm>>
        tpu.enqueue_dma source(%arg9 : memref<64x16xf32, #tpu.memory_space<vmem>>) target(%dma_start3A_1173 : memref<64x16xf32, #tpu.memory_space<hbm>>) target_semaphore(%run_scoped3A_1166 : memref<!tpu.dma_semaphore, #tpu.memory_space<semaphore_mem>>)
        %dma_wait3A = arith.constant 0 : i32
        %dma_wait3A_1174 = arith.constant 0 : i32
        %dma_wait3A_1175 = tpu.memref_slice %arg5[%add3A_1165, %dma_wait3A, %dma_wait3A_1174] : memref<1024x64x16xf32, #tpu.memory_space<hbm>> -> memref<1x64x16xf32, #tpu.memory_space<hbm>>
        %dma_wait3A_1176 = tpu.memref_squeeze %dma_wait3A_1175 : memref<1x64x16xf32, #tpu.memory_space<hbm>> -> memref<64x16xf32, #tpu.memory_space<hbm>>
        %dma_wait3A_1177 = arith.constant 0 : i32
        %dma_wait3A_1178 = arith.constant 0 : i32
        %dma_wait3A_1179 = tpu.memref_slice %arg5[%add3A_1165, %dma_wait3A_1177, %dma_wait3A_1178] : memref<1024x64x16xf32, #tpu.memory_space<hbm>> -> memref<1x64x16xf32, #tpu.memory_space<hbm>>
        %dma_wait3A_1180 = tpu.memref_squeeze %dma_wait3A_1179 : memref<1x64x16xf32, #tpu.memory_space<hbm>> -> memref<64x16xf32, #tpu.memory_space<hbm>>
        tpu.wait_dma2 semaphore(%run_scoped3A_1166 : memref<!tpu.dma_semaphore, #tpu.memory_space<semaphore_mem>>) src(%arg9 : memref<64x16xf32, #tpu.memory_space<vmem>>) dst(%dma_wait3A_1180 : memref<64x16xf32, #tpu.memory_space<hbm>>)
        tpu.yield
      }) : () -> ()
    }
    %scan3A_7 = arith.constant 32 : i32
    return
  }
}

module attributes {stable_mosaic.version = 14 : i64} {
  func.func @_mask_kernel(%arg0: memref<1024x1xi32, #tpu.memory_space<vmem>>, %arg1: memref<1024x1000xf32, #tpu.memory_space<vmem>>, %arg2: memref<1024x1000xf32, #tpu.memory_space<vmem>>) attributes {dimension_semantics = [], scalar_prefetch = 0 : i64, scratch_operands = 0 : i64, tpu.core_type = #tpu.core_type<tc>} {
    %get3A = arith.constant 0 : index
    %get3A_0 = arith.constant 0 : index
    %get3A_1 = vector.load %arg0[%get3A, %get3A_0] : memref<1024x1xi32, #tpu.memory_space<vmem>>, vector<1024x1xi32>
    %iota3A = tpu.iota {dimensions = array<i32: 1>} : vector<1024x1000xi32>
    %eq3A = vector.broadcast %get3A_1 : vector<1024x1xi32> to vector<1024x1000xi32>
    %eq3A_2 = arith.cmpi eq, %eq3A, %iota3A : vector<1024x1000xi32>
    %reduce_or3A = arith.constant 1.000000e+00 : f32
    %reduce_or3A_3 = arith.constant 0.000000e+00 : f32
    %reduce_or3A_4 = vector.broadcast %reduce_or3A : f32 to vector<1024x1000xf32>
    %reduce_or3A_5 = vector.broadcast %reduce_or3A_3 : f32 to vector<1024x1000xf32>
    %reduce_or3A_6 = arith.select %eq3A_2, %reduce_or3A_4, %reduce_or3A_5 : vector<1024x1000xi1>, vector<1024x1000xf32>
    %reduce_or3A_7 = arith.constant dense<0xFF800000> : vector<1000xf32>
    %reduce_or3A_8 = vector.multi_reduction <maximumf>, %reduce_or3A_6, %reduce_or3A_7 [0] : vector<1024x1000xf32> to vector<1000xf32>
    %reduce_or3A_9 = arith.constant 0.000000e+00 : f32
    %reduce_or3A_10 = vector.broadcast %reduce_or3A_9 : f32 to vector<1000xf32>
    %reduce_or3A_11 = arith.cmpf ogt, %reduce_or3A_8, %reduce_or3A_10 : vector<1000xf32>
    %broadcast_in_dim3A = vector.shape_cast %reduce_or3A_11 : vector<1000xi1> to vector<1x1000xi1>
    %jit3A = arith.constant 0.000000e+00 : f32
    %jit3A_12 = arith.constant 1.000000e+00 : f32
    %broadcast_in_dim3A_13 = vector.broadcast %jit3A : f32 to vector<1x1000xf32>
    %broadcast_in_dim3A_14 = vector.broadcast %jit3A_12 : f32 to vector<1x1000xf32>
    %select_n3A = arith.select %broadcast_in_dim3A, %broadcast_in_dim3A_13, %broadcast_in_dim3A_14 : vector<1x1000xi1>, vector<1x1000xf32>
    %get3A_15 = arith.constant 0 : index
    %get3A_16 = arith.constant 0 : index
    %get3A_17 = vector.load %arg1[%get3A_15, %get3A_16] : memref<1024x1000xf32, #tpu.memory_space<vmem>>, vector<1024x1000xf32>
    %mul3A = vector.broadcast %select_n3A : vector<1x1000xf32> to vector<1024x1000xf32>
    %mul3A_18 = arith.mulf %get3A_17, %mul3A : vector<1024x1000xf32>
    %log1p3A = math.log1p %mul3A_18 : vector<1024x1000xf32>
    %swap3A = arith.constant 0 : index
    %swap3A_19 = arith.constant 0 : index
    %swap3A_20 = vector.load %arg2[%swap3A, %swap3A_19] : memref<1024x1000xf32, #tpu.memory_space<vmem>>, vector<1024x1000xf32>
    tpu.vector_store %arg2[%swap3A, %swap3A_19], %log1p3A {strides = array<i32>} : memref<1024x1000xf32, #tpu.memory_space<vmem>>, vector<1024x1000xf32>,
    return
  }
}

module attributes {stable_mosaic.version = 14 : i64} {
  func.func @_tail_kernel(%arg0: memref<1024x1xi32, #tpu.memory_space<vmem>>, %arg1: memref<1024x1024xf32, #tpu.memory_space<vmem>>, %arg2: memref<1000x64xf32, #tpu.memory_space<vmem>>, %arg3: memref<64x64xf32, #tpu.memory_space<vmem>>, %arg4: memref<1x64xf32, #tpu.memory_space<vmem>>, %arg5: memref<1x64xf32, #tpu.memory_space<vmem>>, %arg6: memref<1x64xf32, #tpu.memory_space<vmem>>, %arg7: memref<64x32xf32, #tpu.memory_space<vmem>>, %arg8: memref<1x32xf32, #tpu.memory_space<vmem>>, %arg9: memref<64x32xf32, #tpu.memory_space<vmem>>, %arg10: memref<1x32xf32, #tpu.memory_space<vmem>>, %arg11: memref<1024x32xf32, #tpu.memory_space<vmem>>, %arg12: memref<1024x32xf32, #tpu.memory_space<vmem>>) attributes {dimension_semantics = [], scalar_prefetch = 0 : i64, scratch_operands = 0 : i64, tpu.core_type = #tpu.core_type<tc>} {
    %iota3A = tpu.iota {dimensions = array<i32: 0>} : vector<1024x64xi32>
    %iota3A_0 = tpu.iota {dimensions = array<i32: 1>} : vector<1024x64xi32>
    %jit3A = arith.constant 16 : i32
    %div3A = vector.broadcast %jit3A : i32 to vector<1024x64xi32>
    %div3A_1 = arith.divsi %iota3A, %div3A : vector<1024x64xi32>
    %sign3A = arith.constant 0 : i32
    %sign3A_2 = vector.broadcast %sign3A : i32 to vector<1024x64xi32>
    %sign3A_3 = arith.cmpi sgt, %iota3A, %sign3A_2 : vector<1024x64xi32>
    %sign3A_4 = arith.extui %sign3A_3 : vector<1024x64xi1> to vector<1024x64xi32>
    %sign3A_5 = arith.constant 0 : i32
    %sign3A_6 = vector.broadcast %sign3A_5 : i32 to vector<1024x64xi32>
    %sign3A_7 = arith.cmpi slt, %iota3A, %sign3A_6 : vector<1024x64xi32>
    %sign3A_8 = arith.extui %sign3A_7 : vector<1024x64xi1> to vector<1024x64xi32>
    %sign3A_9 = arith.subi %sign3A_4, %sign3A_8 : vector<1024x64xi32>
    %sign3A_10 = arith.constant 0 : i32
    %sign3A_11 = arith.cmpi sgt, %jit3A, %sign3A_10 : i32
    %sign3A_12 = arith.extui %sign3A_11 : i1 to i32
    %sign3A_13 = arith.constant 0 : i32
    %sign3A_14 = arith.cmpi slt, %jit3A, %sign3A_13 : i32
    %sign3A_15 = arith.extui %sign3A_14 : i1 to i32
    %sign3A_16 = arith.subi %sign3A_12, %sign3A_15 : i32
    %ne3A = vector.broadcast %sign3A_16 : i32 to vector<1024x64xi32>
    %ne3A_17 = arith.cmpi ne, %sign3A_9, %ne3A : vector<1024x64xi32>
    %rem3A = vector.broadcast %jit3A : i32 to vector<1024x64xi32>
    %rem3A_18 = arith.remsi %iota3A, %rem3A : vector<1024x64xi32>
    %ne3A_19 = arith.constant 0 : i32
    %ne3A_20 = vector.broadcast %ne3A_19 : i32 to vector<1024x64xi32>
    %ne3A_21 = arith.cmpi ne, %rem3A_18, %ne3A_20 : vector<1024x64xi32>
    %and3A = arith.andi %ne3A_17, %ne3A_21 : vector<1024x64xi1>
    %sub3A = arith.constant 1 : i32
    %sub3A_22 = vector.broadcast %sub3A : i32 to vector<1024x64xi32>
    %sub3A_23 = arith.subi %div3A_1, %sub3A_22 : vector<1024x64xi32>
    %select_n3A = arith.select %and3A, %sub3A_23, %div3A_1 : vector<1024x64xi1>, vector<1024x64xi32>
    %eq3A = arith.cmpi eq, %select_n3A, %iota3A_0 : vector<1024x64xi32>
    %convert_element_type3A = arith.extui %eq3A : vector<1024x64xi1> to vector<1024x64xi32>
    %convert_element_type3A_24 = arith.sitofp %convert_element_type3A : vector<1024x64xi32> to vector<1024x64xf32>
    %get3A = arith.constant 0 : index
    %get3A_25 = arith.constant 0 : index
    %get3A_26 = vector.load %arg1[%get3A, %get3A_25] : memref<1024x1024xf32, #tpu.memory_space<vmem>>, vector<1024x1024xf32>
    %dot_general3A = arith.constant dense<0.000000e+00> : vector<1024x64xf32>
    %dot_general3A_27 = tpu.matmul %get3A_26, %convert_element_type3A_24, %dot_general3A {dimension_numbers = #tpu.dot_dimension_numbers<[1], [0], [0], [1], [0, 0, 1, 1], [], []>, transpose_lhs_hint = false} : vector<1024x1024xf32>, vector<1024x64xf32>, vector<1024x64xf32> -> vector<1024x64xf32>
    %iota3A_28 = tpu.iota {dimensions = array<i32: 1>} : vector<1024x1000xi32>
    %get3A_29 = arith.constant 0 : index
    %get3A_30 = arith.constant 0 : index
    %get3A_31 = vector.load %arg0[%get3A_29, %get3A_30] : memref<1024x1xi32, #tpu.memory_space<vmem>>, vector<1024x1xi32>
    %eq3A_32 = vector.broadcast %get3A_31 : vector<1024x1xi32> to vector<1024x1000xi32>
    %eq3A_33 = arith.cmpi eq, %eq3A_32, %iota3A_28 : vector<1024x1000xi32>
    %convert_element_type3A_34 = arith.extui %eq3A_33 : vector<1024x1000xi1> to vector<1024x1000xi32>
    %convert_element_type3A_35 = arith.sitofp %convert_element_type3A_34 : vector<1024x1000xi32> to vector<1024x1000xf32>
    %get3A_36 = arith.constant 0 : index
    %get3A_37 = arith.constant 0 : index
    %get3A_38 = vector.load %arg2[%get3A_36, %get3A_37] : memref<1000x64xf32, #tpu.memory_space<vmem>>, vector<1000x64xf32>
    %dot_general3A_39 = arith.constant dense<0.000000e+00> : vector<1024x64xf32>
    %dot_general3A_40 = tpu.matmul %convert_element_type3A_35, %get3A_38, %dot_general3A_39 {dimension_numbers = #tpu.dot_dimension_numbers<[1], [0], [0], [1], [0, 0, 1, 1], [], []>, transpose_lhs_hint = false} : vector<1024x1000xf32>, vector<1000x64xf32>, vector<1024x64xf32> -> vector<1024x64xf32>
    %add3A = arith.addf %dot_general3A_27, %dot_general3A_40 : vector<1024x64xf32>
    %get3A_41 = arith.constant 0 : index
    %get3A_42 = arith.constant 0 : index
    %get3A_43 = vector.load %arg3[%get3A_41, %get3A_42] : memref<64x64xf32, #tpu.memory_space<vmem>>, vector<64x64xf32>
    %dot_general3A_44 = arith.constant dense<0.000000e+00> : vector<1024x64xf32>
    %dot_general3A_45 = tpu.matmul %add3A, %get3A_43, %dot_general3A_44 {dimension_numbers = #tpu.dot_dimension_numbers<[1], [0], [0], [1], [0, 0, 1, 1], [], []>, transpose_lhs_hint = false} : vector<1024x64xf32>, vector<64x64xf32>, vector<1024x64xf32> -> vector<1024x64xf32>
    %get3A_46 = arith.constant 0 : index
    %get3A_47 = arith.constant 0 : index
    %get3A_48 = vector.load %arg4[%get3A_46, %get3A_47] : memref<1x64xf32, #tpu.memory_space<vmem>>, vector<1x64xf32>
    %add3A_49 = vector.broadcast %get3A_48 : vector<1x64xf32> to vector<1024x64xf32>
    %add3A_50 = arith.addf %dot_general3A_45, %add3A_49 : vector<1024x64xf32>
    %reduce_sum3A = arith.constant dense<0.000000e+00> : vector<1024xf32>
    %reduce_sum3A_51 = vector.multi_reduction <add>, %add3A_50, %reduce_sum3A [1] : vector<1024x64xf32> to vector<1024xf32>
    %broadcast_in_dim3A = vector.shape_cast %reduce_sum3A_51 : vector<1024xf32> to vector<1024x1xf32>
    %div3A_52 = arith.constant 6.400000e+01 : f32
    %div3A_53 = vector.broadcast %div3A_52 : f32 to vector<1024x1xf32>
    %div3A_54 = arith.divf %broadcast_in_dim3A, %div3A_53 : vector<1024x1xf32>
    %sub3A_55 = vector.broadcast %div3A_54 : vector<1024x1xf32> to vector<1024x64xf32>
    %sub3A_56 = arith.subf %add3A_50, %sub3A_55 : vector<1024x64xf32>
    %integer_pow3A = arith.mulf %sub3A_56, %sub3A_56 : vector<1024x64xf32>
    %reduce_sum3A_57 = arith.constant dense<0.000000e+00> : vector<1024xf32>
    %reduce_sum3A_58 = vector.multi_reduction <add>, %integer_pow3A, %reduce_sum3A_57 [1] : vector<1024x64xf32> to vector<1024xf32>
    %broadcast_in_dim3A_59 = vector.shape_cast %reduce_sum3A_58 : vector<1024xf32> to vector<1024x1xf32>
    %div3A_60 = arith.constant 6.400000e+01 : f32
    %div3A_61 = vector.broadcast %div3A_60 : f32 to vector<1024x1xf32>
    %div3A_62 = arith.divf %broadcast_in_dim3A_59, %div3A_61 : vector<1024x1xf32>
    %sub3A_63 = vector.broadcast %div3A_54 : vector<1024x1xf32> to vector<1024x64xf32>
    %sub3A_64 = arith.subf %add3A_50, %sub3A_63 : vector<1024x64xf32>
    %add3A_65 = arith.constant 9.99999997E-7 : f32
    %add3A_66 = vector.broadcast %add3A_65 : f32 to vector<1024x1xf32>
    %add3A_67 = arith.addf %div3A_62, %add3A_66 : vector<1024x1xf32>
    %rsqrt3A = math.rsqrt %add3A_67 : vector<1024x1xf32>
    %mul3A = vector.broadcast %rsqrt3A : vector<1024x1xf32> to vector<1024x64xf32>
    %mul3A_68 = arith.mulf %sub3A_64, %mul3A : vector<1024x64xf32>
    %get3A_69 = arith.constant 0 : index
    %get3A_70 = arith.constant 0 : index
    %get3A_71 = vector.load %arg5[%get3A_69, %get3A_70] : memref<1x64xf32, #tpu.memory_space<vmem>>, vector<1x64xf32>
    %mul3A_72 = vector.broadcast %get3A_71 : vector<1x64xf32> to vector<1024x64xf32>
    %mul3A_73 = arith.mulf %mul3A_68, %mul3A_72 : vector<1024x64xf32>
    %get3A_74 = arith.constant 0 : index
    %get3A_75 = arith.constant 0 : index
    %get3A_76 = vector.load %arg6[%get3A_74, %get3A_75] : memref<1x64xf32, #tpu.memory_space<vmem>>, vector<1x64xf32>
    %add3A_77 = vector.broadcast %get3A_76 : vector<1x64xf32> to vector<1024x64xf32>
    %add3A_78 = arith.addf %mul3A_73, %add3A_77 : vector<1024x64xf32>
    %max3A = arith.constant 0.000000e+00 : f32
    %max3A_79 = vector.broadcast %max3A : f32 to vector<1024x64xf32>
    %max3A_80 = arith.maximumf %add3A_78, %max3A_79 : vector<1024x64xf32>
    %get3A_81 = arith.constant 0 : index
    %get3A_82 = arith.constant 0 : index
    %get3A_83 = vector.load %arg7[%get3A_81, %get3A_82] : memref<64x32xf32, #tpu.memory_space<vmem>>, vector<64x32xf32>
    %dot_general3A_84 = arith.constant dense<0.000000e+00> : vector<1024x32xf32>
    %dot_general3A_85 = tpu.matmul %max3A_80, %get3A_83, %dot_general3A_84 {dimension_numbers = #tpu.dot_dimension_numbers<[1], [0], [0], [1], [0, 0, 1, 1], [], []>, transpose_lhs_hint = false} : vector<1024x64xf32>, vector<64x32xf32>, vector<1024x32xf32> -> vector<1024x32xf32>
    %get3A_86 = arith.constant 0 : index
    %get3A_87 = arith.constant 0 : index
    %get3A_88 = vector.load %arg8[%get3A_86, %get3A_87] : memref<1x32xf32, #tpu.memory_space<vmem>>, vector<1x32xf32>
    %add3A_89 = vector.broadcast %get3A_88 : vector<1x32xf32> to vector<1024x32xf32>
    %add3A_90 = arith.addf %dot_general3A_85, %add3A_89 : vector<1024x32xf32>
    %swap3A = arith.constant 0 : index
    %swap3A_91 = arith.constant 0 : index
    %swap3A_92 = vector.load %arg11[%swap3A, %swap3A_91] : memref<1024x32xf32, #tpu.memory_space<vmem>>, vector<1024x32xf32>
    tpu.vector_store %arg11[%swap3A, %swap3A_91], %add3A_90 {strides = array<i32>} : memref<1024x32xf32, #tpu.memory_space<vmem>>, vector<1024x32xf32>,
    %get3A_93 = arith.constant 0 : index
    %get3A_94 = arith.constant 0 : index
    %get3A_95 = vector.load %arg9[%get3A_93, %get3A_94] : memref<64x32xf32, #tpu.memory_space<vmem>>, vector<64x32xf32>
    %dot_general3A_96 = arith.constant dense<0.000000e+00> : vector<1024x32xf32>
    %dot_general3A_97 = tpu.matmul %max3A_80, %get3A_95, %dot_general3A_96 {dimension_numbers = #tpu.dot_dimension_numbers<[1], [0], [0], [1], [0, 0, 1, 1], [], []>, transpose_lhs_hint = false} : vector<1024x64xf32>, vector<64x32xf32>, vector<1024x32xf32> -> vector<1024x32xf32>
    %get3A_98 = arith.constant 0 : index
    %get3A_99 = arith.constant 0 : index
    %get3A_100 = vector.load %arg10[%get3A_98, %get3A_99] : memref<1x32xf32, #tpu.memory_space<vmem>>, vector<1x32xf32>
    %add3A_101 = vector.broadcast %get3A_100 : vector<1x32xf32> to vector<1024x32xf32>
    %add3A_102 = arith.addf %dot_general3A_97, %add3A_101 : vector<1024x32xf32>
    %exp3A = math.exp %add3A_102 : vector<1024x32xf32>
    %swap3A_103 = arith.constant 0 : index
    %swap3A_104 = arith.constant 0 : index
    %swap3A_105 = vector.load %arg12[%swap3A_103, %swap3A_104] : memref<1024x32xf32, #tpu.memory_space<vmem>>, vector<1024x32xf32>
    tpu.vector_store %arg12[%swap3A_103, %swap3A_104], %exp3A {strides = array<i32>} : memref<1024x32xf32, #tpu.memory_space<vmem>>, vector<1024x32xf32>,
    return
  }
}

</mosaic_0001>

<sc_bundles>
// kernel: kernel.5.cloned.1.call-start
scs
__scs_entry_jumppad:
0x0: {  	(pc) =	sbr.rel $0x88, $3  }
0x1: {  	(tag) =	ssettag $0x0;
	lr =	simm.s32 $0x1  }
0x2: {  	[smem:$0x3F95] =	sst lr;
	_ =	strace $0xD0000000  }
0x3: {  	_ = 	snop  }
0x4: {  	_ = 	snop  }
0x5: {  	_ = 	snop  }
0x6: {  	_ = 	snop  }
0x7: {  	_ = 	snop  }
__scs_overlays_trampoline_lowered:
0x8: {  	[smem:$0x3FA4] =	sst s0  }
0x9: {  	[smem:$0x3FA5] =	sst s1  }
0xa: {  	[smem:$0x3FA6] =	sst s2  }
0xb: {  	[smem:$0x3FA7] =	sst s3  }
0xc: {  	[smem:$0x3FA8] =	sst s4  }
0xd: {  	[smem:$0x3FA9] =	sst s5  }
0xe: {  	[smem:$0x3FAA] =	sst s6  }
0xf: {  	[smem:$0x3FAB] =	sst s7  }
0x10: {  	[smem:$0x3FAC] =	sst s8  }
0x11: {  	[smem:$0x3FAD] =	sst s9;
	s0 =	simm.s32 @!p0 $0x0  }
0x12: {  	s1 =	sld [smem:$0x3F93];
	s0 =	simm.s32 @p0 $0x1  }
0x13: {  	[smem:$0x3FAE] =	sst s0;
	s0 =	simm.s32 @!p1 $0x0  }
0x14: {  	s2 =	sld [smem:$0x3F92];
	s0 =	simm.s32 @p1 $0x1  }
0x15: {  	[smem:$0x3FAF] =	sst s0;
	s0 =	simm.s32 @!p2 $0x0  }
0x16: {  	s3 =	sld [smem:$0x3FDB];
	s0 =	simm.s32 @p2 $0x1  }
0x17: {  	s4 =	simm.s32 $0x1BF5;
	[smem:$0x3FB1] =	sst s0  }
0x18: {  	s0 =	sld [smem:$0x3F94];
	_ =	swait.ge [sflag:s4], $0x0  }
0x19: {  	s7 =	sld [smem:$0x3F95]  }
0x1a: {  	s8 =	sadd.s32 $0xFFFFE003, lr  }
0x1b: {  	s9 =	sadd.s32 $0xFFFFFEF7, lr;
	s5 =	simm.s32 $0xFFFFFFFF;
	p2 =	slt.u32 s8, $0xFFFFF086  }
0x1c: {  	p1 =	slt.u32 s9, $0xF7A;
	s5 =	simm.s32 @!p2 $0x0  }
0x1d: {  	s5 =	simm.s32 @p1 $0x1;
	p0 =	seq.s32 s7, s2  }
0x1e: {  	s7 =	smul.u32 @!p0 $0xF7A, s2;
	p2 =	seq.s32 @!p0 s5, $0x0  }
0x1f: {  	s9 =	smul.u32 $0xF7A, s1;
	s8 =	simm.s32 @!p0 $0x1BF5;
	p2 =	por !p2, p0  }
0x20: {  	[sflag:s8] =	ssyncset.s32 @!p0 $0xFFFFF086;
	s6 =	sadd.s32 @!p0 s3, s7;
	s7 =	simm.s32 @!p0 $0x108  }
0x21: {  	s3 =	sadd.s32 s3, s9;
	s6 =	sadd.s32 @!p0 $0x88, s6;
	s7 =	simm.s32 @p2 $0x1082  }
0x22: {  	[simem:s7], [sflag:s8] =	dma.local @!p0 [hbm:s6], $0xF7A  }
0x23: {  	s9 =	sor.u32 $0xD0000000, s2;
	s6 =	simm.s32 $0x108;
	_ =	swait.ge @!p0 [sflag:s8], $0x0  }
0x24: {  	s3 =	sadd.s32 $0x88, s3;
	s6 =	simm.s32 @!p1 $0x1082;
	[sflag:s4] =	ssyncset.s32 $0xFFFFF086  }
0x25: {  	[simem:s6], [sflag:s4] =	dma.local [hbm:s3], $0xF7A  }
0x26: {  	[smem:$0x3F95] =	sst s1;
	(tag) =	ssettag s2;
	_ =	strace s9  }
0x27: {  	s1 =	sld [smem:$0x3FA5]  }
0x28: {  	s2 =	sld [smem:$0x3FA6]  }
0x29: {  	s4 =	sld [smem:$0x3FA8]  }
0x2a: {  	p0 =	seq.s32 s5, $0x0;
	s5 =	sld [smem:$0x3FA9]  }
0x2b: {  	s6 =	sld [smem:$0x3FAA]  }
0x2c: {  	s7 =	sld [smem:$0x3FAB]  }
0x2d: {  	s3 =	simm.s32 $0x108;
	s8 =	sld [smem:$0x3FAC]  }
0x2e: {  	s3 =	simm.s32 @!p0 $0x1082;
	s9 =	sld [smem:$0x3FAD]  }
0x2f: {  	lr =	sadd.s32 s0, s3;
	s0 =	sld [smem:$0x3FA4]  }
0x30: {  	s3 =	sld [smem:$0x3FA7]  }
0x31: {  	[smem:$0x3FB0] =	sst s10  }
0x32: {  	s10 =	sld [smem:$0x3FAE];
	_ =	sdelay $0x3  }
0x33: {  	p0 =	seq.s32 s10, $0x1;
	s10 =	sld [smem:$0x3FB0];
	_ =	sdelay $0x3  }
0x34: {  	[smem:$0x3FB0] =	sst s10  }
0x35: {  	s10 =	sld [smem:$0x3FAF];
	_ =	sdelay $0x3  }
0x36: {  	p1 =	seq.s32 s10, $0x1;
	s10 =	sld [smem:$0x3FB0];
	_ =	sdelay $0x3  }
0x37: {  	[smem:$0x3FB0] =	sst s10  }
0x38: {  	s10 =	sld [smem:$0x3FB1]  }
0x39: {  	_ = 	snop;
	(pc) =	sbr.ind lr, $3  }
0x3a: {  	_ = 	snop  }
0x3b: {  	_ = 	snop  }
0x3c: {  	p2 =	seq.s32 s10, $0x1;
	s10 =	sld [smem:$0x3FB0]  }
0x3d: {  	_ =	shalt  }
0x3e: {  	_ =	shalt  }
0x3f: {  	_ =	shalt  }
0x40: {  	_ =	shalt  }
0x41: {  	_ =	shalt  }
0x42: {  	_ =	shalt  }
0x43: {  	_ =	shalt  }
0x44: {  	_ =	shalt  }
0x45: {  	_ =	shalt  }
0x46: {  	_ =	shalt  }
0x47: {  	_ =	shalt  }
0x48: {  	_ =	shalt  }
0x49: {  	_ =	shalt  }
0x4a: {  	_ =	shalt  }
0x4b: {  	_ =	shalt  }
0x4c: {  	_ =	shalt  }
0x4d: {  	_ =	shalt  }
0x4e: {  	_ =	shalt  }
0x4f: {  	_ =	shalt  }
0x50: {  	_ =	shalt  }
0x51: {  	_ =	shalt  }
0x52: {  	_ =	shalt  }
0x53: {  	_ =	shalt  }
0x54: {  	_ =	shalt  }
0x55: {  	_ =	shalt  }
0x56: {  	_ =	shalt  }
0x57: {  	_ =	shalt  }
0x58: {  	_ =	shalt  }
0x59: {  	_ =	shalt  }
0x5a: {  	_ =	shalt  }
0x5b: {  	_ =	shalt  }
0x5c: {  	_ =	shalt  }
0x5d: {  	_ =	shalt  }
0x5e: {  	_ =	shalt  }
0x5f: {  	_ =	shalt  }
0x60: {  	_ =	shalt  }
0x61: {  	_ =	shalt  }
0x62: {  	_ =	shalt  }
0x63: {  	_ =	shalt  }
0x64: {  	_ =	shalt  }
0x65: {  	_ =	shalt  }
0x66: {  	_ =	shalt  }
0x67: {  	_ =	shalt  }
0x68: {  	_ =	shalt  }
0x69: {  	_ =	shalt  }
0x6a: {  	_ =	shalt  }
0x6b: {  	_ =	shalt  }
0x6c: {  	_ =	shalt  }
0x6d: {  	_ =	shalt  }
0x6e: {  	_ =	shalt  }
0x6f: {  	_ =	shalt  }
0x70: {  	_ =	shalt  }
0x71: {  	_ =	shalt  }
0x72: {  	_ =	shalt  }
0x73: {  	_ =	shalt  }
0x74: {  	_ =	shalt  }
0x75: {  	_ =	shalt  }
0x76: {  	_ =	shalt  }
0x77: {  	_ =	shalt  }
0x78: {  	_ =	shalt  }
0x79: {  	_ =	shalt  }
0x7a: {  	_ =	shalt  }
0x7b: {  	_ =	shalt  }
0x7c: {  	_ =	shalt  }
0x7d: {  	_ =	shalt  }
0x7e: {  	_ =	shalt  }
0x7f: {  	_ =	shalt  }
0x80: {  	_ =	shalt  }
0x81: {  	_ =	shalt  }
0x82: {  	_ =	shalt  }
0x83: {  	_ =	shalt  }
0x84: {  	_ =	shalt  }
0x85: {  	_ =	shalt  }
0x86: {  	_ =	shalt  }
0x87: {  	_ =	shalt  }
.Lfunc_end0:
.L_simem_size_0:
called_computation_lowered:
.L_overlay_start_0:
0x88: {  	s2 =	sld [smem:$0x3FD9]  }
0x89: {  	s3 =	sld [smem:$0x3FFE];
	_ =	sdelay $0x1  }
0x8a: {  	s1 =	srdreg.scid  }
0x8b: {  	s0 =	sand.u32 $0x1, s1  }
0x8c: {  	s17 =	sshll.u32 s0, $0xA;
	s2 =	sadd.s32 s3, s2  }
0x8d: {  	s2 =	sadd.s32 s2, s17  }
0x8e: {  	[smem:$0x3FBC] =	sst s2  }
0x8f: {  	_ = 	snop  }
0x90: {  	s2 =	sld [smem:$0x3FC8];
	(tm) =	ssettm $0x1  }
0x91: {  	s18 =	sld [smem:$0x3FFB];
	_ =	sdelay $0x3  }
0x92: {  	_ =	strace s18  }
0x93: {  	s3 =	sld [smem:$0x3FFC];
	_ =	sdelay $0x3  }
0x94: {  	_ =	strace s3  }
0x95: {  	s3 =	sld [smem:$0x3FFD];
	_ =	sdelay $0x3  }
0x96: {  	_ =	strace s3  }
0x97: {  	_ =	strace $0x8FFFFFFF  }
0x98: {  	s19 =	sld [smem:$0x3FDB];
	_ =	sdelay $0x1  }
0x99: {  	s4 =	simm.s32 $_scs_section_size  }
0x9a: {  	s5 =	simm.s32 $_size__tile_overlayer_lowered;
	s6 =	simm.s32 $_tile_overlayer_lowered  }
0x9b: {  	s22 =	simm.s32 $0x1BFF;
	s21 =	sshll.u32 s6, $0x1;
	s3 =	sadd.s32 s4, s19  }
0x9c: {  	s7 =	simm.s32 $0x0;
	s20 =	sshll.u32 s5, $0x1;
	s5 =	sadd.s32 s21, s3  }
0x9d: {  	[timem:s7], [sflag:s22] =	dma.local [hbm:s5], s20  }
0x9e: {  	_ =	swait.ge [sflag:s22], s20  }
0x9f: {  	s4 =	ssub.s32 $0x0, s20;
	[sflag:s22] =	ssyncset.done $0x0  }
0xa0: {  	[sflag:s22] =	ssyncadd.s32 s4;
	_ =	sdelay $0x1  }
0xa1: {  	s23 =	simm.s32 $0x1B8B  }
0xa2: {  	_ =	swait.ge [sflag:s23], $0x1  }
0xa3: {  	[sflag:s23] =	ssyncset.done $0x0  }
0xa4: {  	s25 =	simm.s32 $0x1B8E;
	s24 =	sld [smem:$0x3FFE];
	[sflag:s23] =	ssyncadd.s32 $0xFFFFFFFF  }
0xa5: {  	s26 =	simm.s32 $execute0_lowered;
	[smem:$0x3FD2] =	sst s25  }
0xa6: {  	s5 =	sshll.u32 s26, $0x1;
	_ =	strace $0x80000046;
	[dreg:$0x1] =	wrdreg $0xFFFFFFFF  }
0xa7: {  	s28 =	simm.s32 $_size_execute0_lowered;
	s3 =	sadd.s32 s3, s5;
	[dreg:$0x0] =	wrdreg $0x0  }
0xa8: {  	s5 =	sshll.u32 s28, $0x1;
	[dreg:$0x2] =	wrdreg s3  }
0xa9: {  	[dreg:$0x3] =	wrdreg s5  }
0xaa: {  	[dreg:$0x4] =	wrdreg $0xC0  }
0xab: {  	_ =	task [dreg:s7], $0x5FFFF  }
0xac: {  	[dreg:$0x1] =	wrdreg $0xFFFFFFFF  }
0xad: {  	[dreg:$0x0] =	wrdreg $0x60  }
0xae: {  	[dreg:$0x2] =	wrdreg s2  }
0xaf: {  	[dreg:$0x3] =	wrdreg s24  }
0xb0: {  	[dreg:$0x4] =	wrdreg $0x9  }
0xb1: {  	_ =	task.clear_ibuf [dreg:s7], $0x5FFFF;
	_ =	strace $0x90000046  }
0xb2: {  	s29 =	simm.s32 $0x9;
	_ =	strace $0x80000048  }
0xb3: {  	_ =	swait.ge [sflag:s29], $0x1  }
0xb4: {  	[sflag:s29] =	ssyncadd.s32 $0xFFFFFFFF  }
0xb5: {  	_ =	strace $0x90000048  }
0xb6: {  	_ =	sfence  }
0xb7: {  	s30 =	sld [smem:$0x0];
	_ =	sdelay $0x2  }
0xb8: {  	s31 =	sshll.u32 s1, $0xD;
	s1 =	sshrl.u32 s1, $0x2  }
0xb9: {  	s3 =	sand.u32 $0x4000, s31;
	s1 =	sadd.s32 s1, s30  }
0xba: {  	s0 =	sor.u32 s3, s0;
	s1 =	sshll.u32 s1, $0x11  }
0xbb: {  	s0 =	sor.u32 s1, s0  }
0xbc: {  	s0 =	sadd.s32 $0x8F2B, s0  }
0xbd: {  	[sflag:s0] =	ssyncadd.remote.s32 $0x1  }
0xbe: {  	_ =	sfence.sel $0xFFFF  }
0xbf: {  	[dreg:$0x0] =	wrdreg $0xFFFFFFFF;
	(pc) =	sbr.abs _section_cstart, $3  }
0xc0: {  	[dreg:$0x1] =	wrdreg $0xFFFFFFFF  }
0xc1: {  	_ =	task.clear_ibuf [dreg:s7], $0x2FFFF;
	_ =	strace $0x9FFFFFFF  }
0xc2: {  	(tm) =	ssettm $0x7FFFFFFF  }
0xc3: {  	_ =	shalt  }
tec
execute0_lowered:
.L_overlay_start_1:
0x0: {  	(tag) =	ssettag $0x1  }
0x1: {  	s1 =	srdreg.scid  }
0x2: {  	s6 =	rddreg [dreg:$0x0];
	s0 =	stileid.u32  }
0x3: {  	s7 =	rddreg [dreg:$0x1];
	s2 =	simm.s32 $0x0;
	s12 =	simm.s32 $0xFA30  }
0x4: {  	s13 =	simm.s32 $0x138B0;
	s14 =	simm.s32 $0x17730;
	s15 =	simm.s32 $0x0  }
0x5: {  	s5 =	sand.u32 $0x1, s1;
	s3 =	sshll.u32 s0, $0x6;
	[smem:$0x7FF] =	sst s2  }
0x6: {  	s1 =	rddreg [dreg:$0x2];
	s4 =	sshll.u32 s5, $0x5;
	_ =	strace $0x80000047  }
0x7: {  	s9 =	ssub.s32 $0x2, s5;
	s5 =	sadd.s32 $0x7C6200, s7;
	s3 =	sor.u32 s4, s3  }
0x8: {  	s4 =	sadd.s32 $0x25000, s7;
	s10 =	sshrl.u32 s9, $0x1;
	s8 =	smul.u32 $0x7D, s3  }
0x9: {  	s11 =	sshrl.u32 s3, $0x3;
	s9 =	ssub.s32 s9, s10;
	s10 =	simm.s32 $0x7D30  }
0xa: {  	s6 =	sadd.s32 s6, s11;
	s11 =	simm.s32 $0xBBB0;
	s8 =	sadd.s32 s8, s7  }
0xb: {  	vm0 =	vmmov $0xff;
	s7 =	sadd.s32 $0x5C00, s8;
	s8 =	smax.u32 s9, $0x1;
	s9 =	simm.s32 $0x1  }
.LBB2_1:
0xc: {  	[tilespmem:s2], [sflag:$0x1] =	stream.linear.gather [hbm4b:s6+s2], $0x20, $0x38;
	[tilespmem:$0x17B30] =	vst v63  }
0xd: {  	_ =	swait.ge [sflag:s9], $0x20  }
0xe: {  	[sflag:s9] =	ssyncset.done $0x0  }
0xf: {  	s16 =	simm.s32 $0x30;
	[sflag:s9] =	ssyncadd.s32 $0xFFFFFFE0  }
0x10: {  	[tilespmem:s16], [sflag:$0x1] =	stream.linear.gather [hbm4b:s7+s2], $0x7D00, $0x38;
	[tilespmem:$0x17B30] =	vst v63  }
0x11: {  	_ =	swait.ge [sflag:s9], $0x7D00  }
0x12: {  	[sflag:s9] =	ssyncset.done $0x0  }
0x13: {  	s17 =	simm.s32 $0x40;
	s18 =	simm.s32 $0x0;
	[sflag:s9] =	ssyncadd.s32 $0xFFFF8300  }
.LBB2_2:
0x14: {  	v0 =	vld [tilespmem:s18+$0x0];
	_ =	sdelay $0x4  }
0x15: {  	(v2sf) =	vpush v0, $0x0;
	_ =	sdelay $0xe  }
0x16: {  	s19 =	spop (v2sf)  }
0x17: {  	s20 =	smul.u32 $0xFA00, s19;
	_ =	sdelay $0x1  }
0x18: {  	s19 =	sshrl.u32 s20, $0x3  }
0x19: {  	s19 =	sadd.s32 s4, s19  }
0x1a: {  	[tilespmem:s10], [sflag:$0x1] =	stream.linear.gather [hbm4b:s19+s2], $0x3E80, $0x38;
	[tilespmem:$0x17B30] =	vst v63  }
0x1b: {  	_ =	swait.ge [sflag:s9], $0x3E80  }
0x1c: {  	[sflag:s9] =	ssyncset.done $0x0  }
0x1d: {  	[sflag:s9] =	ssyncadd.s32 $0xFFFFC180  }
0x1e: {  	s21 =	simm.s32 $0x9C70;
	v0 =	vld [tilespmem:s17+$0x0]  }
0x1f: {  	v1 =	vld [tilespmem:s21+$0xFFFFE0D0]  }
0x20: {  	v3 =	vld [tilespmem:s21+$0xFFFFE4B8]  }
0x21: {  	v4 =	vld [tilespmem:s21+$0xFFFFE8A0]  }
0x22: {  	v5 =	vld [tilespmem:s21+$0xFFFFEC88]  }
0x23: {  	v6 =	vld [tilespmem:s21+$0xFFFFF070]  }
0x24: {  	v7 =	vld [tilespmem:s21+$0xFFFFF458]  }
0x25: {  	v8 =	vld [tilespmem:s21+$0xFFFFF840]  }
0x26: {  	v10 =	vld [tilespmem:s21+$0x10]  }
0x27: {  	v11 =	vld [tilespmem:s21+$0x3F8]  }
0x28: {  	v12 =	vld [tilespmem:s21+$0x7E0]  }
0x29: {  	v13 =	vld [tilespmem:s21+$0xBC8]  }
0x2a: {  	v14 =	vld [tilespmem:s21+$0xFB0]  }
0x2b: {  	v2 =	vld [tilespmem:s17+$0xFFFFFFF0]  }
0x2c: {  	v15 =	vld [tilespmem:s21+$0xFFFFE0C0]  }
0x2d: {  	v21 =	vld [tilespmem:s21+$0xFFFFE4A8]  }
0x2e: {  	v22 =	vld [tilespmem:s21+$0xFFFFE890];
	v16 =	vmul.f32 v1, v0  }
0x2f: {  	v27 =	vld [tilespmem:s21+$0x3E8];
	v3 =	vmul.f32 v3, v0;
	v23 =	vmul.f32 v7, v0  }
0x30: {  	v7 =	vld [tilespmem:s21+$0xFFFFEC78];
	v24 =	vmul.f32 v8, v0;
	v20 =	vmul.f32 v10, v0  }
0x31: {  	v8 =	vld [tilespmem:s21+$0xFFFFF060];
	v19 =	vmul.f32 v11, v0;
	v18 =	vmul.f32 v12, v0  }
0x32: {  	v10 =	vld [tilespmem:s21+$0xFFFFF448];
	v17 =	vmul.f32 v13, v0;
	v13 =	vmul.f32 v15, v2  }
0x33: {  	v11 =	vld [tilespmem:s21+$0xFFFFF830];
	v1 =	vmul.f32 v14, v0;
	v14 =	vmul.f32 v21, v2;
	v12 =	vimm.f32 $0.0e+00  }
0x34: {  	v4 =	vmul.f32 v4, v0;
	v15 =	vld [tilespmem:s21+$0xFFFFFC18];
	v29 =	vmul.f32 v27, v2;
	v13 =	vadd.f32 v13, v12  }
0x35: {  	v9 =	vld [tilespmem:s21+$0xFFFFFC28];
	v5 =	vmul.f32 v5, v0;
	v22 =	vmul.f32 v22, v2;
	v14 =	vadd.f32 v14, v12  }
0x36: {  	v25 =	vld [tilespmem:s21+$0x0];
	v29 =	vadd.f32 v29, v12;
	v13 =	vadd.f32 v16, v13;
	v7 =	vmul.f32 v7, v2  }
0x37: {  	v21 =	vld [tilespmem:s21+$0x1398];
	v26 =	vmul.f32 v8, v2;
	v8 =	vadd.f32 v22, v12;
	v22 =	vmul.f32 v10, v2  }
0x38: {  	v28 =	vld [tilespmem:s21+$0x7D0];
	v11 =	vmul.f32 v11, v2;
	v10 =	vadd.f32 v3, v14;
	v7 =	vadd.f32 v7, v12  }
0x39: {  	v14 =	vld [tilespmem:s21+$0xBB8];
	v3 =	vmul.f32 v15, v2;
	v8 =	vadd.f32 v4, v8;
	v4 =	vadd.f32 v26, v12  }
0x3a: {  	v6 =	vmul.f32 v6, v0;
	v15 =	vld [tilespmem:s21+$0xFA0];
	v16 =	vadd.f32 v22, v12;
	v22 =	vadd.f32 v11, v12  }
0x3b: {  	v9 =	vmul.f32 v9, v0;
	v3 =	vadd.f32 v3, v12;
	v5 =	vadd.f32 v5, v7  }
0x3c: {  	v7 =	vmul.f32 v21, v0;
	v21 =	vmul.f32 v25, v2;
	v25 =	vld [tilespmem:s21+$0x1388];
	v11 =	vadd.f32 v6, v4  }
0x3d: {  	v27 =	vld [tilespmem:s21+$0x1770];
	v28 =	vmul.f32 v28, v2;
	v6 =	vadd.f32 v23, v16;
	v4 =	vadd.f32 v24, v22  }
0x3e: {  	s31 =	smul.u32 $0xFA0, s18;
	v26 =	vld [tilespmem:s21+$0x1B58];
	v3 =	vadd.f32 v9, v3;
	v16 =	vimm.f32 $0.0e+00;
	v9 =	vimm.f32 $0.0e+00  }
0x3f: {  	v23 =	vld [tilespmem:s21+$0x1780];
	v30 =	vmul.f32 v14, v2;
	v24 =	vmul.f32 v15, v2;
	v15 =	vimm.f32 $0.0e+00  }
0x40: {  	s22 =	simm.s32 $0x0;
	s23 =	sadd.s32 $0x20, s17;
	s19 =	sshra.s32 s31, $0x2;
	v22 =	vld [tilespmem:s21+$0x1B68];
	v14 =	vimm.f32 $0.0e+00;
	v31 =	vadd.f32 v21, v12;
	v21 =	vimm.f32 $0.0e+00  }
.LBB2_3:
0x41: {  	v32 =	vld [tilespmem:s23+$0x0];
	v12 =	vadd.f32 v28, v12;
	v21 =	vadd.f32 v30, v21;
	v25 =	vmul.f32 v25, v2;
	s21 =	sadd.s32 $0x20, s21  }
0x42: {  	v28 =	vld [tilespmem:s21+$0xFFFFE0D0];
	v27 =	vmul.f32 v27, v2;
	v31 =	vadd.f32 v20, v31;
	v29 =	vadd.f32 v19, v29  }
0x43: {  	v19 =	vld [tilespmem:s21+$0xFFFFE4B8];
	v2 =	vmul.f32 v26, v2;
	v12 =	vadd.f32 v18, v12;
	v21 =	vadd.f32 v17, v21  }
0x44: {  	v15 =	vadd.f32 v24, v15;
	v16 =	vadd.f32 v25, v16;
	v17 =	vld [tilespmem:s21+$0xFFFFE8A0];
	v18 =	vmul.f32 v23, v0  }
0x45: {  	v14 =	vadd.f32 v27, v14;
	v20 =	vld [tilespmem:s21+$0xFFFFEC88];
	v2 =	vadd.f32 v2, v9;
	v9 =	vmul.f32 v22, v0  }
0x46: {  	v15 =	vadd.f32 v1, v15;
	v16 =	vadd.f32 v7, v16;
	v22 =	vld [tilespmem:s21+$0xFFFFF070];
	v0 =	vmov v32  }
0x47: {  	v14 =	vadd.f32 v18, v14;
	v1 =	vld [tilespmem:s21+$0xFFFFF458];
	v9 =	vadd.f32 v9, v2  }
0x48: {  	v7 =	vld [tilespmem:s21+$0xFFFFF840]  }
0x49: {  	v18 =	vld [tilespmem:s21+$0xFFFFFC28]  }
0x4a: {  	v23 =	vld [tilespmem:s21+$0x10]  }
0x4b: {  	v24 =	vld [tilespmem:s21+$0x3F8]  }
0x4c: {  	v25 =	vld [tilespmem:s21+$0x7E0]  }
0x4d: {  	v26 =	vld [tilespmem:s21+$0xBC8]  }
0x4e: {  	v27 =	vld [tilespmem:s21+$0xFB0]  }
0x4f: {  	v30 =	vld [tilespmem:s21+$0x1398]  }
0x50: {  	v2 =	vld [tilespmem:s23+$0xFFFFFFF0]  }
0x51: {  	v28 =	vmul.f32 v28, v0;
	v33 =	vmul.f32 v19, v0;
	v32 =	vld [tilespmem:s21+$0xFFFFE0C0]  }
0x52: {  	v35 =	vmul.f32 v17, v0;
	v36 =	vmul.f32 v20, v0;
	v34 =	vld [tilespmem:s21+$0xFFFFE4A8]  }
0x53: {  	v22 =	vmul.f32 v22, v0;
	v38 =	vmul.f32 v1, v0;
	v37 =	vld [tilespmem:s21+$0xFFFFE890]  }
0x54: {  	v40 =	vmul.f32 v7, v0;
	v41 =	vmul.f32 v18, v0;
	v39 =	vld [tilespmem:s21+$0xFFFFEC78]  }
0x55: {  	v20 =	vmul.f32 v23, v0;
	v19 =	vmul.f32 v24, v0;
	v42 =	vld [tilespmem:s21+$0xFFFFF060]  }
0x56: {  	v18 =	vmul.f32 v25, v0;
	v17 =	vmul.f32 v26, v0;
	v23 =	vld [tilespmem:s21+$0xFFFFF448]  }
0x57: {  	v1 =	vmul.f32 v27, v0;
	v7 =	vmul.f32 v30, v0;
	v24 =	vld [tilespmem:s21+$0xFFFFF830]  }
0x58: {  	v25 =	vmul.f32 v32, v2;
	v26 =	vmul.f32 v34, v2;
	v27 =	vld [tilespmem:s21+$0xFFFFFC18]  }
0x59: {  	v30 =	vmul.f32 v37, v2;
	v32 =	vmul.f32 v39, v2;
	v34 =	vld [tilespmem:s21+$0x0]  }
0x5a: {  	v13 =	vadd.f32 v25, v13;
	v10 =	vadd.f32 v26, v10;
	v25 =	vmul.f32 v42, v2;
	v26 =	vld [tilespmem:s21+$0x3E8]  }
0x5b: {  	v8 =	vadd.f32 v30, v8;
	v5 =	vadd.f32 v32, v5;
	v23 =	vmul.f32 v23, v2;
	v30 =	vld [tilespmem:s21+$0x7D0]  }
0x5c: {  	s22 =	sadd.s32 $0x2, s22;
	v13 =	vadd.f32 v28, v13;
	v10 =	vadd.f32 v33, v10;
	v24 =	vmul.f32 v24, v2;
	v32 =	vld [tilespmem:s21+$0xBB8]  }
0x5d: {  	p0 =	slt.u32 s22, $0x3C;
	v8 =	vadd.f32 v35, v8;
	v27 =	vmul.f32 v27, v2;
	v33 =	vld [tilespmem:s21+$0xFA0];
	v5 =	vadd.f32 v36, v5  }
.Ltmp0:
0x5e: {  	v11 =	vadd.f32 v25, v11;
	v6 =	vadd.f32 v23, v6;
	v34 =	vmul.f32 v34, v2;
	v25 =	vld [tilespmem:s21+$0x1388];
	(pc) =	sbr.rel @p0 .LBB2_3-.Ltmp0, $4  }
0x5f: {  	v4 =	vadd.f32 v24, v4;
	v3 =	vadd.f32 v27, v3;
	v24 =	vmul.f32 v26, v2;
	v27 =	vld [tilespmem:s21+$0x1770]  }
0x60: {  	v11 =	vadd.f32 v22, v11;
	v6 =	vadd.f32 v38, v6;
	v28 =	vmul.f32 v30, v2;
	v26 =	vld [tilespmem:s21+$0x1B58]  }
0x61: {  	v4 =	vadd.f32 v40, v4;
	v30 =	vmul.f32 v32, v2;
	v3 =	vadd.f32 v41, v3;
	v23 =	vld [tilespmem:s21+$0x1780]  }
0x62: {  	s23 =	sadd.s32 $0x20, s23;
	v31 =	vadd.f32 v34, v31;
	v29 =	vadd.f32 v24, v29;
	v24 =	vmul.f32 v33, v2;
	v22 =	vld [tilespmem:s21+$0x1B68]  }
0x63: {  	v32 =	vld [tilespmem:s19+$0x408]  }
0x64: {  	v33 =	vld [tilespmem:$0x8108]  }
0x65: {  	v34 =	vld [tilespmem:$0x84F0]  }
0x66: {  	v35 =	vld [tilespmem:$0x88D8]  }
0x67: {  	v36 =	vld [tilespmem:$0x8CC0]  }
0x68: {  	v12 =	vadd.f32 v28, v12  }
0x69: {  	v60 =	vld [tilespmem:$0x90A8];
	v21 =	vadd.f32 v30, v21;
	v25 =	vmul.f32 v25, v2;
	v28 =	vsel vm0, $0x0, v32  }
0x6a: {  	v20 =	vadd.f32 v20, v31;
	v31 =	vld [tilespmem:$0x9490];
	v27 =	vmul.f32 v27, v2;
	v30 =	vmul.f32 v28, v33  }
0x6b: {  	v61 =	vld [tilespmem:$0x9878];
	v19 =	vadd.f32 v19, v29;
	v2 =	vmul.f32 v26, v2;
	v29 =	vmul.f32 v34, v28  }
0x6c: {  	v62 =	vld [tilespmem:$0x9C60];
	v26 =	vmul.f32 v36, v28;
	v13 =	vadd.f32 v30, v13;
	v30 =	vmul.f32 v35, v28  }
0x6d: {  	v12 =	vadd.f32 v18, v12;
	v10 =	vadd.f32 v29, v10;
	v29 =	vld [tilespmem:$0xA048]  }
0x6e: {  	v18 =	vmul.f32 v60, v28;
	v5 =	vadd.f32 v26, v5;
	v8 =	vadd.f32 v30, v8;
	v30 =	vld [tilespmem:$0xA430];
	[tilespmem:$0x17730] =	vst v13  }
0x6f: {  	v13 =	vadd.f32 v17, v21;
	v17 =	vmul.f32 v31, v28;
	v21 =	vld [tilespmem:$0xA818];
	[tilespmem:$0x17740] =	vst v10  }
0x70: {  	v11 =	vadd.f32 v18, v11;
	v18 =	vld [tilespmem:$0xAC00];
	v10 =	vadd.f32 v24, v15;
	v15 =	vmul.f32 v61, v28;
	[tilespmem:$0x17760] =	vst v5  }
0x71: {  	[tilespmem:$0x17750] =	vst v8;
	v8 =	vadd.f32 v25, v16;
	v6 =	vadd.f32 v17, v6;
	v16 =	vmul.f32 v62, v28;
	v17 =	vld [tilespmem:$0xAFE8]  }
0x72: {  	v5 =	vmul.f32 v23, v0;
	v23 =	vld [tilespmem:$0xB3D0];
	[tilespmem:$0x17770] =	vst v11;
	v4 =	vadd.f32 v15, v4;
	v15 =	vmul.f32 v29, v28  }
0x73: {  	v11 =	vadd.f32 v27, v14;
	v3 =	vadd.f32 v16, v3;
	v16 =	vld [tilespmem:$0xB7B8];
	[tilespmem:$0x17780] =	vst v6;
	v14 =	vmul.f32 v30, v28  }
0x74: {  	v2 =	vadd.f32 v2, v9;
	[tilespmem:$0x17790] =	vst v4;
	v6 =	vadd.f32 v15, v20;
	v9 =	vmul.f32 v21, v28;
	v15 =	vld [tilespmem:$0xBBA0]  }
0x75: {  	v0 =	vmul.f32 v22, v0;
	[tilespmem:$0x177A0] =	vst v3;
	v4 =	vadd.f32 v14, v19;
	v14 =	vmul.f32 v18, v28  }
0x76: {  	v1 =	vadd.f32 v1, v10;
	v3 =	vadd.f32 v9, v12;
	v9 =	vmul.f32 v17, v28;
	[tilespmem:$0x177B0] =	vst v6  }
0x77: {  	v6 =	vadd.f32 v7, v8;
	v8 =	vmul.f32 v23, v28;
	v7 =	vadd.f32 v14, v13;
	[tilespmem:$0x177C0] =	vst v4  }
0x78: {  	v4 =	vadd.f32 v5, v11;
	v1 =	vadd.f32 v9, v1;
	v5 =	vmul.f32 v16, v28;
	[tilespmem:$0x177D0] =	vst v3  }
0x79: {  	v0 =	vadd.f32 v0, v2;
	v2 =	vadd.f32 v8, v6;
	v3 =	vmul.f32 v15, v28;
	[tilespmem:$0x177E0] =	vst v7  }
0x7a: {  	v4 =	vadd.f32 v5, v4;
	[tilespmem:$0x177F0] =	vst v1  }
0x7b: {  	s21 =	sadd.s32 $0x3E80, s20;
	[tilespmem:$0x17800] =	vst v2;
	v0 =	vadd.f32 v3, v0  }
0x7c: {  	s21 =	sshrl.u32 s21, $0x3;
	[tilespmem:$0x17810] =	vst v4  }
0x7d: {  	s22 =	simm.s32 $0x0;
	s21 =	sadd.s32 s4, s21;
	[tilespmem:$0x17820] =	vst v0  }
0x7e: {  	[tilespmem:s11], [sflag:$0x1] =	stream.linear.gather [hbm4b:s21+s22], $0x3E80, $0x38;
	[tilespmem:$0x17B30] =	vst v63  }
0x7f: {  	_ =	swait.ge [sflag:s9], $0x3E80  }
0x80: {  	[sflag:s9] =	ssyncset.done $0x0  }
0x81: {  	s21 =	simm.s32 $0x0;
	[sflag:s9] =	ssyncadd.s32 $0xFFFFC180  }
0x82: {  	v2 =	vld [tilespmem:s21+$0xBBC0]  }
0x83: {  	v3 =	vld [tilespmem:s21+$0xBFA8]  }
0x84: {  	v4 =	vld [tilespmem:s21+$0xC390]  }
0x85: {  	v5 =	vld [tilespmem:s21+$0xC778]  }
0x86: {  	v6 =	vld [tilespmem:s21+$0xCB60]  }
0x87: {  	v1 =	vmov s17;
	v7 =	vld [tilespmem:s21+$0xCF48]  }
0x88: {  	v9 =	vld [tilespmem:s21+$0xD330]  }
0x89: {  	v10 =	vld [tilespmem:s21+$0xD718]  }
0x8a: {  	v11 =	vld [tilespmem:s21+$0xDB00]  }
0x8b: {  	v12 =	vld [tilespmem:s21+$0xDEE8]  }
0x8c: {  	v0 =	vld.idx.msk [tilespmem:v1+s21+$0x0 ss:$0x1], $0xffff  }
0x8d: {  	v13 =	vld [tilespmem:s21+$0xE2D0]  }
0x8e: {  	v14 =	vld [tilespmem:s21+$0xE6B8]  }
0x8f: {  	v15 =	vld [tilespmem:s21+$0xEAA0]  }
0x90: {  	v16 =	vld [tilespmem:s21+$0xEE88]  }
0x91: {  	v17 =	vld [tilespmem:s21+$0xBBB0]  }
0x92: {  	v22 =	vld [tilespmem:s21+$0xBF98]  }
0x93: {  	v8 =	vld.idx.msk [tilespmem:v1+s21+$0xFFFFFFF0 ss:$0x1], $0xffff;
	v23 =	vmul.f32 v2, v0  }
0x94: {  	v26 =	vld [tilespmem:s21+$0xDAF0];
	v24 =	vmul.f32 v3, v0;
	v4 =	vmul.f32 v4, v0  }
0x95: {  	v63 =	vld [tilespmem:s21+$0xE6A8];
	v5 =	vmul.f32 v5, v0;
	v6 =	vmul.f32 v6, v0  }
0x96: {  	v3 =	vld [tilespmem:s21+$0xC380];
	v25 =	vmul.f32 v7, v0;
	v28 =	vmul.f32 v10, v0  }
0x97: {  	v7 =	vld [tilespmem:s21+$0xC768];
	v21 =	vmul.f32 v11, v0;
	v19 =	vmul.f32 v13, v0  }
0x98: {  	v11 =	vld [tilespmem:s21+$0xCF38];
	v18 =	vmul.f32 v14, v0;
	v13 =	vmul.f32 v17, v8  }
0x99: {  	v10 =	vld [tilespmem:s21+$0xCB50];
	v2 =	vmul.f32 v15, v0;
	v15 =	vimm.f32 $0.0e+00;
	v14 =	vmul.f32 v22, v8  }
0x9a: {  	v9 =	vmul.f32 v9, v0;
	v20 =	vmul.f32 v12, v0;
	v12 =	vld [tilespmem:s21+$0xD320];
	v13 =	vadd.f32 v13, v15  }
0x9b: {  	v17 =	vld [tilespmem:s21+$0xD708];
	v30 =	vmul.f32 v26, v8;
	v33 =	vmul.f32 v63, v8;
	v27 =	vadd.f32 v14, v15  }
0x9c: {  	v14 =	vadd.f32 v23, v13;
	v22 =	vmul.f32 v3, v8;
	v7 =	vmul.f32 v7, v8  }
0x9d: {  	v23 =	vimm.f32 $0.0e+00;
	v3 =	vmul.f32 v16, v0;
	v16 =	vld [tilespmem:s21+$0xDED8];
	v11 =	vmul.f32 v11, v8  }
0x9e: {  	v29 =	vmul.f32 v10, v8;
	v10 =	vadd.f32 v22, v15;
	v7 =	vadd.f32 v7, v15  }
0x9f: {  	v13 =	vmul.f32 v12, v8;
	v12 =	vadd.f32 v24, v27;
	v11 =	vadd.f32 v11, v15  }
0xa0: {  	v22 =	vld [tilespmem:s21+$0xE2C0];
	v10 =	vadd.f32 v4, v10;
	v4 =	vmul.f32 v17, v8;
	v7 =	vadd.f32 v5, v7  }
0xa1: {  	v26 =	vld [tilespmem:s21+$0xEA90];
	v24 =	vimm.f32 $0.0e+00;
	v5 =	vadd.f32 v29, v15;
	v17 =	vadd.f32 v13, v15  }
0xa2: {  	v27 =	vld [tilespmem:s21+$0xEE78];
	v11 =	vadd.f32 v25, v11;
	v32 =	vmul.f32 v16, v8;
	v4 =	vadd.f32 v4, v15  }
0xa3: {  	v29 =	vld [tilespmem:s21+$0xF260];
	v16 =	vimm.f32 $0.0e+00;
	v13 =	vadd.f32 v6, v5;
	v6 =	vadd.f32 v9, v17  }
0xa4: {  	v17 =	vimm.f32 $0.0e+00;
	v9 =	vimm.f32 $0.0e+00;
	v4 =	vadd.f32 v28, v4;
	v28 =	vld [tilespmem:s21+$0xF648]  }
0xa5: {  	s23 =	simm.s32 $0x80;
	s22 =	simm.s32 $0x0;
	v25 =	vld [tilespmem:s21+$0xF270];
	v5 =	vimm.f32 $0.0e+00;
	v31 =	vmul.f32 v22, v8;
	v22 =	vimm.f32 $0.0e+00  }
.LBB2_5:
0xa6: {  	v15 =	vadd.f32 v30, v15;
	v24 =	vadd.f32 v32, v24;
	v26 =	vmul.f32 v26, v8;
	v30 =	vld [tilespmem:s21+$0xF658];
	s21 =	sshra.s32 s23, $0x2  }
0xa7: {  	v22 =	vadd.f32 v31, v22;
	v32 =	vld [tilespmem:s21+$0xBBC0];
	v23 =	vadd.f32 v33, v23;
	v27 =	vmul.f32 v27, v8  }
0xa8: {  	v31 =	vld [tilespmem:s21+$0xBFA8];
	v29 =	vmul.f32 v29, v8;
	v15 =	vadd.f32 v21, v15;
	v24 =	vadd.f32 v20, v24  }
0xa9: {  	v22 =	vadd.f32 v19, v22;
	v20 =	vld [tilespmem:s21+$0xC390];
	v8 =	vmul.f32 v28, v8;
	v23 =	vadd.f32 v18, v23  }
0xaa: {  	v17 =	vadd.f32 v26, v17;
	v16 =	vadd.f32 v27, v16;
	v18 =	vld [tilespmem:s21+$0xC778];
	v19 =	vmul.f32 v25, v0  }
0xab: {  	v9 =	vadd.f32 v29, v9;
	v21 =	vld [tilespmem:s21+$0xCB60];
	v5 =	vadd.f32 v8, v5;
	v0 =	vmul.f32 v30, v0  }
0xac: {  	v17 =	vadd.f32 v2, v17;
	v16 =	vadd.f32 v3, v16;
	v25 =	vld [tilespmem:s21+$0xCF48]  }
0xad: {  	v9 =	vadd.f32 v19, v9;
	v2 =	vld [tilespmem:s21+$0xD330];
	v5 =	vadd.f32 v0, v5  }
0xae: {  	v3 =	vld [tilespmem:s21+$0xD718]  }
0xaf: {  	v19 =	vld [tilespmem:s21+$0xDB00]  }
0xb0: {  	v26 =	vld [tilespmem:s21+$0xDEE8]  }
0xb1: {  	v0 =	vld.idx.msk [tilespmem:v1+s21+$0x0 ss:$0x1], $0xffff  }
0xb2: {  	v27 =	vld [tilespmem:s21+$0xE2D0]  }
0xb3: {  	v28 =	vld [tilespmem:s21+$0xE6B8]  }
0xb4: {  	v29 =	vld [tilespmem:s21+$0xEAA0]  }
0xb5: {  	v30 =	vld [tilespmem:s21+$0xEE88]  }
0xb6: {  	v33 =	vld [tilespmem:s21+$0xBBB0]  }
0xb7: {  	v32 =	vmul.f32 v32, v0;
	v31 =	vmul.f32 v31, v0;
	v34 =	vld [tilespmem:s21+$0xBF98]  }
0xb8: {  	v35 =	vmul.f32 v20, v0;
	v36 =	vmul.f32 v18, v0;
	v8 =	vld.idx.msk [tilespmem:v1+s21+$0xFFFFFFF0 ss:$0x1], $0xffff  }
0xb9: {  	v38 =	vmul.f32 v21, v0;
	v25 =	vmul.f32 v25, v0;
	v37 =	vld [tilespmem:s21+$0xC380]  }
0xba: {  	v40 =	vmul.f32 v2, v0;
	v41 =	vmul.f32 v3, v0;
	v39 =	vld [tilespmem:s21+$0xC768]  }
0xbb: {  	v21 =	vmul.f32 v19, v0;
	v20 =	vmul.f32 v26, v0;
	v42 =	vld [tilespmem:s21+$0xCB50]  }
0xbc: {  	v19 =	vmul.f32 v27, v0;
	v18 =	vmul.f32 v28, v0;
	v26 =	vld [tilespmem:s21+$0xCF38]  }
0xbd: {  	v2 =	vmul.f32 v29, v0;
	v3 =	vmul.f32 v30, v0;
	v27 =	vld [tilespmem:s21+$0xD320]  }
0xbe: {  	v28 =	vmul.f32 v33, v8;
	v29 =	vmul.f32 v34, v8;
	v30 =	vld [tilespmem:s21+$0xD708]  }
0xbf: {  	v33 =	vmul.f32 v37, v8;
	v34 =	vmul.f32 v39, v8;
	v37 =	vld [tilespmem:s21+$0xDAF0]  }
0xc0: {  	v14 =	vadd.f32 v28, v14;
	v12 =	vadd.f32 v29, v12;
	v28 =	vmul.f32 v42, v8;
	v29 =	vld [tilespmem:s21+$0xDED8]  }
0xc1: {  	s22 =	sadd.s32 $0x2, s22;
	v10 =	vadd.f32 v33, v10;
	v7 =	vadd.f32 v34, v7;
	v33 =	vmul.f32 v26, v8;
	v34 =	vld [tilespmem:s21+$0xE2C0]  }
0xc2: {  	p0 =	slt.u32 s22, $0x3C;
	v14 =	vadd.f32 v32, v14;
	v12 =	vadd.f32 v31, v12;
	v39 =	vmul.f32 v27, v8;
	v42 =	vld [tilespmem:s21+$0xE6A8]  }
.Ltmp1:
0xc3: {  	v10 =	vadd.f32 v35, v10;
	v31 =	vmul.f32 v30, v8;
	v26 =	vld [tilespmem:s21+$0xEA90];
	v7 =	vadd.f32 v36, v7;
	(pc) =	sbr.rel @p0 .LBB2_5-.Ltmp1, $4  }
0xc4: {  	v13 =	vadd.f32 v28, v13;
	v11 =	vadd.f32 v33, v11;
	v30 =	vmul.f32 v37, v8;
	v27 =	vld [tilespmem:s21+$0xEE78]  }
0xc5: {  	v6 =	vadd.f32 v39, v6;
	v4 =	vadd.f32 v31, v4;
	v32 =	vmul.f32 v29, v8;
	v29 =	vld [tilespmem:s21+$0xF260]  }
0xc6: {  	v13 =	vadd.f32 v38, v13;
	v11 =	vadd.f32 v25, v11;
	v31 =	vmul.f32 v34, v8;
	v28 =	vld [tilespmem:s21+$0xF648]  }
0xc7: {  	s23 =	sadd.s32 $0x80, s23;
	v6 =	vadd.f32 v40, v6;
	v33 =	vmul.f32 v42, v8;
	v4 =	vadd.f32 v41, v4;
	v25 =	vld [tilespmem:s21+$0xF270]  }
0xc8: {  	v34 =	vld [tilespmem:s19+$0x408]  }
0xc9: {  	v35 =	vld [tilespmem:$0xBF88]  }
0xca: {  	v36 =	vld [tilespmem:$0xC370]  }
0xcb: {  	v37 =	vld [tilespmem:$0xC758]  }
0xcc: {  	v15 =	vadd.f32 v30, v15;
	v24 =	vadd.f32 v32, v24;
	v30 =	vld [tilespmem:$0xCB40]  }
0xcd: {  	v22 =	vadd.f32 v31, v22;
	v59 =	vld [tilespmem:$0xCF28];
	v26 =	vmul.f32 v26, v8;
	v31 =	vsel vm0, $0x0, v34  }
0xce: {  	v60 =	vld [tilespmem:$0xD310];
	v23 =	vadd.f32 v33, v23;
	v15 =	vadd.f32 v21, v15;
	v21 =	vmul.f32 v31, v35  }
0xcf: {  	v61 =	vld [tilespmem:$0xD6F8];
	v27 =	vmul.f32 v27, v8;
	v20 =	vadd.f32 v20, v24;
	v24 =	vmul.f32 v36, v31  }
0xd0: {  	v62 =	vld [tilespmem:$0xDAE0];
	v29 =	vmul.f32 v29, v8;
	v14 =	vadd.f32 v21, v14;
	v21 =	vmul.f32 v37, v31  }
0xd1: {  	v8 =	vmul.f32 v28, v8;
	v28 =	vld [tilespmem:$0xDEC8];
	v12 =	vadd.f32 v24, v12;
	v24 =	vmul.f32 v30, v31  }
0xd2: {  	v1 =	vld [tilespmem:s21+$0xF658];
	v19 =	vadd.f32 v19, v22;
	v10 =	vadd.f32 v21, v10;
	v21 =	vmul.f32 v59, v31  }
0xd3: {  	v22 =	vld [tilespmem:$0xE2B0];
	[tilespmem:$0x17830] =	vst v14;
	v14 =	vadd.f32 v18, v23;
	v7 =	vadd.f32 v24, v7;
	v18 =	vmul.f32 v60, v31  }
0xd4: {  	v23 =	vld [tilespmem:$0xE698];
	[tilespmem:$0x17840] =	vst v12;
	v12 =	vadd.f32 v26, v17;
	v17 =	vmul.f32 v61, v31;
	v13 =	vadd.f32 v21, v13  }
0xd5: {  	v24 =	vld [tilespmem:$0xF250];
	[tilespmem:$0x17850] =	vst v10;
	v10 =	vadd.f32 v27, v16;
	v11 =	vadd.f32 v18, v11  }
0xd6: {  	v21 =	vld [tilespmem:$0xEA80];
	v16 =	vmul.f32 v62, v31;
	[tilespmem:$0x17860] =	vst v7;
	v6 =	vadd.f32 v17, v6;
	v17 =	vmul.f32 v28, v31  }
0xd7: {  	v5 =	vadd.f32 v8, v5;
	v18 =	vld [tilespmem:$0xEE68];
	v7 =	vmul.f32 v25, v0;
	[tilespmem:$0x17870] =	vst v13  }
0xd8: {  	v4 =	vadd.f32 v16, v4;
	v13 =	vmul.f32 v22, v31;
	v16 =	vld [tilespmem:$0xF638];
	[tilespmem:$0x17880] =	vst v11;
	v8 =	vadd.f32 v17, v15  }
0xd9: {  	v0 =	vmul.f32 v1, v0;
	v15 =	vld [tilespmem:$0xFA20];
	[tilespmem:$0x17890] =	vst v6;
	v11 =	vmul.f32 v23, v31  }
0xda: {  	v3 =	vadd.f32 v3, v10;
	v1 =	vadd.f32 v13, v20;
	[tilespmem:$0x178B0] =	vst v8;
	v8 =	vmul.f32 v24, v31  }
0xdb: {  	v9 =	vadd.f32 v29, v9;
	[tilespmem:$0x178A0] =	vst v4;
	v6 =	vmul.f32 v21, v31;
	v4 =	vadd.f32 v11, v19  }
0xdc: {  	v2 =	vadd.f32 v2, v12;
	v11 =	vmul.f32 v18, v31;
	[tilespmem:$0x178C0] =	vst v1;
	v3 =	vadd.f32 v8, v3  }
0xdd: {  	v1 =	vadd.f32 v7, v9;
	v6 =	vadd.f32 v6, v14;
	v7 =	vmul.f32 v16, v31;
	[tilespmem:$0x178D0] =	vst v4  }
0xde: {  	v0 =	vadd.f32 v0, v5;
	v2 =	vadd.f32 v11, v2;
	v4 =	vmul.f32 v15, v31;
	[tilespmem:$0x17900] =	vst v3  }
0xdf: {  	[tilespmem:$0x178E0] =	vst v6;
	v1 =	vadd.f32 v7, v1  }
0xe0: {  	s31 =	sadd.s32 $0x7D00, s20;
	[tilespmem:$0x178F0] =	vst v2;
	v0 =	vadd.f32 v4, v0  }
0xe1: {  	s21 =	sshrl.u32 s31, $0x3;
	[tilespmem:$0x17910] =	vst v1  }
0xe2: {  	s22 =	simm.s32 $0x0;
	s21 =	sadd.s32 s4, s21;
	[tilespmem:$0x17920] =	vst v0  }
0xe3: {  	[tilespmem:s12], [sflag:$0x1] =	stream.linear.gather [hbm4b:s21+s22], $0x3E80, $0x38;
	[tilespmem:$0x17B30] =	vst v63  }
0xe4: {  	_ =	swait.ge [sflag:s9], $0x3E80  }
0xe5: {  	[sflag:s9] =	ssyncset.done $0x0  }
0xe6: {  	s21 =	simm.s32 $0x0;
	[sflag:s9] =	ssyncadd.s32 $0xFFFFC180  }
0xe7: {  	v2 =	vld [tilespmem:s21+$0xFA40]  }
0xe8: {  	v3 =	vld [tilespmem:s21+$0xFE28]  }
0xe9: {  	v4 =	vld [tilespmem:s21+$0x10210]  }
0xea: {  	v5 =	vld [tilespmem:s21+$0x105F8]  }
0xeb: {  	v6 =	vld [tilespmem:s21+$0x109E0]  }
0xec: {  	v0 =	vmov s16;
	v7 =	vld [tilespmem:s21+$0x10DC8]  }
0xed: {  	v9 =	vld [tilespmem:s21+$0x111B0]  }
0xee: {  	v10 =	vld [tilespmem:s21+$0x11598]  }
0xef: {  	v11 =	vld [tilespmem:s21+$0x11980]  }
0xf0: {  	v12 =	vld [tilespmem:s21+$0x11D68]  }
0xf1: {  	v1 =	vld.idx.msk [tilespmem:v0+s21+$0x10 ss:$0x1], $0xffff  }
0xf2: {  	v13 =	vld [tilespmem:s21+$0x12150]  }
0xf3: {  	v14 =	vld [tilespmem:s21+$0x12538]  }
0xf4: {  	v15 =	vld [tilespmem:s21+$0x12920]  }
0xf5: {  	v16 =	vld [tilespmem:s21+$0x12D08]  }
0xf6: {  	v17 =	vld [tilespmem:s21+$0xFA30]  }
0xf7: {  	v22 =	vld [tilespmem:s21+$0xFE18]  }
0xf8: {  	v8 =	vld.idx.msk [tilespmem:v0+s21+$0x0 ss:$0x1], $0xffff;
	v23 =	vmul.f32 v2, v1  }
0xf9: {  	v26 =	vld [tilespmem:s21+$0x11970];
	v24 =	vmul.f32 v3, v1;
	v4 =	vmul.f32 v4, v1  }
0xfa: {  	v63 =	vld [tilespmem:s21+$0x12528];
	v5 =	vmul.f32 v5, v1;
	v6 =	vmul.f32 v6, v1  }
0xfb: {  	v3 =	vld [tilespmem:s21+$0x10200];
	v25 =	vmul.f32 v7, v1;
	v28 =	vmul.f32 v10, v1  }
0xfc: {  	v7 =	vld [tilespmem:s21+$0x105E8];
	v21 =	vmul.f32 v11, v1;
	v19 =	vmul.f32 v13, v1  }
0xfd: {  	v11 =	vld [tilespmem:s21+$0x10DB8];
	v18 =	vmul.f32 v14, v1;
	v13 =	vmul.f32 v17, v8  }
0xfe: {  	v10 =	vld [tilespmem:s21+$0x109D0];
	v2 =	vmul.f32 v15, v1;
	v15 =	vimm.f32 $0.0e+00;
	v14 =	vmul.f32 v22, v8  }
0xff: {  	v9 =	vmul.f32 v9, v1;
	v20 =	vmul.f32 v12, v1;
	v12 =	vld [tilespmem:s21+$0x111A0];
	v13 =	vadd.f32 v13, v15  }
0x100: {  	v17 =	vld [tilespmem:s21+$0x11588];
	v30 =	vmul.f32 v26, v8;
	v33 =	vmul.f32 v63, v8;
	v27 =	vadd.f32 v14, v15  }
0x101: {  	v14 =	vadd.f32 v23, v13;
	v22 =	vmul.f32 v3, v8;
	v7 =	vmul.f32 v7, v8  }
0x102: {  	v23 =	vimm.f32 $0.0e+00;
	v3 =	vmul.f32 v16, v1;
	v16 =	vld [tilespmem:s21+$0x11D58];
	v11 =	vmul.f32 v11, v8  }
0x103: {  	v29 =	vmul.f32 v10, v8;
	v10 =	vadd.f32 v22, v15;
	v7 =	vadd.f32 v7, v15  }
0x104: {  	v13 =	vmul.f32 v12, v8;
	v12 =	vadd.f32 v24, v27;
	v11 =	vadd.f32 v11, v15  }
0x105: {  	v22 =	vld [tilespmem:s21+$0x12140];
	v10 =	vadd.f32 v4, v10;
	v4 =	vmul.f32 v17, v8;
	v7 =	vadd.f32 v5, v7  }
0x106: {  	v26 =	vld [tilespmem:s21+$0x12910];
	v24 =	vimm.f32 $0.0e+00;
	v5 =	vadd.f32 v29, v15;
	v17 =	vadd.f32 v13, v15  }
0x107: {  	v27 =	vld [tilespmem:s21+$0x12CF8];
	v11 =	vadd.f32 v25, v11;
	v32 =	vmul.f32 v16, v8;
	v4 =	vadd.f32 v4, v15  }
0x108: {  	v29 =	vld [tilespmem:s21+$0x130E0];
	v16 =	vimm.f32 $0.0e+00;
	v13 =	vadd.f32 v6, v5;
	v6 =	vadd.f32 v9, v17  }
0x109: {  	v17 =	vimm.f32 $0.0e+00;
	v9 =	vimm.f32 $0.0e+00;
	v4 =	vadd.f32 v28, v4;
	v28 =	vld [tilespmem:s21+$0x134C8]  }
0x10a: {  	s23 =	simm.s32 $0x80;
	s22 =	simm.s32 $0x0;
	v25 =	vld [tilespmem:s21+$0x130F0];
	v5 =	vimm.f32 $0.0e+00;
	v31 =	vmul.f32 v22, v8;
	v22 =	vimm.f32 $0.0e+00  }
.LBB2_7:
0x10b: {  	v15 =	vadd.f32 v30, v15;
	v24 =	vadd.f32 v32, v24;
	v26 =	vmul.f32 v26, v8;
	v30 =	vld [tilespmem:s21+$0x134D8];
	s21 =	sshra.s32 s23, $0x2  }
0x10c: {  	v22 =	vadd.f32 v31, v22;
	v32 =	vld [tilespmem:s21+$0xFA40];
	v23 =	vadd.f32 v33, v23;
	v27 =	vmul.f32 v27, v8  }
0x10d: {  	v31 =	vld [tilespmem:s21+$0xFE28];
	v29 =	vmul.f32 v29, v8;
	v15 =	vadd.f32 v21, v15;
	v24 =	vadd.f32 v20, v24  }
0x10e: {  	v22 =	vadd.f32 v19, v22;
	v20 =	vld [tilespmem:s21+$0x10210];
	v8 =	vmul.f32 v28, v8;
	v23 =	vadd.f32 v18, v23  }
0x10f: {  	v17 =	vadd.f32 v26, v17;
	v16 =	vadd.f32 v27, v16;
	v18 =	vld [tilespmem:s21+$0x105F8];
	v19 =	vmul.f32 v25, v1  }
0x110: {  	v9 =	vadd.f32 v29, v9;
	v21 =	vld [tilespmem:s21+$0x109E0];
	v5 =	vadd.f32 v8, v5;
	v1 =	vmul.f32 v30, v1  }
0x111: {  	v17 =	vadd.f32 v2, v17;
	v16 =	vadd.f32 v3, v16;
	v25 =	vld [tilespmem:s21+$0x10DC8]  }
0x112: {  	v9 =	vadd.f32 v19, v9;
	v2 =	vld [tilespmem:s21+$0x111B0];
	v5 =	vadd.f32 v1, v5  }
0x113: {  	v3 =	vld [tilespmem:s21+$0x11598]  }
0x114: {  	v19 =	vld [tilespmem:s21+$0x11980]  }
0x115: {  	v26 =	vld [tilespmem:s21+$0x11D68]  }
0x116: {  	v1 =	vld.idx.msk [tilespmem:v0+s21+$0x10 ss:$0x1], $0xffff  }
0x117: {  	v27 =	vld [tilespmem:s21+$0x12150]  }
0x118: {  	v28 =	vld [tilespmem:s21+$0x12538]  }
0x119: {  	v29 =	vld [tilespmem:s21+$0x12920]  }
0x11a: {  	v30 =	vld [tilespmem:s21+$0x12D08]  }
0x11b: {  	v33 =	vld [tilespmem:s21+$0xFA30]  }
0x11c: {  	v32 =	vmul.f32 v32, v1;
	v31 =	vmul.f32 v31, v1;
	v34 =	vld [tilespmem:s21+$0xFE18]  }
0x11d: {  	v35 =	vmul.f32 v20, v1;
	v36 =	vmul.f32 v18, v1;
	v8 =	vld.idx.msk [tilespmem:v0+s21+$0x0 ss:$0x1], $0xffff  }
0x11e: {  	v38 =	vmul.f32 v21, v1;
	v25 =	vmul.f32 v25, v1;
	v37 =	vld [tilespmem:s21+$0x10200]  }
0x11f: {  	v40 =	vmul.f32 v2, v1;
	v41 =	vmul.f32 v3, v1;
	v39 =	vld [tilespmem:s21+$0x105E8]  }
0x120: {  	v21 =	vmul.f32 v19, v1;
	v20 =	vmul.f32 v26, v1;
	v42 =	vld [tilespmem:s21+$0x109D0]  }
0x121: {  	v19 =	vmul.f32 v27, v1;
	v18 =	vmul.f32 v28, v1;
	v26 =	vld [tilespmem:s21+$0x10DB8]  }
0x122: {  	v2 =	vmul.f32 v29, v1;
	v3 =	vmul.f32 v30, v1;
	v27 =	vld [tilespmem:s21+$0x111A0]  }
0x123: {  	v28 =	vmul.f32 v33, v8;
	v29 =	vmul.f32 v34, v8;
	v30 =	vld [tilespmem:s21+$0x11588]  }
0x124: {  	v33 =	vmul.f32 v37, v8;
	v34 =	vmul.f32 v39, v8;
	v37 =	vld [tilespmem:s21+$0x11970]  }
0x125: {  	v14 =	vadd.f32 v28, v14;
	v12 =	vadd.f32 v29, v12;
	v28 =	vmul.f32 v42, v8;
	v29 =	vld [tilespmem:s21+$0x11D58]  }
0x126: {  	s22 =	sadd.s32 $0x2, s22;
	v10 =	vadd.f32 v33, v10;
	v7 =	vadd.f32 v34, v7;
	v33 =	vmul.f32 v26, v8;
	v34 =	vld [tilespmem:s21+$0x12140]  }
0x127: {  	p0 =	slt.u32 s22, $0x3C;
	v14 =	vadd.f32 v32, v14;
	v12 =	vadd.f32 v31, v12;
	v39 =	vmul.f32 v27, v8;
	v42 =	vld [tilespmem:s21+$0x12528]  }
.Ltmp2:
0x128: {  	v10 =	vadd.f32 v35, v10;
	v31 =	vmul.f32 v30, v8;
	v26 =	vld [tilespmem:s21+$0x12910];
	v7 =	vadd.f32 v36, v7;
	(pc) =	sbr.rel @p0 .LBB2_7-.Ltmp2, $4  }
0x129: {  	v13 =	vadd.f32 v28, v13;
	v11 =	vadd.f32 v33, v11;
	v30 =	vmul.f32 v37, v8;
	v27 =	vld [tilespmem:s21+$0x12CF8]  }
0x12a: {  	v6 =	vadd.f32 v39, v6;
	v4 =	vadd.f32 v31, v4;
	v32 =	vmul.f32 v29, v8;
	v29 =	vld [tilespmem:s21+$0x130E0]  }
0x12b: {  	v13 =	vadd.f32 v38, v13;
	v11 =	vadd.f32 v25, v11;
	v31 =	vmul.f32 v34, v8;
	v28 =	vld [tilespmem:s21+$0x134C8]  }
0x12c: {  	s23 =	sadd.s32 $0x80, s23;
	v6 =	vadd.f32 v40, v6;
	v33 =	vmul.f32 v42, v8;
	v4 =	vadd.f32 v41, v4;
	v25 =	vld [tilespmem:s21+$0x130F0]  }
0x12d: {  	v35 =	vld [tilespmem:s19+$0x408]  }
0x12e: {  	v36 =	vld [tilespmem:$0xFE08]  }
0x12f: {  	v37 =	vld [tilespmem:$0x101F0]  }
0x130: {  	v38 =	vld [tilespmem:$0x105D8]  }
0x131: {  	v15 =	vadd.f32 v30, v15;
	v24 =	vadd.f32 v32, v24;
	v60 =	vld [tilespmem:$0x11190]  }
0x132: {  	v30 =	vld [tilespmem:$0x109C0];
	v22 =	vadd.f32 v31, v22;
	v26 =	vmul.f32 v26, v8;
	v23 =	vadd.f32 v33, v23  }
0x133: {  	v59 =	vld [tilespmem:$0x10DA8];
	v27 =	vmul.f32 v27, v8;
	v15 =	vadd.f32 v21, v15;
	v31 =	vsel vm0, $0x0, v35  }
0x134: {  	v61 =	vld [tilespmem:$0x11578];
	v20 =	vadd.f32 v20, v24;
	v29 =	vmul.f32 v29, v8;
	v21 =	vmul.f32 v31, v36  }
0x135: {  	v62 =	vld [tilespmem:$0x11960];
	v19 =	vadd.f32 v19, v22;
	v8 =	vmul.f32 v28, v8;
	v24 =	vmul.f32 v37, v31  }
0x136: {  	v28 =	vld [tilespmem:$0x11D48];
	v22 =	vmul.f32 v60, v31;
	v14 =	vadd.f32 v21, v14;
	v21 =	vmul.f32 v38, v31  }
0x137: {  	v18 =	vadd.f32 v18, v23;
	v23 =	vld [tilespmem:$0x12518];
	v12 =	vadd.f32 v24, v12;
	v24 =	vmul.f32 v30, v31  }
0x138: {  	v34 =	vld [tilespmem:s21+$0x134D8];
	v11 =	vadd.f32 v22, v11;
	v10 =	vadd.f32 v21, v10;
	v21 =	vmul.f32 v59, v31;
	[tilespmem:$0x17930] =	vst v14  }
0x139: {  	v14 =	vld [tilespmem:$0x12130];
	v7 =	vadd.f32 v24, v7;
	[tilespmem:$0x17940] =	vst v12;
	v12 =	vadd.f32 v26, v17;
	v17 =	vmul.f32 v61, v31  }
0x13a: {  	v24 =	vld [tilespmem:$0x130D0];
	v13 =	vadd.f32 v21, v13;
	[tilespmem:$0x17950] =	vst v10;
	v10 =	vadd.f32 v27, v16  }
0x13b: {  	v22 =	vld [tilespmem:$0x12CE8];
	[tilespmem:$0x17980] =	vst v11;
	v16 =	vmul.f32 v62, v31;
	v6 =	vadd.f32 v17, v6;
	v17 =	vmul.f32 v28, v31  }
0x13c: {  	v5 =	vadd.f32 v8, v5;
	v11 =	vmul.f32 v23, v31;
	v21 =	vld [tilespmem:$0x12900];
	[tilespmem:$0x17960] =	vst v7  }
0x13d: {  	v7 =	vmul.f32 v25, v1;
	[tilespmem:$0x17970] =	vst v13;
	v4 =	vadd.f32 v16, v4;
	v8 =	vadd.f32 v17, v15;
	v15 =	vld [tilespmem:$0x138A0]  }
0x13e: {  	v1 =	vmul.f32 v34, v1;
	[tilespmem:$0x17990] =	vst v6;
	v13 =	vmul.f32 v14, v31;
	v14 =	vld [tilespmem:$0x134B8]  }
0x13f: {  	v3 =	vadd.f32 v3, v10;
	v10 =	vmul.f32 v24, v31;
	[tilespmem:$0x179A0] =	vst v4;
	v4 =	vadd.f32 v11, v19  }
0x140: {  	v2 =	vadd.f32 v2, v12;
	v11 =	vmul.f32 v22, v31;
	[tilespmem:$0x179B0] =	vst v8;
	v6 =	vadd.f32 v13, v20  }
0x141: {  	v9 =	vadd.f32 v29, v9;
	v13 =	vmul.f32 v21, v31;
	v3 =	vadd.f32 v10, v3;
	[tilespmem:$0x179D0] =	vst v4  }
0x142: {  	v1 =	vadd.f32 v1, v5;
	v2 =	vadd.f32 v11, v2;
	[tilespmem:$0x179C0] =	vst v6;
	v4 =	vmul.f32 v15, v31  }
0x143: {  	v8 =	vadd.f32 v13, v18;
	v6 =	vadd.f32 v7, v9;
	[tilespmem:$0x17A00] =	vst v3;
	v7 =	vmul.f32 v14, v31  }
0x144: {  	[tilespmem:$0x179F0] =	vst v2;
	v1 =	vadd.f32 v4, v1  }
0x145: {  	s20 =	sadd.s32 $0xBB80, s20;
	[tilespmem:$0x179E0] =	vst v8;
	v5 =	vadd.f32 v7, v6  }
0x146: {  	s20 =	sshrl.u32 s20, $0x3;
	[tilespmem:$0x17A20] =	vst v1  }
0x147: {  	s31 =	simm.s32 $0x0;
	s20 =	sadd.s32 s4, s20;
	[tilespmem:$0x17A10] =	vst v5  }
0x148: {  	[tilespmem:s13], [sflag:$0x1] =	stream.linear.gather [hbm4b:s20+s31], $0x3E80, $0x38;
	[tilespmem:$0x17B30] =	vst v63  }
0x149: {  	_ =	swait.ge [sflag:s9], $0x3E80  }
0x14a: {  	[sflag:s9] =	ssyncset.done $0x0  }
0x14b: {  	s20 =	simm.s32 $0x0;
	[sflag:s9] =	ssyncadd.s32 $0xFFFFC180  }
0x14c: {  	v2 =	vld [tilespmem:s20+$0x138C0]  }
0x14d: {  	v3 =	vld [tilespmem:s20+$0x13CA8]  }
0x14e: {  	v4 =	vld [tilespmem:s20+$0x14090]  }
0x14f: {  	v5 =	vld [tilespmem:s20+$0x14478]  }
0x150: {  	v6 =	vld [tilespmem:s20+$0x14860]  }
0x151: {  	v7 =	vld [tilespmem:s20+$0x14C48]  }
0x152: {  	v9 =	vld [tilespmem:s20+$0x15030]  }
0x153: {  	v10 =	vld [tilespmem:s20+$0x15418]  }
0x154: {  	v11 =	vld [tilespmem:s20+$0x15800]  }
0x155: {  	v12 =	vld [tilespmem:s20+$0x15BE8]  }
0x156: {  	v1 =	vld.idx.msk [tilespmem:v0+s20+$0x10 ss:$0x1], $0xffff  }
0x157: {  	v13 =	vld [tilespmem:s20+$0x15FD0]  }
0x158: {  	v14 =	vld [tilespmem:s20+$0x163B8]  }
0x159: {  	v15 =	vld [tilespmem:s20+$0x167A0]  }
0x15a: {  	v16 =	vld [tilespmem:s20+$0x16B88]  }
0x15b: {  	v17 =	vld [tilespmem:s20+$0x138B0]  }
0x15c: {  	v22 =	vld [tilespmem:s20+$0x13C98]  }
0x15d: {  	v8 =	vld.idx.msk [tilespmem:v0+s20+$0x0 ss:$0x1], $0xffff;
	v23 =	vmul.f32 v2, v1  }
0x15e: {  	v26 =	vld [tilespmem:s20+$0x157F0];
	v24 =	vmul.f32 v3, v1;
	v4 =	vmul.f32 v4, v1  }
0x15f: {  	v63 =	vld [tilespmem:s20+$0x163A8];
	v5 =	vmul.f32 v5, v1;
	v6 =	vmul.f32 v6, v1  }
0x160: {  	v3 =	vld [tilespmem:s20+$0x14080];
	v25 =	vmul.f32 v7, v1;
	v28 =	vmul.f32 v10, v1  }
0x161: {  	v7 =	vld [tilespmem:s20+$0x14468];
	v21 =	vmul.f32 v11, v1;
	v19 =	vmul.f32 v13, v1  }
0x162: {  	v11 =	vld [tilespmem:s20+$0x14C38];
	v18 =	vmul.f32 v14, v1;
	v13 =	vmul.f32 v17, v8  }
0x163: {  	v10 =	vld [tilespmem:s20+$0x14850];
	v2 =	vmul.f32 v15, v1;
	v15 =	vimm.f32 $0.0e+00;
	v14 =	vmul.f32 v22, v8  }
0x164: {  	v9 =	vmul.f32 v9, v1;
	v20 =	vmul.f32 v12, v1;
	v12 =	vld [tilespmem:s20+$0x15020];
	v13 =	vadd.f32 v13, v15  }
0x165: {  	v17 =	vld [tilespmem:s20+$0x15408];
	v30 =	vmul.f32 v26, v8;
	v33 =	vmul.f32 v63, v8;
	v27 =	vadd.f32 v14, v15  }
0x166: {  	v14 =	vadd.f32 v23, v13;
	v22 =	vmul.f32 v3, v8;
	v7 =	vmul.f32 v7, v8  }
0x167: {  	v23 =	vimm.f32 $0.0e+00;
	v3 =	vmul.f32 v16, v1;
	v16 =	vld [tilespmem:s20+$0x15BD8];
	v11 =	vmul.f32 v11, v8  }
0x168: {  	v29 =	vmul.f32 v10, v8;
	v10 =	vadd.f32 v22, v15;
	v7 =	vadd.f32 v7, v15  }
0x169: {  	v13 =	vmul.f32 v12, v8;
	v12 =	vadd.f32 v24, v27;
	v11 =	vadd.f32 v11, v15  }
0x16a: {  	v22 =	vld [tilespmem:s20+$0x15FC0];
	v10 =	vadd.f32 v4, v10;
	v4 =	vmul.f32 v17, v8;
	v7 =	vadd.f32 v5, v7  }
0x16b: {  	v26 =	vld [tilespmem:s20+$0x16790];
	v24 =	vimm.f32 $0.0e+00;
	v5 =	vadd.f32 v29, v15;
	v17 =	vadd.f32 v13, v15  }
0x16c: {  	v27 =	vld [tilespmem:s20+$0x16B78];
	v11 =	vadd.f32 v25, v11;
	v32 =	vmul.f32 v16, v8;
	v4 =	vadd.f32 v4, v15  }
0x16d: {  	v29 =	vld [tilespmem:s20+$0x16F60];
	v16 =	vimm.f32 $0.0e+00;
	v13 =	vadd.f32 v6, v5;
	v6 =	vadd.f32 v9, v17  }
0x16e: {  	v17 =	vimm.f32 $0.0e+00;
	v9 =	vimm.f32 $0.0e+00;
	v4 =	vadd.f32 v28, v4;
	v28 =	vld [tilespmem:s20+$0x17348]  }
0x16f: {  	s21 =	simm.s32 $0x0;
	s22 =	simm.s32 $0x80;
	v25 =	vld [tilespmem:s20+$0x16F70];
	v5 =	vimm.f32 $0.0e+00;
	v31 =	vmul.f32 v22, v8;
	v22 =	vimm.f32 $0.0e+00  }
.LBB2_9:
0x170: {  	v15 =	vadd.f32 v30, v15;
	v24 =	vadd.f32 v32, v24;
	v26 =	vmul.f32 v26, v8;
	v30 =	vld [tilespmem:s20+$0x17358];
	s20 =	sshra.s32 s22, $0x2  }
0x171: {  	v22 =	vadd.f32 v31, v22;
	v32 =	vld [tilespmem:s20+$0x138C0];
	v23 =	vadd.f32 v33, v23;
	v27 =	vmul.f32 v27, v8  }
0x172: {  	v31 =	vld [tilespmem:s20+$0x13CA8];
	v29 =	vmul.f32 v29, v8;
	v15 =	vadd.f32 v21, v15;
	v24 =	vadd.f32 v20, v24  }
0x173: {  	v22 =	vadd.f32 v19, v22;
	v20 =	vld [tilespmem:s20+$0x14090];
	v8 =	vmul.f32 v28, v8;
	v23 =	vadd.f32 v18, v23  }
0x174: {  	v17 =	vadd.f32 v26, v17;
	v16 =	vadd.f32 v27, v16;
	v18 =	vld [tilespmem:s20+$0x14478];
	v19 =	vmul.f32 v25, v1  }
0x175: {  	v9 =	vadd.f32 v29, v9;
	v21 =	vld [tilespmem:s20+$0x14860];
	v5 =	vadd.f32 v8, v5;
	v1 =	vmul.f32 v30, v1  }
0x176: {  	v17 =	vadd.f32 v2, v17;
	v16 =	vadd.f32 v3, v16;
	v25 =	vld [tilespmem:s20+$0x14C48]  }
0x177: {  	v9 =	vadd.f32 v19, v9;
	v2 =	vld [tilespmem:s20+$0x15030];
	v5 =	vadd.f32 v1, v5  }
0x178: {  	v3 =	vld [tilespmem:s20+$0x15418]  }
0x179: {  	v19 =	vld [tilespmem:s20+$0x15800]  }
0x17a: {  	v26 =	vld [tilespmem:s20+$0x15BE8]  }
0x17b: {  	v1 =	vld.idx.msk [tilespmem:v0+s20+$0x10 ss:$0x1], $0xffff  }
0x17c: {  	v27 =	vld [tilespmem:s20+$0x15FD0]  }
0x17d: {  	v28 =	vld [tilespmem:s20+$0x163B8]  }
0x17e: {  	v29 =	vld [tilespmem:s20+$0x167A0]  }
0x17f: {  	v30 =	vld [tilespmem:s20+$0x16B88]  }
0x180: {  	v33 =	vld [tilespmem:s20+$0x138B0]  }
0x181: {  	v32 =	vmul.f32 v32, v1;
	v31 =	vmul.f32 v31, v1;
	v34 =	vld [tilespmem:s20+$0x13C98]  }
0x182: {  	v35 =	vmul.f32 v20, v1;
	v36 =	vmul.f32 v18, v1;
	v8 =	vld.idx.msk [tilespmem:v0+s20+$0x0 ss:$0x1], $0xffff  }
0x183: {  	v38 =	vmul.f32 v21, v1;
	v25 =	vmul.f32 v25, v1;
	v37 =	vld [tilespmem:s20+$0x14080]  }
0x184: {  	v40 =	vmul.f32 v2, v1;
	v41 =	vmul.f32 v3, v1;
	v39 =	vld [tilespmem:s20+$0x14468]  }
0x185: {  	v21 =	vmul.f32 v19, v1;
	v20 =	vmul.f32 v26, v1;
	v42 =	vld [tilespmem:s20+$0x14850]  }
0x186: {  	v19 =	vmul.f32 v27, v1;
	v18 =	vmul.f32 v28, v1;
	v26 =	vld [tilespmem:s20+$0x14C38]  }
0x187: {  	v2 =	vmul.f32 v29, v1;
	v3 =	vmul.f32 v30, v1;
	v27 =	vld [tilespmem:s20+$0x15020]  }
0x188: {  	v28 =	vmul.f32 v33, v8;
	v29 =	vmul.f32 v34, v8;
	v30 =	vld [tilespmem:s20+$0x15408]  }
0x189: {  	v33 =	vmul.f32 v37, v8;
	v34 =	vmul.f32 v39, v8;
	v37 =	vld [tilespmem:s20+$0x157F0]  }
0x18a: {  	v14 =	vadd.f32 v28, v14;
	v12 =	vadd.f32 v29, v12;
	v28 =	vmul.f32 v42, v8;
	v29 =	vld [tilespmem:s20+$0x15BD8]  }
0x18b: {  	s21 =	sadd.s32 $0x2, s21;
	v10 =	vadd.f32 v33, v10;
	v7 =	vadd.f32 v34, v7;
	v33 =	vmul.f32 v26, v8;
	v34 =	vld [tilespmem:s20+$0x15FC0]  }
0x18c: {  	p0 =	slt.u32 s21, $0x3C;
	v14 =	vadd.f32 v32, v14;
	v12 =	vadd.f32 v31, v12;
	v39 =	vmul.f32 v27, v8;
	v42 =	vld [tilespmem:s20+$0x163A8]  }
.Ltmp3:
0x18d: {  	v10 =	vadd.f32 v35, v10;
	v31 =	vmul.f32 v30, v8;
	v26 =	vld [tilespmem:s20+$0x16790];
	v7 =	vadd.f32 v36, v7;
	(pc) =	sbr.rel @p0 .LBB2_9-.Ltmp3, $4  }
0x18e: {  	v13 =	vadd.f32 v28, v13;
	v11 =	vadd.f32 v33, v11;
	v30 =	vmul.f32 v37, v8;
	v27 =	vld [tilespmem:s20+$0x16B78]  }
0x18f: {  	v6 =	vadd.f32 v39, v6;
	v4 =	vadd.f32 v31, v4;
	v32 =	vmul.f32 v29, v8;
	v29 =	vld [tilespmem:s20+$0x16F60]  }
0x190: {  	v13 =	vadd.f32 v38, v13;
	v11 =	vadd.f32 v25, v11;
	v31 =	vmul.f32 v34, v8;
	v28 =	vld [tilespmem:s20+$0x17348]  }
0x191: {  	s22 =	sadd.s32 $0x80, s22;
	v6 =	vadd.f32 v40, v6;
	v33 =	vmul.f32 v42, v8;
	v4 =	vadd.f32 v41, v4;
	v25 =	vld [tilespmem:s20+$0x16F70]  }
0x192: {  	v0 =	vld [tilespmem:s20+$0x17358]  }
0x193: {  	v34 =	vld [tilespmem:s19+$0x408]  }
0x194: {  	v35 =	vld [tilespmem:$0x13C88]  }
0x195: {  	v36 =	vld [tilespmem:$0x14070]  }
0x196: {  	v37 =	vld [tilespmem:$0x14458]  }
0x197: {  	v15 =	vadd.f32 v30, v15;
	v24 =	vadd.f32 v32, v24;
	v55 =	vld [tilespmem:$0x14840]  }
0x198: {  	v22 =	vadd.f32 v31, v22;
	v56 =	vld [tilespmem:$0x14C28];
	v26 =	vmul.f32 v26, v8;
	v31 =	vsel vm0, $0x0, v34  }
0x199: {  	v58 =	vld [tilespmem:$0x15010];
	v23 =	vadd.f32 v33, v23;
	v27 =	vmul.f32 v27, v8;
	v57 =	vmul.f32 v31, v35  }
0x19a: {  	v60 =	vld [tilespmem:$0x153F8];
	v20 =	vadd.f32 v20, v24;
	v29 =	vmul.f32 v29, v8;
	v59 =	vmul.f32 v36, v31  }
0x19b: {  	v62 =	vld [tilespmem:$0x157E0];
	v19 =	vadd.f32 v19, v22;
	v61 =	vmul.f32 v37, v31;
	v14 =	vadd.f32 v57, v14  }
0x19c: {  	v39 =	vld [tilespmem:$0x15FB0];
	v42 =	vadd.f32 v26, v17;
	v36 =	vmul.f32 v55, v31;
	v12 =	vadd.f32 v59, v12  }
0x19d: {  	v41 =	vld [tilespmem:$0x16398];
	v63 =	vmul.f32 v28, v8;
	v38 =	vmul.f32 v56, v31;
	v10 =	vadd.f32 v61, v10;
	[tilespmem:$0x17A30] =	vst v14  }
0x19e: {  	v50 =	vld [tilespmem:$0x16F50];
	v18 =	vadd.f32 v18, v23;
	v40 =	vmul.f32 v58, v31;
	v7 =	vadd.f32 v36, v7;
	[tilespmem:$0x17A40] =	vst v12  }
0x19f: {  	v44 =	vld [tilespmem:$0x16780];
	v45 =	vadd.f32 v27, v16;
	v43 =	vmul.f32 v60, v31;
	v13 =	vadd.f32 v38, v13;
	[tilespmem:$0x17A50] =	vst v10  }
0x1a0: {  	v47 =	vld [tilespmem:$0x16B68];
	v48 =	vmul.f32 v25, v1;
	v46 =	vmul.f32 v62, v31;
	v11 =	vadd.f32 v40, v11;
	[tilespmem:$0x17A60] =	vst v7  }
0x1a1: {  	v52 =	vld [tilespmem:$0x17338];
	v9 =	vadd.f32 v29, v9;
	v51 =	vmul.f32 v39, v31;
	v6 =	vadd.f32 v43, v6;
	[tilespmem:$0x17A70] =	vst v13  }
0x1a2: {  	v2 =	vadd.f32 v2, v42;
	v37 =	vld [tilespmem:$0x15BC8];
	v54 =	vmul.f32 v41, v31;
	v4 =	vadd.f32 v46, v4;
	[tilespmem:$0x17A80] =	vst v11  }
0x1a3: {  	v3 =	vadd.f32 v3, v45;
	v55 =	vld [tilespmem:$0x17720];
	v60 =	vmul.f32 v50, v31;
	v56 =	vadd.f32 v51, v20;
	[tilespmem:$0x17A90] =	vst v6  }
0x1a4: {  	v5 =	vadd.f32 v63, v5;
	v57 =	vmul.f32 v44, v31;
	v58 =	vadd.f32 v54, v19;
	[tilespmem:$0x17AA0] =	vst v4  }
0x1a5: {  	v0 =	vmul.f32 v0, v1;
	v59 =	vmul.f32 v47, v31;
	v3 =	vadd.f32 v60, v3;
	[tilespmem:$0x17AC0] =	vst v56  }
0x1a6: {  	v62 =	vmul.f32 v52, v31;
	v61 =	vadd.f32 v48, v9;
	v6 =	vadd.f32 v57, v18;
	[tilespmem:$0x17AD0] =	vst v58  }
0x1a7: {  	v15 =	vadd.f32 v21, v15;
	v2 =	vadd.f32 v59, v2;
	[tilespmem:$0x17B00] =	vst v3;
	v49 =	vmul.f32 v37, v31  }
0x1a8: {  	v0 =	vadd.f32 v0, v5;
	v1 =	vadd.f32 v62, v61;
	v63 =	vmul.f32 v55, v31;
	[tilespmem:$0x17AE0] =	vst v6  }
0x1a9: {  	[tilespmem:$0x17AF0] =	vst v2;
	v53 =	vadd.f32 v49, v15  }
0x1aa: {  	s31 =	sadd.s32 s3, s18;
	s18 =	sadd.s32 $0x1, s18;
	[tilespmem:$0x17B10] =	vst v1;
	v0 =	vadd.f32 v63, v0  }
0x1ab: {  	s19 =	sshll.u32 s31, $0x7;
	p0 =	sne.s32 s18, $0x20;
	[tilespmem:$0x17AB0] =	vst v53  }
.Ltmp4:
0x1ac: {  	s19 =	sadd.s32 s5, s19;
	[tilespmem:$0x17B20] =	vst v0;
	(pc) =	sbr.rel @p0 .LBB2_2-.Ltmp4, $4  }
0x1ad: {  	[hbm4b:s19+s2] =	stream.linear.scatter [tilespmem:s14], [sflag:$0x1], $0x400, $0x38;
	[tilespmem:$0x17B30] =	vst v63  }
0x1ae: {  	_ =	swait.ge [sflag:s9], $0x400  }
0x1af: {  	[sflag:s9] =	ssyncset.done $0x0  }
0x1b0: {  	s17 =	sadd.s32 $0x3E8, s17;
	s16 =	sadd.s32 $0x3E8, s16;
	[sflag:s9] =	ssyncadd.s32 $0xFFFFFC00  }
0x1b1: {  	s15 =	sadd.s32 $0x1, s15  }
0x1b2: {  	p0 =	sne.s32 s15, s8  }
.Ltmp5:
0x1b3: {  	_ = 	snop;
	(pc) =	sbr.rel @p0 .LBB2_1-.Ltmp5, $1  }
0x1b4: {  	_ =	sdelay $0x3  }
0x1b5: {  	_ =	sfence.sel $0x180000  }
0x1b6: {  	[bflag:$0x0] =	sbarrier.arrive $0xFFFF  }
0x1b7: {  	p0 =	sne.s32 s0, $0x0;
	_ =	strace $0x90000047  }
0x1b8: {  	s0 =	sadd.s32 @!p0 $0x100000, s1;
	[bflag:$0x2] =	sbarrier.arrive $0xFFFF  }
0x1b9: {  	[sflag:s0] =	ssyncadd.tile.s32 @!p0 $0x1;
	_ =	shalt  }
.Lfunc_end2:
_tile_overlayer_lowered:
.L_overlay_start_2:
0x1ba: {  	(tag) =	ssettag $0x2  }
0x1bb: {  	s0 =	rddreg [dreg:$0x0];
	s2 =	stileid.u32  }
0x1bc: {  	s1 =	rddreg [dreg:$0x1];
	p0 =	sne.s32 s2, $0x0  }
0x1bd: {  	s3 =	rddreg [dreg:$0x2];
	[bflag:$0x3] =	sbarrier.arrive $0xFFFF;
	s2 =	simm.s32 @!p0 $0x1C01  }
0x1be: {  	[timem:s3], [sflag:s2] =	dma.local @!p0 [hbm:s0], s1  }
0x1bf: {  	s0 =	simm.s32 @!p0 $0x1  }
0x1c0: {  	_ =	swait.ge @!p0 [sflag:s0], s1  }
0x1c1: {  	s1 =	ssub.s32 @!p0 $0x0, s1;
	[sflag:s0] =	ssyncset.done @!p0 $0x0  }
0x1c2: {  	[sflag:s0] =	ssyncadd.s32 @!p0 s1  }
0x1c3: {  	[bflag:$0x3] =	sbarrier.arrive $0xFFFF  }
0x1c4: {  	_ =	shalt  }

</sc_bundles>
